<compile_context>
chip_gen: v7x
topology: tpu7x:2x2x1
jax: 0.10.2.dev20260603
libtpu: 0.0.44.dev20260713+nightly
codegen_flags: <defaults>
</compile_context>

<pallas_src>
import functools

import jax
import jax.numpy as jnp
from jax import lax
from jax.experimental import pallas as pl
from jax.experimental.pallas import tpu as pltpu
from jax.experimental.pallas import tpu_sc as plsc

N_BLK = 1000
E_BLK = 640

_NC, _NS = 2, 16
_NW = _NC * _NS
_GK = 128
_GCH = 40
E_PAD = _NW * _GCH * _GK


def _gather_body(a_hbm, q_hbm, src_hbm, dst_hbm, diff_hbm,
                 idx_s, idx_d, buf_a, buf_q, sem_a, sem_q):
    wid = lax.axis_index("s") * _NC + lax.axis_index("c")

    def chunk(j, carry):
        e0 = (wid * _GCH + j) * _GK
        pltpu.sync_copy(src_hbm.at[pl.ds(e0, _GK)], idx_s)
        pltpu.sync_copy(dst_hbm.at[pl.ds(e0, _GK)], idx_d)
        ca = pltpu.async_copy(a_hbm.at[idx_s], buf_a, sem_a)
        cq = pltpu.async_copy(q_hbm.at[idx_d], buf_q, sem_q)
        ca.wait()
        cq.wait()

        def sub(r, carry2):
            for i in range(16):
                a = buf_a[r, pl.ds(i * 16, 16)]
                q = buf_q[r, pl.ds(i * 16, 16)]
                buf_a[r, pl.ds(i * 16, 16)] = a - q
            return carry2

        lax.fori_loop(0, _GK, sub, 0)
        pltpu.sync_copy(buf_a, diff_hbm.at[pl.ds(e0, _GK)])
        return carry

    lax.fori_loop(0, _GCH, chunk, 0)


def _edge_gather(A, Q, srcp, dstp):
    c = A.shape[1]
    fn = pl.kernel(
        _gather_body,
        mesh=plsc.VectorSubcoreMesh(core_axis_name="c", subcore_axis_name="s"),
        out_type=jax.ShapeDtypeStruct((E_PAD, c), jnp.float32),
        scratch_types=[
            pltpu.VMEM((_GK,), jnp.int32),
            pltpu.VMEM((_GK,), jnp.int32),
            pltpu.VMEM((_GK, c), jnp.float32),
            pltpu.VMEM((_GK, c), jnp.float32),
            pltpu.SemaphoreType.DMA,
            pltpu.SemaphoreType.DMA,
        ],
    )
    return fn(A, Q, srcp, dstp)


def _node_prep_kernel(ivf_ref, xyzp_ref, w1a_ref, w1b_ref, b1_ref, a_ref, q_ref):
    q = jnp.dot(xyzp_ref[...], w1b_ref[...], preferred_element_type=jnp.float32)
    a = jnp.dot(ivf_ref[...], w1a_ref[...], preferred_element_type=jnp.float32)
    a_ref[...] = a + q + b1_ref[...]
    q_ref[...] = q


def _node_prep(ivf, xyzp, w1aT, w1bpT, b1):
    n = ivf.shape[0]
    c = ivf.shape[1]
    grid = (n // N_BLK,)
    return pl.pallas_call(
        _node_prep_kernel,
        grid=grid,
        in_specs=[
            pl.BlockSpec((N_BLK, c), lambda i: (i, 0)),
            pl.BlockSpec((N_BLK, 128), lambda i: (i, 0)),
            pl.BlockSpec((c, c), lambda i: (0, 0)),
            pl.BlockSpec((128, c), lambda i: (0, 0)),
            pl.BlockSpec((1, c), lambda i: (0, 0)),
        ],
        out_specs=[
            pl.BlockSpec((N_BLK, c), lambda i: (i, 0)),
            pl.BlockSpec((N_BLK, c), lambda i: (i, 0)),
        ],
        out_shape=[
            jax.ShapeDtypeStruct((n, c), jnp.float32),
            jax.ShapeDtypeStruct((n, c), jnp.float32),
        ],
    )(ivf, xyzp, w1aT, w1bpT, b1)


_NEG = -3.0e38
_NR = 320
_DCH = 640
_SCH = 250


def _scatter_body(h1_hbm, dst_hbm, out_hbm, dstbuf, rowsbuf, agg_l, ridx, sem):
    wid = lax.axis_index("s") * _NC + lax.axis_index("c")
    lo = wid * _NR

    def init(i, carry):
        agg_l[pl.ds(i * 16, 16)] = jnp.full((16,), _NEG, dtype=jnp.float32)
        return carry

    lax.fori_loop(0, _NR * 256 // 16, init, 0)

    def chunk(j, carry):
        e0 = j * _DCH
        pltpu.sync_copy(dst_hbm.at[pl.ds(e0, _DCH)], dstbuf)

        def sub(s, carry_s):
            def grp(t, cnt_t):
                dvec = dstbuf[pl.ds(s * _GK + t * 16, 16)]
                c2 = cnt_t
                for l in range(16):
                    d = dvec[l]
                    hit = (d >= lo) & (d < lo + _NR)

                    @pl.when(hit)
                    def _(d=d, l=l, c2=c2):
                        pltpu.async_copy(
                            h1_hbm.at[pl.ds(
                                (e0 + s * _GK + t * 16 + l) * 256, 256)],
                            rowsbuf.at[pl.ds(c2 * 256, 256)], sem)
                        ridx[c2] = d - lo

                    c2 = jnp.where(hit, c2 + 1, c2)
                return c2

            cnt = lax.fori_loop(0, _GK // 16, grp, 0)

            def drain(k, carry2):
                pltpu.make_async_copy(h1_hbm.at[pl.ds(0, 256)],
                                      rowsbuf.at[pl.ds(0, 256)], sem).wait()
                return carry2

            lax.fori_loop(0, cnt, drain, 0)

            def acc(k, carry3):
                r = ridx[k]
                for i in range(16):
                    cur = agg_l[pl.ds(r * 256 + i * 16, 16)]
                    v = rowsbuf[pl.ds(k * 256 + i * 16, 16)]
                    agg_l[pl.ds(r * 256 + i * 16, 16)] = jnp.where(
                        v > cur, v, cur)
                return carry3

            lax.fori_loop(0, cnt, acc, 0)
            return carry_s

        lax.fori_loop(0, _DCH // _GK, sub, 0)
        return carry

    lax.fori_loop(0, _SCH, chunk, 0)
    pltpu.sync_copy(agg_l, out_hbm.at[pl.ds(wid * _NR * 256, _NR * 256)])


def _scatter_max(h, dst):
    h1 = h.reshape(E_PAD * 256)
    fn = pl.kernel(
        _scatter_body,
        mesh=plsc.VectorSubcoreMesh(core_axis_name="c", subcore_axis_name="s"),
        out_type=jax.ShapeDtypeStruct((32 * _NR * 256,), jnp.float32),
        scratch_types=[
            pltpu.VMEM((_DCH,), jnp.int32),
            pltpu.VMEM((_GK * 256,), jnp.float32),
            pltpu.VMEM((_NR * 256,), jnp.float32),
            pltpu.SMEM((_GK,), jnp.int32),
            pltpu.SemaphoreType.DMA,
        ],
    )
    raw = fn(h1, dst)
    return raw.reshape(32 * _NR, 256)[:10000]


def _edge_ln_kernel(diff_ref, g_ref, be_ref, h_ref):
    x = jnp.maximum(diff_ref[...], 0.0)
    mu = jnp.mean(x, axis=-1, keepdims=True)
    xc = x - mu
    var = jnp.mean(xc * xc, axis=-1, keepdims=True)
    h_ref[...] = xc * jax.lax.rsqrt(var + 1e-5) * g_ref[...] + be_ref[...]


def _edge_ln(diff, g1, be1):
    e, c = diff.shape
    return pl.pallas_call(
        _edge_ln_kernel,
        grid=(e // E_BLK,),
        in_specs=[
            pl.BlockSpec((E_BLK, c), lambda i: (i, 0)),
            pl.BlockSpec((1, c), lambda i: (0, 0)),
            pl.BlockSpec((1, c), lambda i: (0, 0)),
        ],
        out_specs=pl.BlockSpec((E_BLK, c), lambda i: (i, 0)),
        out_shape=jax.ShapeDtypeStruct((e, c), jnp.float32),
    )(diff, g1, be1)


def _update_kernel(agg_ref, ivf_ref, w2_ref, b2_ref, g_ref, be_ref, out_ref):
    a = agg_ref[...]
    a = jnp.where(a < -1.0e38, 0.0, a)
    u = jnp.dot(a, w2_ref[...], preferred_element_type=jnp.float32)
    u = jnp.maximum(u + b2_ref[...], 0.0)
    mu = jnp.mean(u, axis=-1, keepdims=True)
    uc = u - mu
    var = jnp.mean(uc * uc, axis=-1, keepdims=True)
    out_ref[...] = uc * jax.lax.rsqrt(var + 1e-5) * g_ref[...] + be_ref[...] + ivf_ref[...]


def _update(agg, ivf, w2T, b2, g2, be2):
    n, c = agg.shape
    return pl.pallas_call(
        _update_kernel,
        grid=(n // N_BLK,),
        in_specs=[
            pl.BlockSpec((N_BLK, c), lambda i: (i, 0)),
            pl.BlockSpec((N_BLK, c), lambda i: (i, 0)),
            pl.BlockSpec((c, c), lambda i: (0, 0)),
            pl.BlockSpec((1, c), lambda i: (0, 0)),
            pl.BlockSpec((1, c), lambda i: (0, 0)),
            pl.BlockSpec((1, c), lambda i: (0, 0)),
        ],
        out_specs=pl.BlockSpec((N_BLK, c), lambda i: (i, 0)),
        out_shape=jax.ShapeDtypeStruct((n, c), jnp.float32),
    )(agg, ivf, w2T, b2, g2, be2)


def kernel(xyz, features, edges, W1, b1, g1, be1, W2, b2, g2, be2):
    n = xyz.shape[1]
    c = features.shape[1]
    ivf = features[0].T
    src = edges[0, :, 0]
    dst = edges[0, :, 1]
    xyzp = jnp.pad(xyz[0], ((0, 0), (0, 125)))
    w1aT = W1[:, :c].T
    w1bpT = jnp.pad(W1[:, c:].T, ((0, 125), (0, 0)))

    A, Q = _node_prep(ivf, xyzp, w1aT, w1bpT, b1[None, :])

    e = src.shape[0]
    srcp = jnp.pad(src, (0, E_PAD - e))
    dstp = jnp.pad(dst, (0, E_PAD - e))
    diff = _edge_gather(A, Q, srcp, dstp)
    h = _edge_ln(diff, g1[None, :], be1[None, :])
    agg = _scatter_max(h, dst)

    u = _update(agg, ivf, W2.T, b2[None, :], g2[None, :], be2[None, :])
    return u.T[None]

# --- scband reference (transcript-rebuilt; emitter-appended) ---
"""Pipeline reference for scband-gcn-module-2989297238599 (READ-ONLY COPY).

The authoritative reference and input builder live on the scoring server;
editing this copy changes nothing except your own understanding.
"""

import jax, jax.numpy as jnp
import numpy as np

N_NODES = 10000
N_EDGES = 160000
C = 256


def _layernorm(x, g, b, eps=1e-5):
    mu = jnp.mean(x, axis=-1, keepdims=True)
    var = jnp.var(x, axis=-1, keepdims=True)
    return (x - mu) / jnp.sqrt(var + eps) * g + b


def setup_inputs(seed: int = 0) -> dict:
    key = jax.random.key(seed)
    ks = jax.random.split(key, 8)
    xyz = jax.random.normal(ks[0], (1, N_NODES, 3), dtype=jnp.float32)
    features = jax.random.normal(ks[1], (1, C, N_NODES), dtype=jnp.float32)
    edges = jax.random.randint(ks[2], (1, N_EDGES, 2), 0, N_NODES, dtype=jnp.int32)
    W1 = jax.random.normal(ks[3], (C, C + 3), dtype=jnp.float32) / jnp.sqrt(float(C + 3))
    b1 = jnp.zeros((C,), dtype=jnp.float32)
    g1 = jnp.ones((C,), dtype=jnp.float32)
    be1 = jnp.zeros((C,), dtype=jnp.float32)
    W2 = jax.random.normal(ks[4], (C, C), dtype=jnp.float32) / jnp.sqrt(float(C))
    b2 = jnp.zeros((C,), dtype=jnp.float32)
    g2 = jnp.ones((C,), dtype=jnp.float32)
    be2 = jnp.zeros((C,), dtype=jnp.float32)
    return {"xyz": xyz, "features": features, "edges": edges,
            "W1": W1, "b1": b1, "g1": g1, "be1": be1,
            "W2": W2, "b2": b2, "g2": g2, "be2": be2}


def reference(xyz, features, edges, W1, b1, g1, be1, W2, b2, g2, be2):
    b = xyz.shape[0]
    n = xyz.shape[1]
    ivf = jnp.transpose(features, (0, 2, 1))  # b x n x C
    Cf = ivf.shape[-1]
    e = edges.shape[1]
    src = edges[:, :, 0]
    dst = edges[:, :, 1]
    # gather source vertex features and src/dst coordinates (torch.gather with expand)
    s_feat = jnp.take_along_axis(ivf, jnp.broadcast_to(src[:, :, None], (b, e, Cf)), axis=1)
    s_xyz = jnp.take_along_axis(xyz, jnp.broadcast_to(src[:, :, None], (b, e, 3)), axis=1)
    d_xyz = jnp.take_along_axis(xyz, jnp.broadcast_to(dst[:, :, None], (b, e, 3)), axis=1)
    edge_features = jnp.concatenate([s_feat, s_xyz - d_xyz], axis=-1)  # b x e x (C+3)
    ef = edge_features.reshape(-1, Cf + 3)
    h = ef @ W1.T + b1
    h = jax.nn.relu(h)
    h = _layernorm(h, g1, be1)
    h = h.reshape(b, e, Cf)
    # max aggregation by destination node (scatter reduce='max', empty bins -> 0)
    def seg(fe, di):
        return jax.ops.segment_max(fe, di, num_segments=n)
    agg = jax.vmap(seg)(h, dst)
    agg = jnp.where(jnp.isneginf(agg), 0.0, agg)
    u = agg.reshape(-1, Cf)
    u = u @ W2.T + b2
    u = jax.nn.relu(u)
    u = _layernorm(u, g2, be2)
    u = u.reshape(b, n, Cf)
    out = u + ivf
    return jnp.transpose(out, (0, 2, 1))

if __name__ == "__main__":
    import jax
    _d = setup_inputs()
    print(jax.jit(kernel)(*tuple(_d.values())))

</pallas_src>

<mosaic_0001>
#map = affine_map<(d0, d1) -> (0)>
module attributes {stable_mosaic.version = 14 : i64} {
  func.func @_scatter_body(%arg0: i32, %arg1: i32, %arg2: memref<41943040xf32, #tpu.memory_space<hbm>>, %arg3: memref<160000xi32, #tpu.memory_space<hbm>>, %arg4: memref<2621440xf32, #tpu.memory_space<hbm>>, %arg5: memref<640xi32, #tpu.memory_space<vmem>>, %arg6: memref<32768xf32, #tpu.memory_space<vmem>>, %arg7: memref<81920xf32, #tpu.memory_space<vmem>>, %arg8: memref<128xi32, #tpu.memory_space<smem>>, %arg9: memref<!tpu.dma_semaphore, #tpu.memory_space<semaphore_mem>>) attributes {dimension_semantics = [#tpu.dimension_semantics<core_parallel>, #tpu.dimension_semantics<subcore_parallel>], iteration_bounds = array<i64: 2, 16>, scalar_prefetch = 0 : i64, scratch_operands = 5 : i64, tpu.core_type = #tpu.core_type<sc_vector_subcore>, window_params = [{transform_indices = #map}, {transform_indices = #map}, {transform_indices = #map}]} {
    %mul3A = arith.constant 2 : i32
    %mul3A_0 = arith.muli %arg1, %mul3A : i32
    %add3A = arith.addi %mul3A_0, %arg0 : i32
    %mul3A_1 = arith.constant 320 : i32
    %mul3A_2 = arith.muli %add3A, %mul3A_1 : i32
    %scan3A = arith.constant 0 : i32
    %scan3A_3 = arith.constant 0 : i32
    %scan3A_4 = arith.constant 5120 : i32
    %scan3A_5 = arith.addi %scan3A_3, %scan3A_4 : i32
    %scan3A_6 = arith.constant 1 : i32
    scf.for %scan3A_18 = %scan3A_3 to %scan3A_5 step %scan3A_6  : i32 {
      %broadcast_in_dim3A = arith.constant -3.000000e+38 : f32
      %broadcast_in_dim3A_19 = vector.broadcast %broadcast_in_dim3A : f32 to vector<16xf32>
      %mul3A_20 = arith.constant 16 : i32
      %mul3A_21 = arith.muli %scan3A_18, %mul3A_20 : i32
      %swap3A = arith.index_cast %mul3A_21 : i32 to index
      %swap3A_22 = tpu.vector_load %arg7[%swap3A] {strides = array<i32>} : memref<81920xf32, #tpu.memory_space<vmem>>, vector<16xf32>,
      %swap3A_23 = vector.shape_cast %swap3A_22 : vector<16xf32> to vector<16xf32>
      %swap3A_24 = vector.shape_cast %broadcast_in_dim3A_19 : vector<16xf32> to vector<16xf32>
      tpu.vector_store %arg7[%swap3A], %swap3A_24 {strides = array<i32>} : memref<81920xf32, #tpu.memory_space<vmem>>, vector<16xf32>,
    }
    %scan3A_7 = arith.constant 5120 : i32
    %scan3A_8 = arith.constant 0 : i32
    %scan3A_9 = arith.constant 0 : i32
    %scan3A_10 = arith.constant 250 : i32
    %scan3A_11 = arith.addi %scan3A_9, %scan3A_10 : i32
    %scan3A_12 = arith.constant 1 : i32
    scf.for %scan3A_18 = %scan3A_9 to %scan3A_11 step %scan3A_12  : i32 {
      %mul3A_19 = arith.constant 640 : i32
      %mul3A_20 = arith.muli %scan3A_18, %mul3A_19 : i32
      "tpu.region"() ({
        %run_scoped3A = tpu.sem_alloc : memref<!tpu.dma_semaphore, #tpu.memory_space<semaphore_mem>>
        %dma_start3A = tpu.memref_slice %arg3[%mul3A_20] : memref<160000xi32, #tpu.memory_space<hbm>> -> memref<640xi32, #tpu.memory_space<hbm>>
        %dma_start3A_27 = tpu.memref_slice %arg3[%mul3A_20] : memref<160000xi32, #tpu.memory_space<hbm>> -> memref<640xi32, #tpu.memory_space<hbm>>
        tpu.enqueue_dma source(%dma_start3A_27 : memref<640xi32, #tpu.memory_space<hbm>>) target(%arg5 : memref<640xi32, #tpu.memory_space<vmem>>) target_semaphore(%run_scoped3A : memref<!tpu.dma_semaphore, #tpu.memory_space<semaphore_mem>>)
        %dma_wait3A = tpu.memref_slice %arg3[%mul3A_20] : memref<160000xi32, #tpu.memory_space<hbm>> -> memref<640xi32, #tpu.memory_space<hbm>>
        %dma_wait3A_28 = tpu.memref_slice %arg3[%mul3A_20] : memref<160000xi32, #tpu.memory_space<hbm>> -> memref<640xi32, #tpu.memory_space<hbm>>
        tpu.wait_dma2 semaphore(%run_scoped3A : memref<!tpu.dma_semaphore, #tpu.memory_space<semaphore_mem>>) src(%dma_wait3A_28 : memref<640xi32, #tpu.memory_space<hbm>>) dst(%arg5 : memref<640xi32, #tpu.memory_space<vmem>>)
        tpu.yield
      }) : () -> ()
      %scan3A_21 = arith.constant 0 : i32
      %scan3A_22 = arith.constant 0 : i32
      %scan3A_23 = arith.constant 5 : i32
      %scan3A_24 = arith.addi %scan3A_22, %scan3A_23 : i32
      %scan3A_25 = arith.constant 1 : i32
      scf.for %scan3A_27 = %scan3A_22 to %scan3A_24 step %scan3A_25  : i32 {
        %scan3A_28 = arith.constant 0 : i32
        %scan3A_29 = arith.constant 0 : i32
        %scan3A_30 = arith.constant 8 : i32
        %scan3A_31 = arith.addi %scan3A_29, %scan3A_30 : i32
        %scan3A_32 = arith.constant 1 : i32
        %scan3A_33 = scf.for %scan3A_54 = %scan3A_29 to %scan3A_31 step %scan3A_32 iter_args(%scan3A_55 = %scan3A_28) -> (i32)  : i32 {
          %mul3A_56 = arith.constant 128 : i32
          %mul3A_57 = arith.muli %scan3A_27, %mul3A_56 : i32
          %mul3A_58 = arith.constant 16 : i32
          %mul3A_59 = arith.muli %scan3A_54, %mul3A_58 : i32
          %add3A_60 = arith.addi %mul3A_57, %mul3A_59 : i32
          %get3A = arith.index_cast %add3A_60 : i32 to index
          %get3A_61 = tpu.vector_load %arg5[%get3A] {strides = array<i32>} : memref<640xi32, #tpu.memory_space<vmem>>, vector<16xi32>,
          %get3A_62 = vector.shape_cast %get3A_61 : vector<16xi32> to vector<16xi32>
          %slice3A = vector.extract_strided_slice %get3A_62 {offsets = [0], sizes = [1], strides = [1]} : vector<16xi32> to vector<1xi32>
          %squeeze3A = vector.extract %slice3A[0] : i32 from vector<1xi32>
          %ge3A = arith.cmpi sge, %squeeze3A, %mul3A_2 : i32
          %add3A_63 = arith.constant 320 : i32
          %add3A_64 = arith.addi %mul3A_2, %add3A_63 : i32
          %lt3A = arith.cmpi slt, %squeeze3A, %add3A_64 : i32
          %and3A = arith.andi %ge3A, %lt3A : i1
          %convert_element_type3A = arith.extui %and3A : i1 to i32
          %cond3A = arith.constant 0 : i32
          %cond3A_65 = arith.cmpi ne, %convert_element_type3A, %cond3A : i32
          scf.if %cond3A_65 {
            %mul3A_263 = arith.constant 128 : i32
            %mul3A_264 = arith.muli %scan3A_27, %mul3A_263 : i32
            %add3A_265 = arith.addi %mul3A_20, %mul3A_264 : i32
            %mul3A_266 = arith.constant 16 : i32
            %mul3A_267 = arith.muli %scan3A_54, %mul3A_266 : i32
            %add3A_268 = arith.addi %add3A_265, %mul3A_267 : i32
            %add3A_269 = arith.constant 0 : i32
            %add3A_270 = arith.addi %add3A_268, %add3A_269 : i32
            %mul3A_271 = arith.constant 256 : i32
            %mul3A_272 = arith.muli %add3A_270, %mul3A_271 : i32
            %mul3A_273 = arith.constant 256 : i32
            %mul3A_274 = arith.muli %scan3A_55, %mul3A_273 : i32
            %dma_start3A = tpu.memref_slice %arg6[%mul3A_274] : memref<32768xf32, #tpu.memory_space<vmem>> -> memref<256xf32, #tpu.memory_space<vmem>>
            %dma_start3A_275 = tpu.memref_slice %arg2[%mul3A_272] : memref<41943040xf32, #tpu.memory_space<hbm>> -> memref<256xf32, #tpu.memory_space<hbm>>
            %dma_start3A_276 = tpu.memref_slice %arg6[%mul3A_274] : memref<32768xf32, #tpu.memory_space<vmem>> -> memref<256xf32, #tpu.memory_space<vmem>>
            %dma_start3A_277 = tpu.memref_slice %arg2[%mul3A_272] : memref<41943040xf32, #tpu.memory_space<hbm>> -> memref<256xf32, #tpu.memory_space<hbm>>
            tpu.enqueue_dma source(%dma_start3A_277 : memref<256xf32, #tpu.memory_space<hbm>>) target(%dma_start3A_276 : memref<256xf32, #tpu.memory_space<vmem>>) target_semaphore(%arg9 : memref<!tpu.dma_semaphore, #tpu.memory_space<semaphore_mem>>)
            %sub3A = arith.subi %squeeze3A, %mul3A_2 : i32
            %swap3A = arith.index_cast %scan3A_55 : i32 to index
            %swap3A_278 = memref.load %arg8[%swap3A] : memref<128xi32, #tpu.memory_space<smem>>
            memref.store %sub3A, %arg8[%swap3A] : memref<128xi32, #tpu.memory_space<smem>>
          } else {
          }
          %add3A_66 = arith.constant 1 : i32
          %add3A_67 = arith.addi %scan3A_55, %add3A_66 : i32
          %select_n3A = arith.select %and3A, %add3A_67, %scan3A_55 : i32
          %slice3A_68 = vector.extract_strided_slice %get3A_62 {offsets = [1], sizes = [1], strides = [1]} : vector<16xi32> to vector<1xi32>
          %squeeze3A_69 = vector.extract %slice3A_68[0] : i32 from vector<1xi32>
          %ge3A_70 = arith.cmpi sge, %squeeze3A_69, %mul3A_2 : i32
          %add3A_71 = arith.constant 320 : i32
          %add3A_72 = arith.addi %mul3A_2, %add3A_71 : i32
          %lt3A_73 = arith.cmpi slt, %squeeze3A_69, %add3A_72 : i32
          %and3A_74 = arith.andi %ge3A_70, %lt3A_73 : i1
          %convert_element_type3A_75 = arith.extui %and3A_74 : i1 to i32
          %cond3A_76 = arith.constant 0 : i32
          %cond3A_77 = arith.cmpi ne, %convert_element_type3A_75, %cond3A_76 : i32
          scf.if %cond3A_77 {
            %mul3A_263 = arith.constant 128 : i32
            %mul3A_264 = arith.muli %scan3A_27, %mul3A_263 : i32
            %add3A_265 = arith.addi %mul3A_20, %mul3A_264 : i32
            %mul3A_266 = arith.constant 16 : i32
            %mul3A_267 = arith.muli %scan3A_54, %mul3A_266 : i32
            %add3A_268 = arith.addi %add3A_265, %mul3A_267 : i32
            %add3A_269 = arith.constant 1 : i32
            %add3A_270 = arith.addi %add3A_268, %add3A_269 : i32
            %mul3A_271 = arith.constant 256 : i32
            %mul3A_272 = arith.muli %add3A_270, %mul3A_271 : i32
            %mul3A_273 = arith.constant 256 : i32
            %mul3A_274 = arith.muli %select_n3A, %mul3A_273 : i32
            %dma_start3A = tpu.memref_slice %arg6[%mul3A_274] : memref<32768xf32, #tpu.memory_space<vmem>> -> memref<256xf32, #tpu.memory_space<vmem>>
            %dma_start3A_275 = tpu.memref_slice %arg2[%mul3A_272] : memref<41943040xf32, #tpu.memory_space<hbm>> -> memref<256xf32, #tpu.memory_space<hbm>>
            %dma_start3A_276 = tpu.memref_slice %arg6[%mul3A_274] : memref<32768xf32, #tpu.memory_space<vmem>> -> memref<256xf32, #tpu.memory_space<vmem>>
            %dma_start3A_277 = tpu.memref_slice %arg2[%mul3A_272] : memref<41943040xf32, #tpu.memory_space<hbm>> -> memref<256xf32, #tpu.memory_space<hbm>>
            tpu.enqueue_dma source(%dma_start3A_277 : memref<256xf32, #tpu.memory_space<hbm>>) target(%dma_start3A_276 : memref<256xf32, #tpu.memory_space<vmem>>) target_semaphore(%arg9 : memref<!tpu.dma_semaphore, #tpu.memory_space<semaphore_mem>>)
            %sub3A = arith.subi %squeeze3A_69, %mul3A_2 : i32
            %swap3A = arith.index_cast %select_n3A : i32 to index
            %swap3A_278 = memref.load %arg8[%swap3A] : memref<128xi32, #tpu.memory_space<smem>>
            memref.store %sub3A, %arg8[%swap3A] : memref<128xi32, #tpu.memory_space<smem>>
          } else {
          }
          %add3A_78 = arith.constant 1 : i32
          %add3A_79 = arith.addi %select_n3A, %add3A_78 : i32
          %select_n3A_80 = arith.select %and3A_74, %add3A_79, %select_n3A : i32
          %slice3A_81 = vector.extract_strided_slice %get3A_62 {offsets = [2], sizes = [1], strides = [1]} : vector<16xi32> to vector<1xi32>
          %squeeze3A_82 = vector.extract %slice3A_81[0] : i32 from vector<1xi32>
          %ge3A_83 = arith.cmpi sge, %squeeze3A_82, %mul3A_2 : i32
          %add3A_84 = arith.constant 320 : i32
          %add3A_85 = arith.addi %mul3A_2, %add3A_84 : i32
          %lt3A_86 = arith.cmpi slt, %squeeze3A_82, %add3A_85 : i32
          %and3A_87 = arith.andi %ge3A_83, %lt3A_86 : i1
          %convert_element_type3A_88 = arith.extui %and3A_87 : i1 to i32
          %cond3A_89 = arith.constant 0 : i32
          %cond3A_90 = arith.cmpi ne, %convert_element_type3A_88, %cond3A_89 : i32
          scf.if %cond3A_90 {
            %mul3A_263 = arith.constant 128 : i32
            %mul3A_264 = arith.muli %scan3A_27, %mul3A_263 : i32
            %add3A_265 = arith.addi %mul3A_20, %mul3A_264 : i32
            %mul3A_266 = arith.constant 16 : i32
            %mul3A_267 = arith.muli %scan3A_54, %mul3A_266 : i32
            %add3A_268 = arith.addi %add3A_265, %mul3A_267 : i32
            %add3A_269 = arith.constant 2 : i32
            %add3A_270 = arith.addi %add3A_268, %add3A_269 : i32
            %mul3A_271 = arith.constant 256 : i32
            %mul3A_272 = arith.muli %add3A_270, %mul3A_271 : i32
            %mul3A_273 = arith.constant 256 : i32
            %mul3A_274 = arith.muli %select_n3A_80, %mul3A_273 : i32
            %dma_start3A = tpu.memref_slice %arg6[%mul3A_274] : memref<32768xf32, #tpu.memory_space<vmem>> -> memref<256xf32, #tpu.memory_space<vmem>>
            %dma_start3A_275 = tpu.memref_slice %arg2[%mul3A_272] : memref<41943040xf32, #tpu.memory_space<hbm>> -> memref<256xf32, #tpu.memory_space<hbm>>
            %dma_start3A_276 = tpu.memref_slice %arg6[%mul3A_274] : memref<32768xf32, #tpu.memory_space<vmem>> -> memref<256xf32, #tpu.memory_space<vmem>>
            %dma_start3A_277 = tpu.memref_slice %arg2[%mul3A_272] : memref<41943040xf32, #tpu.memory_space<hbm>> -> memref<256xf32, #tpu.memory_space<hbm>>
            tpu.enqueue_dma source(%dma_start3A_277 : memref<256xf32, #tpu.memory_space<hbm>>) target(%dma_start3A_276 : memref<256xf32, #tpu.memory_space<vmem>>) target_semaphore(%arg9 : memref<!tpu.dma_semaphore, #tpu.memory_space<semaphore_mem>>)
            %sub3A = arith.subi %squeeze3A_82, %mul3A_2 : i32
            %swap3A = arith.index_cast %select_n3A_80 : i32 to index
            %swap3A_278 = memref.load %arg8[%swap3A] : memref<128xi32, #tpu.memory_space<smem>>
            memref.store %sub3A, %arg8[%swap3A] : memref<128xi32, #tpu.memory_space<smem>>
          } else {
          }
          %add3A_91 = arith.constant 1 : i32
          %add3A_92 = arith.addi %select_n3A_80, %add3A_91 : i32
          %select_n3A_93 = arith.select %and3A_87, %add3A_92, %select_n3A_80 : i32
          %slice3A_94 = vector.extract_strided_slice %get3A_62 {offsets = [3], sizes = [1], strides = [1]} : vector<16xi32> to vector<1xi32>
          %squeeze3A_95 = vector.extract %slice3A_94[0] : i32 from vector<1xi32>
          %ge3A_96 = arith.cmpi sge, %squeeze3A_95, %mul3A_2 : i32
          %add3A_97 = arith.constant 320 : i32
          %add3A_98 = arith.addi %mul3A_2, %add3A_97 : i32
          %lt3A_99 = arith.cmpi slt, %squeeze3A_95, %add3A_98 : i32
          %and3A_100 = arith.andi %ge3A_96, %lt3A_99 : i1
          %convert_element_type3A_101 = arith.extui %and3A_100 : i1 to i32
          %cond3A_102 = arith.constant 0 : i32
          %cond3A_103 = arith.cmpi ne, %convert_element_type3A_101, %cond3A_102 : i32
          scf.if %cond3A_103 {
            %mul3A_263 = arith.constant 128 : i32
            %mul3A_264 = arith.muli %scan3A_27, %mul3A_263 : i32
            %add3A_265 = arith.addi %mul3A_20, %mul3A_264 : i32
            %mul3A_266 = arith.constant 16 : i32
            %mul3A_267 = arith.muli %scan3A_54, %mul3A_266 : i32
            %add3A_268 = arith.addi %add3A_265, %mul3A_267 : i32
            %add3A_269 = arith.constant 3 : i32
            %add3A_270 = arith.addi %add3A_268, %add3A_269 : i32
            %mul3A_271 = arith.constant 256 : i32
            %mul3A_272 = arith.muli %add3A_270, %mul3A_271 : i32
            %mul3A_273 = arith.constant 256 : i32
            %mul3A_274 = arith.muli %select_n3A_93, %mul3A_273 : i32
            %dma_start3A = tpu.memref_slice %arg6[%mul3A_274] : memref<32768xf32, #tpu.memory_space<vmem>> -> memref<256xf32, #tpu.memory_space<vmem>>
            %dma_start3A_275 = tpu.memref_slice %arg2[%mul3A_272] : memref<41943040xf32, #tpu.memory_space<hbm>> -> memref<256xf32, #tpu.memory_space<hbm>>
            %dma_start3A_276 = tpu.memref_slice %arg6[%mul3A_274] : memref<32768xf32, #tpu.memory_space<vmem>> -> memref<256xf32, #tpu.memory_space<vmem>>
            %dma_start3A_277 = tpu.memref_slice %arg2[%mul3A_272] : memref<41943040xf32, #tpu.memory_space<hbm>> -> memref<256xf32, #tpu.memory_space<hbm>>
            tpu.enqueue_dma source(%dma_start3A_277 : memref<256xf32, #tpu.memory_space<hbm>>) target(%dma_start3A_276 : memref<256xf32, #tpu.memory_space<vmem>>) target_semaphore(%arg9 : memref<!tpu.dma_semaphore, #tpu.memory_space<semaphore_mem>>)
            %sub3A = arith.subi %squeeze3A_95, %mul3A_2 : i32
            %swap3A = arith.index_cast %select_n3A_93 : i32 to index
            %swap3A_278 = memref.load %arg8[%swap3A] : memref<128xi32, #tpu.memory_space<smem>>
            memref.store %sub3A, %arg8[%swap3A] : memref<128xi32, #tpu.memory_space<smem>>
          } else {
          }
          %add3A_104 = arith.constant 1 : i32
          %add3A_105 = arith.addi %select_n3A_93, %add3A_104 : i32
          %select_n3A_106 = arith.select %and3A_100, %add3A_105, %select_n3A_93 : i32
          %slice3A_107 = vector.extract_strided_slice %get3A_62 {offsets = [4], sizes = [1], strides = [1]} : vector<16xi32> to vector<1xi32>
          %squeeze3A_108 = vector.extract %slice3A_107[0] : i32 from vector<1xi32>
          %ge3A_109 = arith.cmpi sge, %squeeze3A_108, %mul3A_2 : i32
          %add3A_110 = arith.constant 320 : i32
          %add3A_111 = arith.addi %mul3A_2, %add3A_110 : i32
          %lt3A_112 = arith.cmpi slt, %squeeze3A_108, %add3A_111 : i32
          %and3A_113 = arith.andi %ge3A_109, %lt3A_112 : i1
          %convert_element_type3A_114 = arith.extui %and3A_113 : i1 to i32
          %cond3A_115 = arith.constant 0 : i32
          %cond3A_116 = arith.cmpi ne, %convert_element_type3A_114, %cond3A_115 : i32
          scf.if %cond3A_116 {
            %mul3A_263 = arith.constant 128 : i32
            %mul3A_264 = arith.muli %scan3A_27, %mul3A_263 : i32
            %add3A_265 = arith.addi %mul3A_20, %mul3A_264 : i32
            %mul3A_266 = arith.constant 16 : i32
            %mul3A_267 = arith.muli %scan3A_54, %mul3A_266 : i32
            %add3A_268 = arith.addi %add3A_265, %mul3A_267 : i32
            %add3A_269 = arith.constant 4 : i32
            %add3A_270 = arith.addi %add3A_268, %add3A_269 : i32
            %mul3A_271 = arith.constant 256 : i32
            %mul3A_272 = arith.muli %add3A_270, %mul3A_271 : i32
            %mul3A_273 = arith.constant 256 : i32
            %mul3A_274 = arith.muli %select_n3A_106, %mul3A_273 : i32
            %dma_start3A = tpu.memref_slice %arg6[%mul3A_274] : memref<32768xf32, #tpu.memory_space<vmem>> -> memref<256xf32, #tpu.memory_space<vmem>>
            %dma_start3A_275 = tpu.memref_slice %arg2[%mul3A_272] : memref<41943040xf32, #tpu.memory_space<hbm>> -> memref<256xf32, #tpu.memory_space<hbm>>
            %dma_start3A_276 = tpu.memref_slice %arg6[%mul3A_274] : memref<32768xf32, #tpu.memory_space<vmem>> -> memref<256xf32, #tpu.memory_space<vmem>>
            %dma_start3A_277 = tpu.memref_slice %arg2[%mul3A_272] : memref<41943040xf32, #tpu.memory_space<hbm>> -> memref<256xf32, #tpu.memory_space<hbm>>
            tpu.enqueue_dma source(%dma_start3A_277 : memref<256xf32, #tpu.memory_space<hbm>>) target(%dma_start3A_276 : memref<256xf32, #tpu.memory_space<vmem>>) target_semaphore(%arg9 : memref<!tpu.dma_semaphore, #tpu.memory_space<semaphore_mem>>)
            %sub3A = arith.subi %squeeze3A_108, %mul3A_2 : i32
            %swap3A = arith.index_cast %select_n3A_106 : i32 to index
            %swap3A_278 = memref.load %arg8[%swap3A] : memref<128xi32, #tpu.memory_space<smem>>
            memref.store %sub3A, %arg8[%swap3A] : memref<128xi32, #tpu.memory_space<smem>>
          } else {
          }
          %add3A_117 = arith.constant 1 : i32
          %add3A_118 = arith.addi %select_n3A_106, %add3A_117 : i32
          %select_n3A_119 = arith.select %and3A_113, %add3A_118, %select_n3A_106 : i32
          %slice3A_120 = vector.extract_strided_slice %get3A_62 {offsets = [5], sizes = [1], strides = [1]} : vector<16xi32> to vector<1xi32>
          %squeeze3A_121 = vector.extract %slice3A_120[0] : i32 from vector<1xi32>
          %ge3A_122 = arith.cmpi sge, %squeeze3A_121, %mul3A_2 : i32
          %add3A_123 = arith.constant 320 : i32
          %add3A_124 = arith.addi %mul3A_2, %add3A_123 : i32
          %lt3A_125 = arith.cmpi slt, %squeeze3A_121, %add3A_124 : i32
          %and3A_126 = arith.andi %ge3A_122, %lt3A_125 : i1
          %convert_element_type3A_127 = arith.extui %and3A_126 : i1 to i32
          %cond3A_128 = arith.constant 0 : i32
          %cond3A_129 = arith.cmpi ne, %convert_element_type3A_127, %cond3A_128 : i32
          scf.if %cond3A_129 {
            %mul3A_263 = arith.constant 128 : i32
            %mul3A_264 = arith.muli %scan3A_27, %mul3A_263 : i32
            %add3A_265 = arith.addi %mul3A_20, %mul3A_264 : i32
            %mul3A_266 = arith.constant 16 : i32
            %mul3A_267 = arith.muli %scan3A_54, %mul3A_266 : i32
            %add3A_268 = arith.addi %add3A_265, %mul3A_267 : i32
            %add3A_269 = arith.constant 5 : i32
            %add3A_270 = arith.addi %add3A_268, %add3A_269 : i32
            %mul3A_271 = arith.constant 256 : i32
            %mul3A_272 = arith.muli %add3A_270, %mul3A_271 : i32
            %mul3A_273 = arith.constant 256 : i32
            %mul3A_274 = arith.muli %select_n3A_119, %mul3A_273 : i32
            %dma_start3A = tpu.memref_slice %arg6[%mul3A_274] : memref<32768xf32, #tpu.memory_space<vmem>> -> memref<256xf32, #tpu.memory_space<vmem>>
            %dma_start3A_275 = tpu.memref_slice %arg2[%mul3A_272] : memref<41943040xf32, #tpu.memory_space<hbm>> -> memref<256xf32, #tpu.memory_space<hbm>>
            %dma_start3A_276 = tpu.memref_slice %arg6[%mul3A_274] : memref<32768xf32, #tpu.memory_space<vmem>> -> memref<256xf32, #tpu.memory_space<vmem>>
            %dma_start3A_277 = tpu.memref_slice %arg2[%mul3A_272] : memref<41943040xf32, #tpu.memory_space<hbm>> -> memref<256xf32, #tpu.memory_space<hbm>>
            tpu.enqueue_dma source(%dma_start3A_277 : memref<256xf32, #tpu.memory_space<hbm>>) target(%dma_start3A_276 : memref<256xf32, #tpu.memory_space<vmem>>) target_semaphore(%arg9 : memref<!tpu.dma_semaphore, #tpu.memory_space<semaphore_mem>>)
            %sub3A = arith.subi %squeeze3A_121, %mul3A_2 : i32
            %swap3A = arith.index_cast %select_n3A_119 : i32 to index
            %swap3A_278 = memref.load %arg8[%swap3A] : memref<128xi32, #tpu.memory_space<smem>>
            memref.store %sub3A, %arg8[%swap3A] : memref<128xi32, #tpu.memory_space<smem>>
          } else {
          }
          %add3A_130 = arith.constant 1 : i32
          %add3A_131 = arith.addi %select_n3A_119, %add3A_130 : i32
          %select_n3A_132 = arith.select %and3A_126, %add3A_131, %select_n3A_119 : i32
          %slice3A_133 = vector.extract_strided_slice %get3A_62 {offsets = [6], sizes = [1], strides = [1]} : vector<16xi32> to vector<1xi32>
          %squeeze3A_134 = vector.extract %slice3A_133[0] : i32 from vector<1xi32>
          %ge3A_135 = arith.cmpi sge, %squeeze3A_134, %mul3A_2 : i32
          %add3A_136 = arith.constant 320 : i32
          %add3A_137 = arith.addi %mul3A_2, %add3A_136 : i32
          %lt3A_138 = arith.cmpi slt, %squeeze3A_134, %add3A_137 : i32
          %and3A_139 = arith.andi %ge3A_135, %lt3A_138 : i1
          %convert_element_type3A_140 = arith.extui %and3A_139 : i1 to i32
          %cond3A_141 = arith.constant 0 : i32
          %cond3A_142 = arith.cmpi ne, %convert_element_type3A_140, %cond3A_141 : i32
          scf.if %cond3A_142 {
            %mul3A_263 = arith.constant 128 : i32
            %mul3A_264 = arith.muli %scan3A_27, %mul3A_263 : i32
            %add3A_265 = arith.addi %mul3A_20, %mul3A_264 : i32
            %mul3A_266 = arith.constant 16 : i32
            %mul3A_267 = arith.muli %scan3A_54, %mul3A_266 : i32
            %add3A_268 = arith.addi %add3A_265, %mul3A_267 : i32
            %add3A_269 = arith.constant 6 : i32
            %add3A_270 = arith.addi %add3A_268, %add3A_269 : i32
            %mul3A_271 = arith.constant 256 : i32
            %mul3A_272 = arith.muli %add3A_270, %mul3A_271 : i32
            %mul3A_273 = arith.constant 256 : i32
            %mul3A_274 = arith.muli %select_n3A_132, %mul3A_273 : i32
            %dma_start3A = tpu.memref_slice %arg6[%mul3A_274] : memref<32768xf32, #tpu.memory_space<vmem>> -> memref<256xf32, #tpu.memory_space<vmem>>
            %dma_start3A_275 = tpu.memref_slice %arg2[%mul3A_272] : memref<41943040xf32, #tpu.memory_space<hbm>> -> memref<256xf32, #tpu.memory_space<hbm>>
            %dma_start3A_276 = tpu.memref_slice %arg6[%mul3A_274] : memref<32768xf32, #tpu.memory_space<vmem>> -> memref<256xf32, #tpu.memory_space<vmem>>
            %dma_start3A_277 = tpu.memref_slice %arg2[%mul3A_272] : memref<41943040xf32, #tpu.memory_space<hbm>> -> memref<256xf32, #tpu.memory_space<hbm>>
            tpu.enqueue_dma source(%dma_start3A_277 : memref<256xf32, #tpu.memory_space<hbm>>) target(%dma_start3A_276 : memref<256xf32, #tpu.memory_space<vmem>>) target_semaphore(%arg9 : memref<!tpu.dma_semaphore, #tpu.memory_space<semaphore_mem>>)
            %sub3A = arith.subi %squeeze3A_134, %mul3A_2 : i32
            %swap3A = arith.index_cast %select_n3A_132 : i32 to index
            %swap3A_278 = memref.load %arg8[%swap3A] : memref<128xi32, #tpu.memory_space<smem>>
            memref.store %sub3A, %arg8[%swap3A] : memref<128xi32, #tpu.memory_space<smem>>
          } else {
          }
          %add3A_143 = arith.constant 1 : i32
          %add3A_144 = arith.addi %select_n3A_132, %add3A_143 : i32
          %select_n3A_145 = arith.select %and3A_139, %add3A_144, %select_n3A_132 : i32
          %slice3A_146 = vector.extract_strided_slice %get3A_62 {offsets = [7], sizes = [1], strides = [1]} : vector<16xi32> to vector<1xi32>
          %squeeze3A_147 = vector.extract %slice3A_146[0] : i32 from vector<1xi32>
          %ge3A_148 = arith.cmpi sge, %squeeze3A_147, %mul3A_2 : i32
          %add3A_149 = arith.constant 320 : i32
          %add3A_150 = arith.addi %mul3A_2, %add3A_149 : i32
          %lt3A_151 = arith.cmpi slt, %squeeze3A_147, %add3A_150 : i32
          %and3A_152 = arith.andi %ge3A_148, %lt3A_151 : i1
          %convert_element_type3A_153 = arith.extui %and3A_152 : i1 to i32
          %cond3A_154 = arith.constant 0 : i32
          %cond3A_155 = arith.cmpi ne, %convert_element_type3A_153, %cond3A_154 : i32
          scf.if %cond3A_155 {
            %mul3A_263 = arith.constant 128 : i32
            %mul3A_264 = arith.muli %scan3A_27, %mul3A_263 : i32
            %add3A_265 = arith.addi %mul3A_20, %mul3A_264 : i32
            %mul3A_266 = arith.constant 16 : i32
            %mul3A_267 = arith.muli %scan3A_54, %mul3A_266 : i32
            %add3A_268 = arith.addi %add3A_265, %mul3A_267 : i32
            %add3A_269 = arith.constant 7 : i32
            %add3A_270 = arith.addi %add3A_268, %add3A_269 : i32
            %mul3A_271 = arith.constant 256 : i32
            %mul3A_272 = arith.muli %add3A_270, %mul3A_271 : i32
            %mul3A_273 = arith.constant 256 : i32
            %mul3A_274 = arith.muli %select_n3A_145, %mul3A_273 : i32
            %dma_start3A = tpu.memref_slice %arg6[%mul3A_274] : memref<32768xf32, #tpu.memory_space<vmem>> -> memref<256xf32, #tpu.memory_space<vmem>>
            %dma_start3A_275 = tpu.memref_slice %arg2[%mul3A_272] : memref<41943040xf32, #tpu.memory_space<hbm>> -> memref<256xf32, #tpu.memory_space<hbm>>
            %dma_start3A_276 = tpu.memref_slice %arg6[%mul3A_274] : memref<32768xf32, #tpu.memory_space<vmem>> -> memref<256xf32, #tpu.memory_space<vmem>>
            %dma_start3A_277 = tpu.memref_slice %arg2[%mul3A_272] : memref<41943040xf32, #tpu.memory_space<hbm>> -> memref<256xf32, #tpu.memory_space<hbm>>
            tpu.enqueue_dma source(%dma_start3A_277 : memref<256xf32, #tpu.memory_space<hbm>>) target(%dma_start3A_276 : memref<256xf32, #tpu.memory_space<vmem>>) target_semaphore(%arg9 : memref<!tpu.dma_semaphore, #tpu.memory_space<semaphore_mem>>)
            %sub3A = arith.subi %squeeze3A_147, %mul3A_2 : i32
            %swap3A = arith.index_cast %select_n3A_145 : i32 to index
            %swap3A_278 = memref.load %arg8[%swap3A] : memref<128xi32, #tpu.memory_space<smem>>
            memref.store %sub3A, %arg8[%swap3A] : memref<128xi32, #tpu.memory_space<smem>>
          } else {
          }
          %add3A_156 = arith.constant 1 : i32
          %add3A_157 = arith.addi %select_n3A_145, %add3A_156 : i32
          %select_n3A_158 = arith.select %and3A_152, %add3A_157, %select_n3A_145 : i32
          %slice3A_159 = vector.extract_strided_slice %get3A_62 {offsets = [8], sizes = [1], strides = [1]} : vector<16xi32> to vector<1xi32>
          %squeeze3A_160 = vector.extract %slice3A_159[0] : i32 from vector<1xi32>
          %ge3A_161 = arith.cmpi sge, %squeeze3A_160, %mul3A_2 : i32
          %add3A_162 = arith.constant 320 : i32
          %add3A_163 = arith.addi %mul3A_2, %add3A_162 : i32
          %lt3A_164 = arith.cmpi slt, %squeeze3A_160, %add3A_163 : i32
          %and3A_165 = arith.andi %ge3A_161, %lt3A_164 : i1
          %convert_element_type3A_166 = arith.extui %and3A_165 : i1 to i32
          %cond3A_167 = arith.constant 0 : i32
          %cond3A_168 = arith.cmpi ne, %convert_element_type3A_166, %cond3A_167 : i32
          scf.if %cond3A_168 {
            %mul3A_263 = arith.constant 128 : i32
            %mul3A_264 = arith.muli %scan3A_27, %mul3A_263 : i32
            %add3A_265 = arith.addi %mul3A_20, %mul3A_264 : i32
            %mul3A_266 = arith.constant 16 : i32
            %mul3A_267 = arith.muli %scan3A_54, %mul3A_266 : i32
            %add3A_268 = arith.addi %add3A_265, %mul3A_267 : i32
            %add3A_269 = arith.constant 8 : i32
            %add3A_270 = arith.addi %add3A_268, %add3A_269 : i32
            %mul3A_271 = arith.constant 256 : i32
            %mul3A_272 = arith.muli %add3A_270, %mul3A_271 : i32
            %mul3A_273 = arith.constant 256 : i32
            %mul3A_274 = arith.muli %select_n3A_158, %mul3A_273 : i32
            %dma_start3A = tpu.memref_slice %arg6[%mul3A_274] : memref<32768xf32, #tpu.memory_space<vmem>> -> memref<256xf32, #tpu.memory_space<vmem>>
            %dma_start3A_275 = tpu.memref_slice %arg2[%mul3A_272] : memref<41943040xf32, #tpu.memory_space<hbm>> -> memref<256xf32, #tpu.memory_space<hbm>>
            %dma_start3A_276 = tpu.memref_slice %arg6[%mul3A_274] : memref<32768xf32, #tpu.memory_space<vmem>> -> memref<256xf32, #tpu.memory_space<vmem>>
            %dma_start3A_277 = tpu.memref_slice %arg2[%mul3A_272] : memref<41943040xf32, #tpu.memory_space<hbm>> -> memref<256xf32, #tpu.memory_space<hbm>>
            tpu.enqueue_dma source(%dma_start3A_277 : memref<256xf32, #tpu.memory_space<hbm>>) target(%dma_start3A_276 : memref<256xf32, #tpu.memory_space<vmem>>) target_semaphore(%arg9 : memref<!tpu.dma_semaphore, #tpu.memory_space<semaphore_mem>>)
            %sub3A = arith.subi %squeeze3A_160, %mul3A_2 : i32
            %swap3A = arith.index_cast %select_n3A_158 : i32 to index
            %swap3A_278 = memref.load %arg8[%swap3A] : memref<128xi32, #tpu.memory_space<smem>>
            memref.store %sub3A, %arg8[%swap3A] : memref<128xi32, #tpu.memory_space<smem>>
          } else {
          }
          %add3A_169 = arith.constant 1 : i32
          %add3A_170 = arith.addi %select_n3A_158, %add3A_169 : i32
          %select_n3A_171 = arith.select %and3A_165, %add3A_170, %select_n3A_158 : i32
          %slice3A_172 = vector.extract_strided_slice %get3A_62 {offsets = [9], sizes = [1], strides = [1]} : vector<16xi32> to vector<1xi32>
          %squeeze3A_173 = vector.extract %slice3A_172[0] : i32 from vector<1xi32>
          %ge3A_174 = arith.cmpi sge, %squeeze3A_173, %mul3A_2 : i32
          %add3A_175 = arith.constant 320 : i32
          %add3A_176 = arith.addi %mul3A_2, %add3A_175 : i32
          %lt3A_177 = arith.cmpi slt, %squeeze3A_173, %add3A_176 : i32
          %and3A_178 = arith.andi %ge3A_174, %lt3A_177 : i1
          %convert_element_type3A_179 = arith.extui %and3A_178 : i1 to i32
          %cond3A_180 = arith.constant 0 : i32
          %cond3A_181 = arith.cmpi ne, %convert_element_type3A_179, %cond3A_180 : i32
          scf.if %cond3A_181 {
            %mul3A_263 = arith.constant 128 : i32
            %mul3A_264 = arith.muli %scan3A_27, %mul3A_263 : i32
            %add3A_265 = arith.addi %mul3A_20, %mul3A_264 : i32
            %mul3A_266 = arith.constant 16 : i32
            %mul3A_267 = arith.muli %scan3A_54, %mul3A_266 : i32
            %add3A_268 = arith.addi %add3A_265, %mul3A_267 : i32
            %add3A_269 = arith.constant 9 : i32
            %add3A_270 = arith.addi %add3A_268, %add3A_269 : i32
            %mul3A_271 = arith.constant 256 : i32
            %mul3A_272 = arith.muli %add3A_270, %mul3A_271 : i32
            %mul3A_273 = arith.constant 256 : i32
            %mul3A_274 = arith.muli %select_n3A_171, %mul3A_273 : i32
            %dma_start3A = tpu.memref_slice %arg6[%mul3A_274] : memref<32768xf32, #tpu.memory_space<vmem>> -> memref<256xf32, #tpu.memory_space<vmem>>
            %dma_start3A_275 = tpu.memref_slice %arg2[%mul3A_272] : memref<41943040xf32, #tpu.memory_space<hbm>> -> memref<256xf32, #tpu.memory_space<hbm>>
            %dma_start3A_276 = tpu.memref_slice %arg6[%mul3A_274] : memref<32768xf32, #tpu.memory_space<vmem>> -> memref<256xf32, #tpu.memory_space<vmem>>
            %dma_start3A_277 = tpu.memref_slice %arg2[%mul3A_272] : memref<41943040xf32, #tpu.memory_space<hbm>> -> memref<256xf32, #tpu.memory_space<hbm>>
            tpu.enqueue_dma source(%dma_start3A_277 : memref<256xf32, #tpu.memory_space<hbm>>) target(%dma_start3A_276 : memref<256xf32, #tpu.memory_space<vmem>>) target_semaphore(%arg9 : memref<!tpu.dma_semaphore, #tpu.memory_space<semaphore_mem>>)
            %sub3A = arith.subi %squeeze3A_173, %mul3A_2 : i32
            %swap3A = arith.index_cast %select_n3A_171 : i32 to index
            %swap3A_278 = memref.load %arg8[%swap3A] : memref<128xi32, #tpu.memory_space<smem>>
            memref.store %sub3A, %arg8[%swap3A] : memref<128xi32, #tpu.memory_space<smem>>
          } else {
          }
          %add3A_182 = arith.constant 1 : i32
          %add3A_183 = arith.addi %select_n3A_171, %add3A_182 : i32
          %select_n3A_184 = arith.select %and3A_178, %add3A_183, %select_n3A_171 : i32
          %slice3A_185 = vector.extract_strided_slice %get3A_62 {offsets = [10], sizes = [1], strides = [1]} : vector<16xi32> to vector<1xi32>
          %squeeze3A_186 = vector.extract %slice3A_185[0] : i32 from vector<1xi32>
          %ge3A_187 = arith.cmpi sge, %squeeze3A_186, %mul3A_2 : i32
          %add3A_188 = arith.constant 320 : i32
          %add3A_189 = arith.addi %mul3A_2, %add3A_188 : i32
          %lt3A_190 = arith.cmpi slt, %squeeze3A_186, %add3A_189 : i32
          %and3A_191 = arith.andi %ge3A_187, %lt3A_190 : i1
          %convert_element_type3A_192 = arith.extui %and3A_191 : i1 to i32
          %cond3A_193 = arith.constant 0 : i32
          %cond3A_194 = arith.cmpi ne, %convert_element_type3A_192, %cond3A_193 : i32
          scf.if %cond3A_194 {
            %mul3A_263 = arith.constant 128 : i32
            %mul3A_264 = arith.muli %scan3A_27, %mul3A_263 : i32
            %add3A_265 = arith.addi %mul3A_20, %mul3A_264 : i32
            %mul3A_266 = arith.constant 16 : i32
            %mul3A_267 = arith.muli %scan3A_54, %mul3A_266 : i32
            %add3A_268 = arith.addi %add3A_265, %mul3A_267 : i32
            %add3A_269 = arith.constant 10 : i32
            %add3A_270 = arith.addi %add3A_268, %add3A_269 : i32
            %mul3A_271 = arith.constant 256 : i32
            %mul3A_272 = arith.muli %add3A_270, %mul3A_271 : i32
            %mul3A_273 = arith.constant 256 : i32
            %mul3A_274 = arith.muli %select_n3A_184, %mul3A_273 : i32
            %dma_start3A = tpu.memref_slice %arg6[%mul3A_274] : memref<32768xf32, #tpu.memory_space<vmem>> -> memref<256xf32, #tpu.memory_space<vmem>>
            %dma_start3A_275 = tpu.memref_slice %arg2[%mul3A_272] : memref<41943040xf32, #tpu.memory_space<hbm>> -> memref<256xf32, #tpu.memory_space<hbm>>
            %dma_start3A_276 = tpu.memref_slice %arg6[%mul3A_274] : memref<32768xf32, #tpu.memory_space<vmem>> -> memref<256xf32, #tpu.memory_space<vmem>>
            %dma_start3A_277 = tpu.memref_slice %arg2[%mul3A_272] : memref<41943040xf32, #tpu.memory_space<hbm>> -> memref<256xf32, #tpu.memory_space<hbm>>
            tpu.enqueue_dma source(%dma_start3A_277 : memref<256xf32, #tpu.memory_space<hbm>>) target(%dma_start3A_276 : memref<256xf32, #tpu.memory_space<vmem>>) target_semaphore(%arg9 : memref<!tpu.dma_semaphore, #tpu.memory_space<semaphore_mem>>)
            %sub3A = arith.subi %squeeze3A_186, %mul3A_2 : i32
            %swap3A = arith.index_cast %select_n3A_184 : i32 to index
            %swap3A_278 = memref.load %arg8[%swap3A] : memref<128xi32, #tpu.memory_space<smem>>
            memref.store %sub3A, %arg8[%swap3A] : memref<128xi32, #tpu.memory_space<smem>>
          } else {
          }
          %add3A_195 = arith.constant 1 : i32
          %add3A_196 = arith.addi %select_n3A_184, %add3A_195 : i32
          %select_n3A_197 = arith.select %and3A_191, %add3A_196, %select_n3A_184 : i32
          %slice3A_198 = vector.extract_strided_slice %get3A_62 {offsets = [11], sizes = [1], strides = [1]} : vector<16xi32> to vector<1xi32>
          %squeeze3A_199 = vector.extract %slice3A_198[0] : i32 from vector<1xi32>
          %ge3A_200 = arith.cmpi sge, %squeeze3A_199, %mul3A_2 : i32
          %add3A_201 = arith.constant 320 : i32
          %add3A_202 = arith.addi %mul3A_2, %add3A_201 : i32
          %lt3A_203 = arith.cmpi slt, %squeeze3A_199, %add3A_202 : i32
          %and3A_204 = arith.andi %ge3A_200, %lt3A_203 : i1
          %convert_element_type3A_205 = arith.extui %and3A_204 : i1 to i32
          %cond3A_206 = arith.constant 0 : i32
          %cond3A_207 = arith.cmpi ne, %convert_element_type3A_205, %cond3A_206 : i32
          scf.if %cond3A_207 {
            %mul3A_263 = arith.constant 128 : i32
            %mul3A_264 = arith.muli %scan3A_27, %mul3A_263 : i32
            %add3A_265 = arith.addi %mul3A_20, %mul3A_264 : i32
            %mul3A_266 = arith.constant 16 : i32
            %mul3A_267 = arith.muli %scan3A_54, %mul3A_266 : i32
            %add3A_268 = arith.addi %add3A_265, %mul3A_267 : i32
            %add3A_269 = arith.constant 11 : i32
            %add3A_270 = arith.addi %add3A_268, %add3A_269 : i32
            %mul3A_271 = arith.constant 256 : i32
            %mul3A_272 = arith.muli %add3A_270, %mul3A_271 : i32
            %mul3A_273 = arith.constant 256 : i32
            %mul3A_274 = arith.muli %select_n3A_197, %mul3A_273 : i32
            %dma_start3A = tpu.memref_slice %arg6[%mul3A_274] : memref<32768xf32, #tpu.memory_space<vmem>> -> memref<256xf32, #tpu.memory_space<vmem>>
            %dma_start3A_275 = tpu.memref_slice %arg2[%mul3A_272] : memref<41943040xf32, #tpu.memory_space<hbm>> -> memref<256xf32, #tpu.memory_space<hbm>>
            %dma_start3A_276 = tpu.memref_slice %arg6[%mul3A_274] : memref<32768xf32, #tpu.memory_space<vmem>> -> memref<256xf32, #tpu.memory_space<vmem>>
            %dma_start3A_277 = tpu.memref_slice %arg2[%mul3A_272] : memref<41943040xf32, #tpu.memory_space<hbm>> -> memref<256xf32, #tpu.memory_space<hbm>>
            tpu.enqueue_dma source(%dma_start3A_277 : memref<256xf32, #tpu.memory_space<hbm>>) target(%dma_start3A_276 : memref<256xf32, #tpu.memory_space<vmem>>) target_semaphore(%arg9 : memref<!tpu.dma_semaphore, #tpu.memory_space<semaphore_mem>>)
            %sub3A = arith.subi %squeeze3A_199, %mul3A_2 : i32
            %swap3A = arith.index_cast %select_n3A_197 : i32 to index
            %swap3A_278 = memref.load %arg8[%swap3A] : memref<128xi32, #tpu.memory_space<smem>>
            memref.store %sub3A, %arg8[%swap3A] : memref<128xi32, #tpu.memory_space<smem>>
          } else {
          }
          %add3A_208 = arith.constant 1 : i32
          %add3A_209 = arith.addi %select_n3A_197, %add3A_208 : i32
          %select_n3A_210 = arith.select %and3A_204, %add3A_209, %select_n3A_197 : i32
          %slice3A_211 = vector.extract_strided_slice %get3A_62 {offsets = [12], sizes = [1], strides = [1]} : vector<16xi32> to vector<1xi32>
          %squeeze3A_212 = vector.extract %slice3A_211[0] : i32 from vector<1xi32>
          %ge3A_213 = arith.cmpi sge, %squeeze3A_212, %mul3A_2 : i32
          %add3A_214 = arith.constant 320 : i32
          %add3A_215 = arith.addi %mul3A_2, %add3A_214 : i32
          %lt3A_216 = arith.cmpi slt, %squeeze3A_212, %add3A_215 : i32
          %and3A_217 = arith.andi %ge3A_213, %lt3A_216 : i1
          %convert_element_type3A_218 = arith.extui %and3A_217 : i1 to i32
          %cond3A_219 = arith.constant 0 : i32
          %cond3A_220 = arith.cmpi ne, %convert_element_type3A_218, %cond3A_219 : i32
          scf.if %cond3A_220 {
            %mul3A_263 = arith.constant 128 : i32
            %mul3A_264 = arith.muli %scan3A_27, %mul3A_263 : i32
            %add3A_265 = arith.addi %mul3A_20, %mul3A_264 : i32
            %mul3A_266 = arith.constant 16 : i32
            %mul3A_267 = arith.muli %scan3A_54, %mul3A_266 : i32
            %add3A_268 = arith.addi %add3A_265, %mul3A_267 : i32
            %add3A_269 = arith.constant 12 : i32
            %add3A_270 = arith.addi %add3A_268, %add3A_269 : i32
            %mul3A_271 = arith.constant 256 : i32
            %mul3A_272 = arith.muli %add3A_270, %mul3A_271 : i32
            %mul3A_273 = arith.constant 256 : i32
            %mul3A_274 = arith.muli %select_n3A_210, %mul3A_273 : i32
            %dma_start3A = tpu.memref_slice %arg6[%mul3A_274] : memref<32768xf32, #tpu.memory_space<vmem>> -> memref<256xf32, #tpu.memory_space<vmem>>
            %dma_start3A_275 = tpu.memref_slice %arg2[%mul3A_272] : memref<41943040xf32, #tpu.memory_space<hbm>> -> memref<256xf32, #tpu.memory_space<hbm>>
            %dma_start3A_276 = tpu.memref_slice %arg6[%mul3A_274] : memref<32768xf32, #tpu.memory_space<vmem>> -> memref<256xf32, #tpu.memory_space<vmem>>
            %dma_start3A_277 = tpu.memref_slice %arg2[%mul3A_272] : memref<41943040xf32, #tpu.memory_space<hbm>> -> memref<256xf32, #tpu.memory_space<hbm>>
            tpu.enqueue_dma source(%dma_start3A_277 : memref<256xf32, #tpu.memory_space<hbm>>) target(%dma_start3A_276 : memref<256xf32, #tpu.memory_space<vmem>>) target_semaphore(%arg9 : memref<!tpu.dma_semaphore, #tpu.memory_space<semaphore_mem>>)
            %sub3A = arith.subi %squeeze3A_212, %mul3A_2 : i32
            %swap3A = arith.index_cast %select_n3A_210 : i32 to index
            %swap3A_278 = memref.load %arg8[%swap3A] : memref<128xi32, #tpu.memory_space<smem>>
            memref.store %sub3A, %arg8[%swap3A] : memref<128xi32, #tpu.memory_space<smem>>
          } else {
          }
          %add3A_221 = arith.constant 1 : i32
          %add3A_222 = arith.addi %select_n3A_210, %add3A_221 : i32
          %select_n3A_223 = arith.select %and3A_217, %add3A_222, %select_n3A_210 : i32
          %slice3A_224 = vector.extract_strided_slice %get3A_62 {offsets = [13], sizes = [1], strides = [1]} : vector<16xi32> to vector<1xi32>
          %squeeze3A_225 = vector.extract %slice3A_224[0] : i32 from vector<1xi32>
          %ge3A_226 = arith.cmpi sge, %squeeze3A_225, %mul3A_2 : i32
          %add3A_227 = arith.constant 320 : i32
          %add3A_228 = arith.addi %mul3A_2, %add3A_227 : i32
          %lt3A_229 = arith.cmpi slt, %squeeze3A_225, %add3A_228 : i32
          %and3A_230 = arith.andi %ge3A_226, %lt3A_229 : i1
          %convert_element_type3A_231 = arith.extui %and3A_230 : i1 to i32
          %cond3A_232 = arith.constant 0 : i32
          %cond3A_233 = arith.cmpi ne, %convert_element_type3A_231, %cond3A_232 : i32
          scf.if %cond3A_233 {
            %mul3A_263 = arith.constant 128 : i32
            %mul3A_264 = arith.muli %scan3A_27, %mul3A_263 : i32
            %add3A_265 = arith.addi %mul3A_20, %mul3A_264 : i32
            %mul3A_266 = arith.constant 16 : i32
            %mul3A_267 = arith.muli %scan3A_54, %mul3A_266 : i32
            %add3A_268 = arith.addi %add3A_265, %mul3A_267 : i32
            %add3A_269 = arith.constant 13 : i32
            %add3A_270 = arith.addi %add3A_268, %add3A_269 : i32
            %mul3A_271 = arith.constant 256 : i32
            %mul3A_272 = arith.muli %add3A_270, %mul3A_271 : i32
            %mul3A_273 = arith.constant 256 : i32
            %mul3A_274 = arith.muli %select_n3A_223, %mul3A_273 : i32
            %dma_start3A = tpu.memref_slice %arg6[%mul3A_274] : memref<32768xf32, #tpu.memory_space<vmem>> -> memref<256xf32, #tpu.memory_space<vmem>>
            %dma_start3A_275 = tpu.memref_slice %arg2[%mul3A_272] : memref<41943040xf32, #tpu.memory_space<hbm>> -> memref<256xf32, #tpu.memory_space<hbm>>
            %dma_start3A_276 = tpu.memref_slice %arg6[%mul3A_274] : memref<32768xf32, #tpu.memory_space<vmem>> -> memref<256xf32, #tpu.memory_space<vmem>>
            %dma_start3A_277 = tpu.memref_slice %arg2[%mul3A_272] : memref<41943040xf32, #tpu.memory_space<hbm>> -> memref<256xf32, #tpu.memory_space<hbm>>
            tpu.enqueue_dma source(%dma_start3A_277 : memref<256xf32, #tpu.memory_space<hbm>>) target(%dma_start3A_276 : memref<256xf32, #tpu.memory_space<vmem>>) target_semaphore(%arg9 : memref<!tpu.dma_semaphore, #tpu.memory_space<semaphore_mem>>)
            %sub3A = arith.subi %squeeze3A_225, %mul3A_2 : i32
            %swap3A = arith.index_cast %select_n3A_223 : i32 to index
            %swap3A_278 = memref.load %arg8[%swap3A] : memref<128xi32, #tpu.memory_space<smem>>
            memref.store %sub3A, %arg8[%swap3A] : memref<128xi32, #tpu.memory_space<smem>>
          } else {
          }
          %add3A_234 = arith.constant 1 : i32
          %add3A_235 = arith.addi %select_n3A_223, %add3A_234 : i32
          %select_n3A_236 = arith.select %and3A_230, %add3A_235, %select_n3A_223 : i32
          %slice3A_237 = vector.extract_strided_slice %get3A_62 {offsets = [14], sizes = [1], strides = [1]} : vector<16xi32> to vector<1xi32>
          %squeeze3A_238 = vector.extract %slice3A_237[0] : i32 from vector<1xi32>
          %ge3A_239 = arith.cmpi sge, %squeeze3A_238, %mul3A_2 : i32
          %add3A_240 = arith.constant 320 : i32
          %add3A_241 = arith.addi %mul3A_2, %add3A_240 : i32
          %lt3A_242 = arith.cmpi slt, %squeeze3A_238, %add3A_241 : i32
          %and3A_243 = arith.andi %ge3A_239, %lt3A_242 : i1
          %convert_element_type3A_244 = arith.extui %and3A_243 : i1 to i32
          %cond3A_245 = arith.constant 0 : i32
          %cond3A_246 = arith.cmpi ne, %convert_element_type3A_244, %cond3A_245 : i32
          scf.if %cond3A_246 {
            %mul3A_263 = arith.constant 128 : i32
            %mul3A_264 = arith.muli %scan3A_27, %mul3A_263 : i32
            %add3A_265 = arith.addi %mul3A_20, %mul3A_264 : i32
            %mul3A_266 = arith.constant 16 : i32
            %mul3A_267 = arith.muli %scan3A_54, %mul3A_266 : i32
            %add3A_268 = arith.addi %add3A_265, %mul3A_267 : i32
            %add3A_269 = arith.constant 14 : i32
            %add3A_270 = arith.addi %add3A_268, %add3A_269 : i32
            %mul3A_271 = arith.constant 256 : i32
            %mul3A_272 = arith.muli %add3A_270, %mul3A_271 : i32
            %mul3A_273 = arith.constant 256 : i32
            %mul3A_274 = arith.muli %select_n3A_236, %mul3A_273 : i32
            %dma_start3A = tpu.memref_slice %arg6[%mul3A_274] : memref<32768xf32, #tpu.memory_space<vmem>> -> memref<256xf32, #tpu.memory_space<vmem>>
            %dma_start3A_275 = tpu.memref_slice %arg2[%mul3A_272] : memref<41943040xf32, #tpu.memory_space<hbm>> -> memref<256xf32, #tpu.memory_space<hbm>>
            %dma_start3A_276 = tpu.memref_slice %arg6[%mul3A_274] : memref<32768xf32, #tpu.memory_space<vmem>> -> memref<256xf32, #tpu.memory_space<vmem>>
            %dma_start3A_277 = tpu.memref_slice %arg2[%mul3A_272] : memref<41943040xf32, #tpu.memory_space<hbm>> -> memref<256xf32, #tpu.memory_space<hbm>>
            tpu.enqueue_dma source(%dma_start3A_277 : memref<256xf32, #tpu.memory_space<hbm>>) target(%dma_start3A_276 : memref<256xf32, #tpu.memory_space<vmem>>) target_semaphore(%arg9 : memref<!tpu.dma_semaphore, #tpu.memory_space<semaphore_mem>>)
            %sub3A = arith.subi %squeeze3A_238, %mul3A_2 : i32
            %swap3A = arith.index_cast %select_n3A_236 : i32 to index
            %swap3A_278 = memref.load %arg8[%swap3A] : memref<128xi32, #tpu.memory_space<smem>>
            memref.store %sub3A, %arg8[%swap3A] : memref<128xi32, #tpu.memory_space<smem>>
          } else {
          }
          %add3A_247 = arith.constant 1 : i32
          %add3A_248 = arith.addi %select_n3A_236, %add3A_247 : i32
          %select_n3A_249 = arith.select %and3A_243, %add3A_248, %select_n3A_236 : i32
          %slice3A_250 = vector.extract_strided_slice %get3A_62 {offsets = [15], sizes = [1], strides = [1]} : vector<16xi32> to vector<1xi32>
          %squeeze3A_251 = vector.extract %slice3A_250[0] : i32 from vector<1xi32>
          %ge3A_252 = arith.cmpi sge, %squeeze3A_251, %mul3A_2 : i32
          %add3A_253 = arith.constant 320 : i32
          %add3A_254 = arith.addi %mul3A_2, %add3A_253 : i32
          %lt3A_255 = arith.cmpi slt, %squeeze3A_251, %add3A_254 : i32
          %and3A_256 = arith.andi %ge3A_252, %lt3A_255 : i1
          %convert_element_type3A_257 = arith.extui %and3A_256 : i1 to i32
          %cond3A_258 = arith.constant 0 : i32
          %cond3A_259 = arith.cmpi ne, %convert_element_type3A_257, %cond3A_258 : i32
          scf.if %cond3A_259 {
            %mul3A_263 = arith.constant 128 : i32
            %mul3A_264 = arith.muli %scan3A_27, %mul3A_263 : i32
            %add3A_265 = arith.addi %mul3A_20, %mul3A_264 : i32
            %mul3A_266 = arith.constant 16 : i32
            %mul3A_267 = arith.muli %scan3A_54, %mul3A_266 : i32
            %add3A_268 = arith.addi %add3A_265, %mul3A_267 : i32
            %add3A_269 = arith.constant 15 : i32
            %add3A_270 = arith.addi %add3A_268, %add3A_269 : i32
            %mul3A_271 = arith.constant 256 : i32
            %mul3A_272 = arith.muli %add3A_270, %mul3A_271 : i32
            %mul3A_273 = arith.constant 256 : i32
            %mul3A_274 = arith.muli %select_n3A_249, %mul3A_273 : i32
            %dma_start3A = tpu.memref_slice %arg6[%mul3A_274] : memref<32768xf32, #tpu.memory_space<vmem>> -> memref<256xf32, #tpu.memory_space<vmem>>
            %dma_start3A_275 = tpu.memref_slice %arg2[%mul3A_272] : memref<41943040xf32, #tpu.memory_space<hbm>> -> memref<256xf32, #tpu.memory_space<hbm>>
            %dma_start3A_276 = tpu.memref_slice %arg6[%mul3A_274] : memref<32768xf32, #tpu.memory_space<vmem>> -> memref<256xf32, #tpu.memory_space<vmem>>
            %dma_start3A_277 = tpu.memref_slice %arg2[%mul3A_272] : memref<41943040xf32, #tpu.memory_space<hbm>> -> memref<256xf32, #tpu.memory_space<hbm>>
            tpu.enqueue_dma source(%dma_start3A_277 : memref<256xf32, #tpu.memory_space<hbm>>) target(%dma_start3A_276 : memref<256xf32, #tpu.memory_space<vmem>>) target_semaphore(%arg9 : memref<!tpu.dma_semaphore, #tpu.memory_space<semaphore_mem>>)
            %sub3A = arith.subi %squeeze3A_251, %mul3A_2 : i32
            %swap3A = arith.index_cast %select_n3A_249 : i32 to index
            %swap3A_278 = memref.load %arg8[%swap3A] : memref<128xi32, #tpu.memory_space<smem>>
            memref.store %sub3A, %arg8[%swap3A] : memref<128xi32, #tpu.memory_space<smem>>
          } else {
          }
          %add3A_260 = arith.constant 1 : i32
          %add3A_261 = arith.addi %select_n3A_249, %add3A_260 : i32
          %select_n3A_262 = arith.select %and3A_256, %add3A_261, %select_n3A_249 : i32
          scf.yield %select_n3A_262 : i32
        }
        %scan3A_34 = arith.constant 8 : i32
        %while3A = arith.constant 0 : i32
        %while3A_35 = arith.constant 0 : i32
        %while3A_36 = arith.subi %scan3A_33, %while3A_35 : i32
        %while3A_37 = arith.addi %while3A_35, %while3A_36 : i32
        %while3A_38 = arith.constant 1 : i32
        %while3A_39 = arith.divsi %while3A_36, %while3A_38 : i32
        %while3A_40 = arith.muli %while3A_39, %while3A_38 : i32
        %while3A_41 = arith.addi %while3A_35, %while3A_40 : i32
        %while3A_42 = arith.constant 1 : i32
        scf.for %while3A_54 = %while3A_35 to %while3A_41 step %while3A_42  : i32 {
          %dma_wait3A = arith.constant 0 : i32
          %dma_wait3A_55 = tpu.memref_slice %arg6[%dma_wait3A] : memref<32768xf32, #tpu.memory_space<vmem>> -> memref<256xf32, #tpu.memory_space<vmem>>
          %dma_wait3A_56 = arith.constant 0 : i32
          %dma_wait3A_57 = tpu.memref_slice %arg2[%dma_wait3A_56] : memref<41943040xf32, #tpu.memory_space<hbm>> -> memref<256xf32, #tpu.memory_space<hbm>>
          %dma_wait3A_58 = arith.constant 0 : i32
          %dma_wait3A_59 = tpu.memref_slice %arg6[%dma_wait3A_58] : memref<32768xf32, #tpu.memory_space<vmem>> -> memref<256xf32, #tpu.memory_space<vmem>>
          %dma_wait3A_60 = arith.constant 0 : i32
          %dma_wait3A_61 = tpu.memref_slice %arg2[%dma_wait3A_60] : memref<41943040xf32, #tpu.memory_space<hbm>> -> memref<256xf32, #tpu.memory_space<hbm>>
          tpu.wait_dma2 semaphore(%arg9 : memref<!tpu.dma_semaphore, #tpu.memory_space<semaphore_mem>>) src(%dma_wait3A_61 : memref<256xf32, #tpu.memory_space<hbm>>) dst(%dma_wait3A_59 : memref<256xf32, #tpu.memory_space<vmem>>)
        }
        %while3A_43 = arith.constant 1 : i32
        scf.for %while3A_54 = %while3A_41 to %while3A_37 step %while3A_43  : i32 {
          %dma_wait3A = arith.constant 0 : i32
          %dma_wait3A_55 = tpu.memref_slice %arg6[%dma_wait3A] : memref<32768xf32, #tpu.memory_space<vmem>> -> memref<256xf32, #tpu.memory_space<vmem>>
          %dma_wait3A_56 = arith.constant 0 : i32
          %dma_wait3A_57 = tpu.memref_slice %arg2[%dma_wait3A_56] : memref<41943040xf32, #tpu.memory_space<hbm>> -> memref<256xf32, #tpu.memory_space<hbm>>
          %dma_wait3A_58 = arith.constant 0 : i32
          %dma_wait3A_59 = tpu.memref_slice %arg6[%dma_wait3A_58] : memref<32768xf32, #tpu.memory_space<vmem>> -> memref<256xf32, #tpu.memory_space<vmem>>
          %dma_wait3A_60 = arith.constant 0 : i32
          %dma_wait3A_61 = tpu.memref_slice %arg2[%dma_wait3A_60] : memref<41943040xf32, #tpu.memory_space<hbm>> -> memref<256xf32, #tpu.memory_space<hbm>>
          tpu.wait_dma2 semaphore(%arg9 : memref<!tpu.dma_semaphore, #tpu.memory_space<semaphore_mem>>) src(%dma_wait3A_61 : memref<256xf32, #tpu.memory_space<hbm>>) dst(%dma_wait3A_59 : memref<256xf32, #tpu.memory_space<vmem>>)
        }
        %while3A_44 = arith.constant 0 : i32
        %while3A_45 = arith.constant 0 : i32
        %while3A_46 = arith.subi %scan3A_33, %while3A_45 : i32
        %while3A_47 = arith.addi %while3A_45, %while3A_46 : i32
        %while3A_48 = arith.constant 1 : i32
        %while3A_49 = arith.divsi %while3A_46, %while3A_48 : i32
        %while3A_50 = arith.muli %while3A_49, %while3A_48 : i32
        %while3A_51 = arith.addi %while3A_45, %while3A_50 : i32
        %while3A_52 = arith.constant 1 : i32
        scf.for %while3A_54 = %while3A_45 to %while3A_51 step %while3A_52  : i32 {
          %get3A = arith.index_cast %while3A_54 : i32 to index
          %get3A_55 = memref.load %arg8[%get3A] : memref<128xi32, #tpu.memory_space<smem>>
          %mul3A_56 = arith.constant 256 : i32
          %mul3A_57 = arith.muli %get3A_55, %mul3A_56 : i32
          %add3A_58 = arith.constant 0 : i32
          %add3A_59 = arith.addi %mul3A_57, %add3A_58 : i32
          %get3A_60 = arith.index_cast %add3A_59 : i32 to index
          %get3A_61 = tpu.vector_load %arg7[%get3A_60] {strides = array<i32>} : memref<81920xf32, #tpu.memory_space<vmem>>, vector<16xf32>,
          %get3A_62 = vector.shape_cast %get3A_61 : vector<16xf32> to vector<16xf32>
          %mul3A_63 = arith.constant 256 : i32
          %mul3A_64 = arith.muli %while3A_54, %mul3A_63 : i32
          %add3A_65 = arith.constant 0 : i32
          %add3A_66 = arith.addi %mul3A_64, %add3A_65 : i32
          %get3A_67 = arith.index_cast %add3A_66 : i32 to index
          %get3A_68 = tpu.vector_load %arg6[%get3A_67] {strides = array<i32>} : memref<32768xf32, #tpu.memory_space<vmem>>, vector<16xf32>,
          %get3A_69 = vector.shape_cast %get3A_68 : vector<16xf32> to vector<16xf32>
          %gt3A = arith.cmpf ogt, %get3A_69, %get3A_62 : vector<16xf32>
          %select_n3A = arith.select %gt3A, %get3A_69, %get3A_62 : vector<16xi1>, vector<16xf32>
          %mul3A_70 = arith.constant 256 : i32
          %mul3A_71 = arith.muli %get3A_55, %mul3A_70 : i32
          %add3A_72 = arith.constant 0 : i32
          %add3A_73 = arith.addi %mul3A_71, %add3A_72 : i32
          %swap3A = arith.index_cast %add3A_73 : i32 to index
          %swap3A_74 = tpu.vector_load %arg7[%swap3A] {strides = array<i32>} : memref<81920xf32, #tpu.memory_space<vmem>>, vector<16xf32>,
          %swap3A_75 = vector.shape_cast %swap3A_74 : vector<16xf32> to vector<16xf32>
          %swap3A_76 = vector.shape_cast %select_n3A : vector<16xf32> to vector<16xf32>
          tpu.vector_store %arg7[%swap3A], %swap3A_76 {strides = array<i32>} : memref<81920xf32, #tpu.memory_space<vmem>>, vector<16xf32>,
          %mul3A_77 = arith.constant 256 : i32
          %mul3A_78 = arith.muli %get3A_55, %mul3A_77 : i32
          %add3A_79 = arith.constant 16 : i32
          %add3A_80 = arith.addi %mul3A_78, %add3A_79 : i32
          %get3A_81 = arith.index_cast %add3A_80 : i32 to index
          %get3A_82 = tpu.vector_load %arg7[%get3A_81] {strides = array<i32>} : memref<81920xf32, #tpu.memory_space<vmem>>, vector<16xf32>,
          %get3A_83 = vector.shape_cast %get3A_82 : vector<16xf32> to vector<16xf32>
          %mul3A_84 = arith.constant 256 : i32
          %mul3A_85 = arith.muli %while3A_54, %mul3A_84 : i32
          %add3A_86 = arith.constant 16 : i32
          %add3A_87 = arith.addi %mul3A_85, %add3A_86 : i32
          %get3A_88 = arith.index_cast %add3A_87 : i32 to index
          %get3A_89 = tpu.vector_load %arg6[%get3A_88] {strides = array<i32>} : memref<32768xf32, #tpu.memory_space<vmem>>, vector<16xf32>,
          %get3A_90 = vector.shape_cast %get3A_89 : vector<16xf32> to vector<16xf32>
          %gt3A_91 = arith.cmpf ogt, %get3A_90, %get3A_83 : vector<16xf32>
          %select_n3A_92 = arith.select %gt3A_91, %get3A_90, %get3A_83 : vector<16xi1>, vector<16xf32>
          %mul3A_93 = arith.constant 256 : i32
          %mul3A_94 = arith.muli %get3A_55, %mul3A_93 : i32
          %add3A_95 = arith.constant 16 : i32
          %add3A_96 = arith.addi %mul3A_94, %add3A_95 : i32
          %swap3A_97 = arith.index_cast %add3A_96 : i32 to index
          %swap3A_98 = tpu.vector_load %arg7[%swap3A_97] {strides = array<i32>} : memref<81920xf32, #tpu.memory_space<vmem>>, vector<16xf32>,
          %swap3A_99 = vector.shape_cast %swap3A_98 : vector<16xf32> to vector<16xf32>
          %swap3A_100 = vector.shape_cast %select_n3A_92 : vector<16xf32> to vector<16xf32>
          tpu.vector_store %arg7[%swap3A_97], %swap3A_100 {strides = array<i32>} : memref<81920xf32, #tpu.memory_space<vmem>>, vector<16xf32>,
          %mul3A_101 = arith.constant 256 : i32
          %mul3A_102 = arith.muli %get3A_55, %mul3A_101 : i32
          %add3A_103 = arith.constant 32 : i32
          %add3A_104 = arith.addi %mul3A_102, %add3A_103 : i32
          %get3A_105 = arith.index_cast %add3A_104 : i32 to index
          %get3A_106 = tpu.vector_load %arg7[%get3A_105] {strides = array<i32>} : memref<81920xf32, #tpu.memory_space<vmem>>, vector<16xf32>,
          %get3A_107 = vector.shape_cast %get3A_106 : vector<16xf32> to vector<16xf32>
          %mul3A_108 = arith.constant 256 : i32
          %mul3A_109 = arith.muli %while3A_54, %mul3A_108 : i32
          %add3A_110 = arith.constant 32 : i32
          %add3A_111 = arith.addi %mul3A_109, %add3A_110 : i32
          %get3A_112 = arith.index_cast %add3A_111 : i32 to index
          %get3A_113 = tpu.vector_load %arg6[%get3A_112] {strides = array<i32>} : memref<32768xf32, #tpu.memory_space<vmem>>, vector<16xf32>,
          %get3A_114 = vector.shape_cast %get3A_113 : vector<16xf32> to vector<16xf32>
          %gt3A_115 = arith.cmpf ogt, %get3A_114, %get3A_107 : vector<16xf32>
          %select_n3A_116 = arith.select %gt3A_115, %get3A_114, %get3A_107 : vector<16xi1>, vector<16xf32>
          %mul3A_117 = arith.constant 256 : i32
          %mul3A_118 = arith.muli %get3A_55, %mul3A_117 : i32
          %add3A_119 = arith.constant 32 : i32
          %add3A_120 = arith.addi %mul3A_118, %add3A_119 : i32
          %swap3A_121 = arith.index_cast %add3A_120 : i32 to index
          %swap3A_122 = tpu.vector_load %arg7[%swap3A_121] {strides = array<i32>} : memref<81920xf32, #tpu.memory_space<vmem>>, vector<16xf32>,
          %swap3A_123 = vector.shape_cast %swap3A_122 : vector<16xf32> to vector<16xf32>
          %swap3A_124 = vector.shape_cast %select_n3A_116 : vector<16xf32> to vector<16xf32>
          tpu.vector_store %arg7[%swap3A_121], %swap3A_124 {strides = array<i32>} : memref<81920xf32, #tpu.memory_space<vmem>>, vector<16xf32>,
          %mul3A_125 = arith.constant 256 : i32
          %mul3A_126 = arith.muli %get3A_55, %mul3A_125 : i32
          %add3A_127 = arith.constant 48 : i32
          %add3A_128 = arith.addi %mul3A_126, %add3A_127 : i32
          %get3A_129 = arith.index_cast %add3A_128 : i32 to index
          %get3A_130 = tpu.vector_load %arg7[%get3A_129] {strides = array<i32>} : memref<81920xf32, #tpu.memory_space<vmem>>, vector<16xf32>,
          %get3A_131 = vector.shape_cast %get3A_130 : vector<16xf32> to vector<16xf32>
          %mul3A_132 = arith.constant 256 : i32
          %mul3A_133 = arith.muli %while3A_54, %mul3A_132 : i32
          %add3A_134 = arith.constant 48 : i32
          %add3A_135 = arith.addi %mul3A_133, %add3A_134 : i32
          %get3A_136 = arith.index_cast %add3A_135 : i32 to index
          %get3A_137 = tpu.vector_load %arg6[%get3A_136] {strides = array<i32>} : memref<32768xf32, #tpu.memory_space<vmem>>, vector<16xf32>,
          %get3A_138 = vector.shape_cast %get3A_137 : vector<16xf32> to vector<16xf32>
          %gt3A_139 = arith.cmpf ogt, %get3A_138, %get3A_131 : vector<16xf32>
          %select_n3A_140 = arith.select %gt3A_139, %get3A_138, %get3A_131 : vector<16xi1>, vector<16xf32>
          %mul3A_141 = arith.constant 256 : i32
          %mul3A_142 = arith.muli %get3A_55, %mul3A_141 : i32
          %add3A_143 = arith.constant 48 : i32
          %add3A_144 = arith.addi %mul3A_142, %add3A_143 : i32
          %swap3A_145 = arith.index_cast %add3A_144 : i32 to index
          %swap3A_146 = tpu.vector_load %arg7[%swap3A_145] {strides = array<i32>} : memref<81920xf32, #tpu.memory_space<vmem>>, vector<16xf32>,
          %swap3A_147 = vector.shape_cast %swap3A_146 : vector<16xf32> to vector<16xf32>
          %swap3A_148 = vector.shape_cast %select_n3A_140 : vector<16xf32> to vector<16xf32>
          tpu.vector_store %arg7[%swap3A_145], %swap3A_148 {strides = array<i32>} : memref<81920xf32, #tpu.memory_space<vmem>>, vector<16xf32>,
          %mul3A_149 = arith.constant 256 : i32
          %mul3A_150 = arith.muli %get3A_55, %mul3A_149 : i32
          %add3A_151 = arith.constant 64 : i32
          %add3A_152 = arith.addi %mul3A_150, %add3A_151 : i32
          %get3A_153 = arith.index_cast %add3A_152 : i32 to index
          %get3A_154 = tpu.vector_load %arg7[%get3A_153] {strides = array<i32>} : memref<81920xf32, #tpu.memory_space<vmem>>, vector<16xf32>,
          %get3A_155 = vector.shape_cast %get3A_154 : vector<16xf32> to vector<16xf32>
          %mul3A_156 = arith.constant 256 : i32
          %mul3A_157 = arith.muli %while3A_54, %mul3A_156 : i32
          %add3A_158 = arith.constant 64 : i32
          %add3A_159 = arith.addi %mul3A_157, %add3A_158 : i32
          %get3A_160 = arith.index_cast %add3A_159 : i32 to index
          %get3A_161 = tpu.vector_load %arg6[%get3A_160] {strides = array<i32>} : memref<32768xf32, #tpu.memory_space<vmem>>, vector<16xf32>,
          %get3A_162 = vector.shape_cast %get3A_161 : vector<16xf32> to vector<16xf32>
          %gt3A_163 = arith.cmpf ogt, %get3A_162, %get3A_155 : vector<16xf32>
          %select_n3A_164 = arith.select %gt3A_163, %get3A_162, %get3A_155 : vector<16xi1>, vector<16xf32>
          %mul3A_165 = arith.constant 256 : i32
          %mul3A_166 = arith.muli %get3A_55, %mul3A_165 : i32
          %add3A_167 = arith.constant 64 : i32
          %add3A_168 = arith.addi %mul3A_166, %add3A_167 : i32
          %swap3A_169 = arith.index_cast %add3A_168 : i32 to index
          %swap3A_170 = tpu.vector_load %arg7[%swap3A_169] {strides = array<i32>} : memref<81920xf32, #tpu.memory_space<vmem>>, vector<16xf32>,
          %swap3A_171 = vector.shape_cast %swap3A_170 : vector<16xf32> to vector<16xf32>
          %swap3A_172 = vector.shape_cast %select_n3A_164 : vector<16xf32> to vector<16xf32>
          tpu.vector_store %arg7[%swap3A_169], %swap3A_172 {strides = array<i32>} : memref<81920xf32, #tpu.memory_space<vmem>>, vector<16xf32>,
          %mul3A_173 = arith.constant 256 : i32
          %mul3A_174 = arith.muli %get3A_55, %mul3A_173 : i32
          %add3A_175 = arith.constant 80 : i32
          %add3A_176 = arith.addi %mul3A_174, %add3A_175 : i32
          %get3A_177 = arith.index_cast %add3A_176 : i32 to index
          %get3A_178 = tpu.vector_load %arg7[%get3A_177] {strides = array<i32>} : memref<81920xf32, #tpu.memory_space<vmem>>, vector<16xf32>,
          %get3A_179 = vector.shape_cast %get3A_178 : vector<16xf32> to vector<16xf32>
          %mul3A_180 = arith.constant 256 : i32
          %mul3A_181 = arith.muli %while3A_54, %mul3A_180 : i32
          %add3A_182 = arith.constant 80 : i32
          %add3A_183 = arith.addi %mul3A_181, %add3A_182 : i32
          %get3A_184 = arith.index_cast %add3A_183 : i32 to index
          %get3A_185 = tpu.vector_load %arg6[%get3A_184] {strides = array<i32>} : memref<32768xf32, #tpu.memory_space<vmem>>, vector<16xf32>,
          %get3A_186 = vector.shape_cast %get3A_185 : vector<16xf32> to vector<16xf32>
          %gt3A_187 = arith.cmpf ogt, %get3A_186, %get3A_179 : vector<16xf32>
          %select_n3A_188 = arith.select %gt3A_187, %get3A_186, %get3A_179 : vector<16xi1>, vector<16xf32>
          %mul3A_189 = arith.constant 256 : i32
          %mul3A_190 = arith.muli %get3A_55, %mul3A_189 : i32
          %add3A_191 = arith.constant 80 : i32
          %add3A_192 = arith.addi %mul3A_190, %add3A_191 : i32
          %swap3A_193 = arith.index_cast %add3A_192 : i32 to index
          %swap3A_194 = tpu.vector_load %arg7[%swap3A_193] {strides = array<i32>} : memref<81920xf32, #tpu.memory_space<vmem>>, vector<16xf32>,
          %swap3A_195 = vector.shape_cast %swap3A_194 : vector<16xf32> to vector<16xf32>
          %swap3A_196 = vector.shape_cast %select_n3A_188 : vector<16xf32> to vector<16xf32>
          tpu.vector_store %arg7[%swap3A_193], %swap3A_196 {strides = array<i32>} : memref<81920xf32, #tpu.memory_space<vmem>>, vector<16xf32>,
          %mul3A_197 = arith.constant 256 : i32
          %mul3A_198 = arith.muli %get3A_55, %mul3A_197 : i32
          %add3A_199 = arith.constant 96 : i32
          %add3A_200 = arith.addi %mul3A_198, %add3A_199 : i32
          %get3A_201 = arith.index_cast %add3A_200 : i32 to index
          %get3A_202 = tpu.vector_load %arg7[%get3A_201] {strides = array<i32>} : memref<81920xf32, #tpu.memory_space<vmem>>, vector<16xf32>,
          %get3A_203 = vector.shape_cast %get3A_202 : vector<16xf32> to vector<16xf32>
          %mul3A_204 = arith.constant 256 : i32
          %mul3A_205 = arith.muli %while3A_54, %mul3A_204 : i32
          %add3A_206 = arith.constant 96 : i32
          %add3A_207 = arith.addi %mul3A_205, %add3A_206 : i32
          %get3A_208 = arith.index_cast %add3A_207 : i32 to index
          %get3A_209 = tpu.vector_load %arg6[%get3A_208] {strides = array<i32>} : memref<32768xf32, #tpu.memory_space<vmem>>, vector<16xf32>,
          %get3A_210 = vector.shape_cast %get3A_209 : vector<16xf32> to vector<16xf32>
          %gt3A_211 = arith.cmpf ogt, %get3A_210, %get3A_203 : vector<16xf32>
          %select_n3A_212 = arith.select %gt3A_211, %get3A_210, %get3A_203 : vector<16xi1>, vector<16xf32>
          %mul3A_213 = arith.constant 256 : i32
          %mul3A_214 = arith.muli %get3A_55, %mul3A_213 : i32
          %add3A_215 = arith.constant 96 : i32
          %add3A_216 = arith.addi %mul3A_214, %add3A_215 : i32
          %swap3A_217 = arith.index_cast %add3A_216 : i32 to index
          %swap3A_218 = tpu.vector_load %arg7[%swap3A_217] {strides = array<i32>} : memref<81920xf32, #tpu.memory_space<vmem>>, vector<16xf32>,
          %swap3A_219 = vector.shape_cast %swap3A_218 : vector<16xf32> to vector<16xf32>
          %swap3A_220 = vector.shape_cast %select_n3A_212 : vector<16xf32> to vector<16xf32>
          tpu.vector_store %arg7[%swap3A_217], %swap3A_220 {strides = array<i32>} : memref<81920xf32, #tpu.memory_space<vmem>>, vector<16xf32>,
          %mul3A_221 = arith.constant 256 : i32
          %mul3A_222 = arith.muli %get3A_55, %mul3A_221 : i32
          %add3A_223 = arith.constant 112 : i32
          %add3A_224 = arith.addi %mul3A_222, %add3A_223 : i32
          %get3A_225 = arith.index_cast %add3A_224 : i32 to index
          %get3A_226 = tpu.vector_load %arg7[%get3A_225] {strides = array<i32>} : memref<81920xf32, #tpu.memory_space<vmem>>, vector<16xf32>,
          %get3A_227 = vector.shape_cast %get3A_226 : vector<16xf32> to vector<16xf32>
          %mul3A_228 = arith.constant 256 : i32
          %mul3A_229 = arith.muli %while3A_54, %mul3A_228 : i32
          %add3A_230 = arith.constant 112 : i32
          %add3A_231 = arith.addi %mul3A_229, %add3A_230 : i32
          %get3A_232 = arith.index_cast %add3A_231 : i32 to index
          %get3A_233 = tpu.vector_load %arg6[%get3A_232] {strides = array<i32>} : memref<32768xf32, #tpu.memory_space<vmem>>, vector<16xf32>,
          %get3A_234 = vector.shape_cast %get3A_233 : vector<16xf32> to vector<16xf32>
          %gt3A_235 = arith.cmpf ogt, %get3A_234, %get3A_227 : vector<16xf32>
          %select_n3A_236 = arith.select %gt3A_235, %get3A_234, %get3A_227 : vector<16xi1>, vector<16xf32>
          %mul3A_237 = arith.constant 256 : i32
          %mul3A_238 = arith.muli %get3A_55, %mul3A_237 : i32
          %add3A_239 = arith.constant 112 : i32
          %add3A_240 = arith.addi %mul3A_238, %add3A_239 : i32
          %swap3A_241 = arith.index_cast %add3A_240 : i32 to index
          %swap3A_242 = tpu.vector_load %arg7[%swap3A_241] {strides = array<i32>} : memref<81920xf32, #tpu.memory_space<vmem>>, vector<16xf32>,
          %swap3A_243 = vector.shape_cast %swap3A_242 : vector<16xf32> to vector<16xf32>
          %swap3A_244 = vector.shape_cast %select_n3A_236 : vector<16xf32> to vector<16xf32>
          tpu.vector_store %arg7[%swap3A_241], %swap3A_244 {strides = array<i32>} : memref<81920xf32, #tpu.memory_space<vmem>>, vector<16xf32>,
          %mul3A_245 = arith.constant 256 : i32
          %mul3A_246 = arith.muli %get3A_55, %mul3A_245 : i32
          %add3A_247 = arith.constant 128 : i32
          %add3A_248 = arith.addi %mul3A_246, %add3A_247 : i32
          %get3A_249 = arith.index_cast %add3A_248 : i32 to index
          %get3A_250 = tpu.vector_load %arg7[%get3A_249] {strides = array<i32>} : memref<81920xf32, #tpu.memory_space<vmem>>, vector<16xf32>,
          %get3A_251 = vector.shape_cast %get3A_250 : vector<16xf32> to vector<16xf32>
          %mul3A_252 = arith.constant 256 : i32
          %mul3A_253 = arith.muli %while3A_54, %mul3A_252 : i32
          %add3A_254 = arith.constant 128 : i32
          %add3A_255 = arith.addi %mul3A_253, %add3A_254 : i32
          %get3A_256 = arith.index_cast %add3A_255 : i32 to index
          %get3A_257 = tpu.vector_load %arg6[%get3A_256] {strides = array<i32>} : memref<32768xf32, #tpu.memory_space<vmem>>, vector<16xf32>,
          %get3A_258 = vector.shape_cast %get3A_257 : vector<16xf32> to vector<16xf32>
          %gt3A_259 = arith.cmpf ogt, %get3A_258, %get3A_251 : vector<16xf32>
          %select_n3A_260 = arith.select %gt3A_259, %get3A_258, %get3A_251 : vector<16xi1>, vector<16xf32>
          %mul3A_261 = arith.constant 256 : i32
          %mul3A_262 = arith.muli %get3A_55, %mul3A_261 : i32
          %add3A_263 = arith.constant 128 : i32
          %add3A_264 = arith.addi %mul3A_262, %add3A_263 : i32
          %swap3A_265 = arith.index_cast %add3A_264 : i32 to index
          %swap3A_266 = tpu.vector_load %arg7[%swap3A_265] {strides = array<i32>} : memref<81920xf32, #tpu.memory_space<vmem>>, vector<16xf32>,
          %swap3A_267 = vector.shape_cast %swap3A_266 : vector<16xf32> to vector<16xf32>
          %swap3A_268 = vector.shape_cast %select_n3A_260 : vector<16xf32> to vector<16xf32>
          tpu.vector_store %arg7[%swap3A_265], %swap3A_268 {strides = array<i32>} : memref<81920xf32, #tpu.memory_space<vmem>>, vector<16xf32>,
          %mul3A_269 = arith.constant 256 : i32
          %mul3A_270 = arith.muli %get3A_55, %mul3A_269 : i32
          %add3A_271 = arith.constant 144 : i32
          %add3A_272 = arith.addi %mul3A_270, %add3A_271 : i32
          %get3A_273 = arith.index_cast %add3A_272 : i32 to index
          %get3A_274 = tpu.vector_load %arg7[%get3A_273] {strides = array<i32>} : memref<81920xf32, #tpu.memory_space<vmem>>, vector<16xf32>,
          %get3A_275 = vector.shape_cast %get3A_274 : vector<16xf32> to vector<16xf32>
          %mul3A_276 = arith.constant 256 : i32
          %mul3A_277 = arith.muli %while3A_54, %mul3A_276 : i32
          %add3A_278 = arith.constant 144 : i32
          %add3A_279 = arith.addi %mul3A_277, %add3A_278 : i32
          %get3A_280 = arith.index_cast %add3A_279 : i32 to index
          %get3A_281 = tpu.vector_load %arg6[%get3A_280] {strides = array<i32>} : memref<32768xf32, #tpu.memory_space<vmem>>, vector<16xf32>,
          %get3A_282 = vector.shape_cast %get3A_281 : vector<16xf32> to vector<16xf32>
          %gt3A_283 = arith.cmpf ogt, %get3A_282, %get3A_275 : vector<16xf32>
          %select_n3A_284 = arith.select %gt3A_283, %get3A_282, %get3A_275 : vector<16xi1>, vector<16xf32>
          %mul3A_285 = arith.constant 256 : i32
          %mul3A_286 = arith.muli %get3A_55, %mul3A_285 : i32
          %add3A_287 = arith.constant 144 : i32
          %add3A_288 = arith.addi %mul3A_286, %add3A_287 : i32
          %swap3A_289 = arith.index_cast %add3A_288 : i32 to index
          %swap3A_290 = tpu.vector_load %arg7[%swap3A_289] {strides = array<i32>} : memref<81920xf32, #tpu.memory_space<vmem>>, vector<16xf32>,
          %swap3A_291 = vector.shape_cast %swap3A_290 : vector<16xf32> to vector<16xf32>
          %swap3A_292 = vector.shape_cast %select_n3A_284 : vector<16xf32> to vector<16xf32>
          tpu.vector_store %arg7[%swap3A_289], %swap3A_292 {strides = array<i32>} : memref<81920xf32, #tpu.memory_space<vmem>>, vector<16xf32>,
          %mul3A_293 = arith.constant 256 : i32
          %mul3A_294 = arith.muli %get3A_55, %mul3A_293 : i32
          %add3A_295 = arith.constant 160 : i32
          %add3A_296 = arith.addi %mul3A_294, %add3A_295 : i32
          %get3A_297 = arith.index_cast %add3A_296 : i32 to index
          %get3A_298 = tpu.vector_load %arg7[%get3A_297] {strides = array<i32>} : memref<81920xf32, #tpu.memory_space<vmem>>, vector<16xf32>,
          %get3A_299 = vector.shape_cast %get3A_298 : vector<16xf32> to vector<16xf32>
          %mul3A_300 = arith.constant 256 : i32
          %mul3A_301 = arith.muli %while3A_54, %mul3A_300 : i32
          %add3A_302 = arith.constant 160 : i32
          %add3A_303 = arith.addi %mul3A_301, %add3A_302 : i32
          %get3A_304 = arith.index_cast %add3A_303 : i32 to index
          %get3A_305 = tpu.vector_load %arg6[%get3A_304] {strides = array<i32>} : memref<32768xf32, #tpu.memory_space<vmem>>, vector<16xf32>,
          %get3A_306 = vector.shape_cast %get3A_305 : vector<16xf32> to vector<16xf32>
          %gt3A_307 = arith.cmpf ogt, %get3A_306, %get3A_299 : vector<16xf32>
          %select_n3A_308 = arith.select %gt3A_307, %get3A_306, %get3A_299 : vector<16xi1>, vector<16xf32>
          %mul3A_309 = arith.constant 256 : i32
          %mul3A_310 = arith.muli %get3A_55, %mul3A_309 : i32
          %add3A_311 = arith.constant 160 : i32
          %add3A_312 = arith.addi %mul3A_310, %add3A_311 : i32
          %swap3A_313 = arith.index_cast %add3A_312 : i32 to index
          %swap3A_314 = tpu.vector_load %arg7[%swap3A_313] {strides = array<i32>} : memref<81920xf32, #tpu.memory_space<vmem>>, vector<16xf32>,
          %swap3A_315 = vector.shape_cast %swap3A_314 : vector<16xf32> to vector<16xf32>
          %swap3A_316 = vector.shape_cast %select_n3A_308 : vector<16xf32> to vector<16xf32>
          tpu.vector_store %arg7[%swap3A_313], %swap3A_316 {strides = array<i32>} : memref<81920xf32, #tpu.memory_space<vmem>>, vector<16xf32>,
          %mul3A_317 = arith.constant 256 : i32
          %mul3A_318 = arith.muli %get3A_55, %mul3A_317 : i32
          %add3A_319 = arith.constant 176 : i32
          %add3A_320 = arith.addi %mul3A_318, %add3A_319 : i32
          %get3A_321 = arith.index_cast %add3A_320 : i32 to index
          %get3A_322 = tpu.vector_load %arg7[%get3A_321] {strides = array<i32>} : memref<81920xf32, #tpu.memory_space<vmem>>, vector<16xf32>,
          %get3A_323 = vector.shape_cast %get3A_322 : vector<16xf32> to vector<16xf32>
          %mul3A_324 = arith.constant 256 : i32
          %mul3A_325 = arith.muli %while3A_54, %mul3A_324 : i32
          %add3A_326 = arith.constant 176 : i32
          %add3A_327 = arith.addi %mul3A_325, %add3A_326 : i32
          %get3A_328 = arith.index_cast %add3A_327 : i32 to index
          %get3A_329 = tpu.vector_load %arg6[%get3A_328] {strides = array<i32>} : memref<32768xf32, #tpu.memory_space<vmem>>, vector<16xf32>,
          %get3A_330 = vector.shape_cast %get3A_329 : vector<16xf32> to vector<16xf32>
          %gt3A_331 = arith.cmpf ogt, %get3A_330, %get3A_323 : vector<16xf32>
          %select_n3A_332 = arith.select %gt3A_331, %get3A_330, %get3A_323 : vector<16xi1>, vector<16xf32>
          %mul3A_333 = arith.constant 256 : i32
          %mul3A_334 = arith.muli %get3A_55, %mul3A_333 : i32
          %add3A_335 = arith.constant 176 : i32
          %add3A_336 = arith.addi %mul3A_334, %add3A_335 : i32
          %swap3A_337 = arith.index_cast %add3A_336 : i32 to index
          %swap3A_338 = tpu.vector_load %arg7[%swap3A_337] {strides = array<i32>} : memref<81920xf32, #tpu.memory_space<vmem>>, vector<16xf32>,
          %swap3A_339 = vector.shape_cast %swap3A_338 : vector<16xf32> to vector<16xf32>
          %swap3A_340 = vector.shape_cast %select_n3A_332 : vector<16xf32> to vector<16xf32>
          tpu.vector_store %arg7[%swap3A_337], %swap3A_340 {strides = array<i32>} : memref<81920xf32, #tpu.memory_space<vmem>>, vector<16xf32>,
          %mul3A_341 = arith.constant 256 : i32
          %mul3A_342 = arith.muli %get3A_55, %mul3A_341 : i32
          %add3A_343 = arith.constant 192 : i32
          %add3A_344 = arith.addi %mul3A_342, %add3A_343 : i32
          %get3A_345 = arith.index_cast %add3A_344 : i32 to index
          %get3A_346 = tpu.vector_load %arg7[%get3A_345] {strides = array<i32>} : memref<81920xf32, #tpu.memory_space<vmem>>, vector<16xf32>,
          %get3A_347 = vector.shape_cast %get3A_346 : vector<16xf32> to vector<16xf32>
          %mul3A_348 = arith.constant 256 : i32
          %mul3A_349 = arith.muli %while3A_54, %mul3A_348 : i32
          %add3A_350 = arith.constant 192 : i32
          %add3A_351 = arith.addi %mul3A_349, %add3A_350 : i32
          %get3A_352 = arith.index_cast %add3A_351 : i32 to index
          %get3A_353 = tpu.vector_load %arg6[%get3A_352] {strides = array<i32>} : memref<32768xf32, #tpu.memory_space<vmem>>, vector<16xf32>,
          %get3A_354 = vector.shape_cast %get3A_353 : vector<16xf32> to vector<16xf32>
          %gt3A_355 = arith.cmpf ogt, %get3A_354, %get3A_347 : vector<16xf32>
          %select_n3A_356 = arith.select %gt3A_355, %get3A_354, %get3A_347 : vector<16xi1>, vector<16xf32>
          %mul3A_357 = arith.constant 256 : i32
          %mul3A_358 = arith.muli %get3A_55, %mul3A_357 : i32
          %add3A_359 = arith.constant 192 : i32
          %add3A_360 = arith.addi %mul3A_358, %add3A_359 : i32
          %swap3A_361 = arith.index_cast %add3A_360 : i32 to index
          %swap3A_362 = tpu.vector_load %arg7[%swap3A_361] {strides = array<i32>} : memref<81920xf32, #tpu.memory_space<vmem>>, vector<16xf32>,
          %swap3A_363 = vector.shape_cast %swap3A_362 : vector<16xf32> to vector<16xf32>
          %swap3A_364 = vector.shape_cast %select_n3A_356 : vector<16xf32> to vector<16xf32>
          tpu.vector_store %arg7[%swap3A_361], %swap3A_364 {strides = array<i32>} : memref<81920xf32, #tpu.memory_space<vmem>>, vector<16xf32>,
          %mul3A_365 = arith.constant 256 : i32
          %mul3A_366 = arith.muli %get3A_55, %mul3A_365 : i32
          %add3A_367 = arith.constant 208 : i32
          %add3A_368 = arith.addi %mul3A_366, %add3A_367 : i32
          %get3A_369 = arith.index_cast %add3A_368 : i32 to index
          %get3A_370 = tpu.vector_load %arg7[%get3A_369] {strides = array<i32>} : memref<81920xf32, #tpu.memory_space<vmem>>, vector<16xf32>,
          %get3A_371 = vector.shape_cast %get3A_370 : vector<16xf32> to vector<16xf32>
          %mul3A_372 = arith.constant 256 : i32
          %mul3A_373 = arith.muli %while3A_54, %mul3A_372 : i32
          %add3A_374 = arith.constant 208 : i32
          %add3A_375 = arith.addi %mul3A_373, %add3A_374 : i32
          %get3A_376 = arith.index_cast %add3A_375 : i32 to index
          %get3A_377 = tpu.vector_load %arg6[%get3A_376] {strides = array<i32>} : memref<32768xf32, #tpu.memory_space<vmem>>, vector<16xf32>,
          %get3A_378 = vector.shape_cast %get3A_377 : vector<16xf32> to vector<16xf32>
          %gt3A_379 = arith.cmpf ogt, %get3A_378, %get3A_371 : vector<16xf32>
          %select_n3A_380 = arith.select %gt3A_379, %get3A_378, %get3A_371 : vector<16xi1>, vector<16xf32>
          %mul3A_381 = arith.constant 256 : i32
          %mul3A_382 = arith.muli %get3A_55, %mul3A_381 : i32
          %add3A_383 = arith.constant 208 : i32
          %add3A_384 = arith.addi %mul3A_382, %add3A_383 : i32
          %swap3A_385 = arith.index_cast %add3A_384 : i32 to index
          %swap3A_386 = tpu.vector_load %arg7[%swap3A_385] {strides = array<i32>} : memref<81920xf32, #tpu.memory_space<vmem>>, vector<16xf32>,
          %swap3A_387 = vector.shape_cast %swap3A_386 : vector<16xf32> to vector<16xf32>
          %swap3A_388 = vector.shape_cast %select_n3A_380 : vector<16xf32> to vector<16xf32>
          tpu.vector_store %arg7[%swap3A_385], %swap3A_388 {strides = array<i32>} : memref<81920xf32, #tpu.memory_space<vmem>>, vector<16xf32>,
          %mul3A_389 = arith.constant 256 : i32
          %mul3A_390 = arith.muli %get3A_55, %mul3A_389 : i32
          %add3A_391 = arith.constant 224 : i32
          %add3A_392 = arith.addi %mul3A_390, %add3A_391 : i32
          %get3A_393 = arith.index_cast %add3A_392 : i32 to index
          %get3A_394 = tpu.vector_load %arg7[%get3A_393] {strides = array<i32>} : memref<81920xf32, #tpu.memory_space<vmem>>, vector<16xf32>,
          %get3A_395 = vector.shape_cast %get3A_394 : vector<16xf32> to vector<16xf32>
          %mul3A_396 = arith.constant 256 : i32
          %mul3A_397 = arith.muli %while3A_54, %mul3A_396 : i32
          %add3A_398 = arith.constant 224 : i32
          %add3A_399 = arith.addi %mul3A_397, %add3A_398 : i32
          %get3A_400 = arith.index_cast %add3A_399 : i32 to index
          %get3A_401 = tpu.vector_load %arg6[%get3A_400] {strides = array<i32>} : memref<32768xf32, #tpu.memory_space<vmem>>, vector<16xf32>,
          %get3A_402 = vector.shape_cast %get3A_401 : vector<16xf32> to vector<16xf32>
          %gt3A_403 = arith.cmpf ogt, %get3A_402, %get3A_395 : vector<16xf32>
          %select_n3A_404 = arith.select %gt3A_403, %get3A_402, %get3A_395 : vector<16xi1>, vector<16xf32>
          %mul3A_405 = arith.constant 256 : i32
          %mul3A_406 = arith.muli %get3A_55, %mul3A_405 : i32
          %add3A_407 = arith.constant 224 : i32
          %add3A_408 = arith.addi %mul3A_406, %add3A_407 : i32
          %swap3A_409 = arith.index_cast %add3A_408 : i32 to index
          %swap3A_410 = tpu.vector_load %arg7[%swap3A_409] {strides = array<i32>} : memref<81920xf32, #tpu.memory_space<vmem>>, vector<16xf32>,
          %swap3A_411 = vector.shape_cast %swap3A_410 : vector<16xf32> to vector<16xf32>
          %swap3A_412 = vector.shape_cast %select_n3A_404 : vector<16xf32> to vector<16xf32>
          tpu.vector_store %arg7[%swap3A_409], %swap3A_412 {strides = array<i32>} : memref<81920xf32, #tpu.memory_space<vmem>>, vector<16xf32>,
          %mul3A_413 = arith.constant 256 : i32
          %mul3A_414 = arith.muli %get3A_55, %mul3A_413 : i32
          %add3A_415 = arith.constant 240 : i32
          %add3A_416 = arith.addi %mul3A_414, %add3A_415 : i32
          %get3A_417 = arith.index_cast %add3A_416 : i32 to index
          %get3A_418 = tpu.vector_load %arg7[%get3A_417] {strides = array<i32>} : memref<81920xf32, #tpu.memory_space<vmem>>, vector<16xf32>,
          %get3A_419 = vector.shape_cast %get3A_418 : vector<16xf32> to vector<16xf32>
          %mul3A_420 = arith.constant 256 : i32
          %mul3A_421 = arith.muli %while3A_54, %mul3A_420 : i32
          %add3A_422 = arith.constant 240 : i32
          %add3A_423 = arith.addi %mul3A_421, %add3A_422 : i32
          %get3A_424 = arith.index_cast %add3A_423 : i32 to index
          %get3A_425 = tpu.vector_load %arg6[%get3A_424] {strides = array<i32>} : memref<32768xf32, #tpu.memory_space<vmem>>, vector<16xf32>,
          %get3A_426 = vector.shape_cast %get3A_425 : vector<16xf32> to vector<16xf32>
          %gt3A_427 = arith.cmpf ogt, %get3A_426, %get3A_419 : vector<16xf32>
          %select_n3A_428 = arith.select %gt3A_427, %get3A_426, %get3A_419 : vector<16xi1>, vector<16xf32>
          %mul3A_429 = arith.constant 256 : i32
          %mul3A_430 = arith.muli %get3A_55, %mul3A_429 : i32
          %add3A_431 = arith.constant 240 : i32
          %add3A_432 = arith.addi %mul3A_430, %add3A_431 : i32
          %swap3A_433 = arith.index_cast %add3A_432 : i32 to index
          %swap3A_434 = tpu.vector_load %arg7[%swap3A_433] {strides = array<i32>} : memref<81920xf32, #tpu.memory_space<vmem>>, vector<16xf32>,
          %swap3A_435 = vector.shape_cast %swap3A_434 : vector<16xf32> to vector<16xf32>
          %swap3A_436 = vector.shape_cast %select_n3A_428 : vector<16xf32> to vector<16xf32>
          tpu.vector_store %arg7[%swap3A_433], %swap3A_436 {strides = array<i32>} : memref<81920xf32, #tpu.memory_space<vmem>>, vector<16xf32>,
        }
        %while3A_53 = arith.constant 1 : i32
        scf.for %while3A_54 = %while3A_51 to %while3A_47 step %while3A_53  : i32 {
          %get3A = arith.index_cast %while3A_54 : i32 to index
          %get3A_55 = memref.load %arg8[%get3A] : memref<128xi32, #tpu.memory_space<smem>>
          %mul3A_56 = arith.constant 256 : i32
          %mul3A_57 = arith.muli %get3A_55, %mul3A_56 : i32
          %add3A_58 = arith.constant 0 : i32
          %add3A_59 = arith.addi %mul3A_57, %add3A_58 : i32
          %get3A_60 = arith.index_cast %add3A_59 : i32 to index
          %get3A_61 = tpu.vector_load %arg7[%get3A_60] {strides = array<i32>} : memref<81920xf32, #tpu.memory_space<vmem>>, vector<16xf32>,
          %get3A_62 = vector.shape_cast %get3A_61 : vector<16xf32> to vector<16xf32>
          %mul3A_63 = arith.constant 256 : i32
          %mul3A_64 = arith.muli %while3A_54, %mul3A_63 : i32
          %add3A_65 = arith.constant 0 : i32
          %add3A_66 = arith.addi %mul3A_64, %add3A_65 : i32
          %get3A_67 = arith.index_cast %add3A_66 : i32 to index
          %get3A_68 = tpu.vector_load %arg6[%get3A_67] {strides = array<i32>} : memref<32768xf32, #tpu.memory_space<vmem>>, vector<16xf32>,
          %get3A_69 = vector.shape_cast %get3A_68 : vector<16xf32> to vector<16xf32>
          %gt3A = arith.cmpf ogt, %get3A_69, %get3A_62 : vector<16xf32>
          %select_n3A = arith.select %gt3A, %get3A_69, %get3A_62 : vector<16xi1>, vector<16xf32>
          %mul3A_70 = arith.constant 256 : i32
          %mul3A_71 = arith.muli %get3A_55, %mul3A_70 : i32
          %add3A_72 = arith.constant 0 : i32
          %add3A_73 = arith.addi %mul3A_71, %add3A_72 : i32
          %swap3A = arith.index_cast %add3A_73 : i32 to index
          %swap3A_74 = tpu.vector_load %arg7[%swap3A] {strides = array<i32>} : memref<81920xf32, #tpu.memory_space<vmem>>, vector<16xf32>,
          %swap3A_75 = vector.shape_cast %swap3A_74 : vector<16xf32> to vector<16xf32>
          %swap3A_76 = vector.shape_cast %select_n3A : vector<16xf32> to vector<16xf32>
          tpu.vector_store %arg7[%swap3A], %swap3A_76 {strides = array<i32>} : memref<81920xf32, #tpu.memory_space<vmem>>, vector<16xf32>,
          %mul3A_77 = arith.constant 256 : i32
          %mul3A_78 = arith.muli %get3A_55, %mul3A_77 : i32
          %add3A_79 = arith.constant 16 : i32
          %add3A_80 = arith.addi %mul3A_78, %add3A_79 : i32
          %get3A_81 = arith.index_cast %add3A_80 : i32 to index
          %get3A_82 = tpu.vector_load %arg7[%get3A_81] {strides = array<i32>} : memref<81920xf32, #tpu.memory_space<vmem>>, vector<16xf32>,
          %get3A_83 = vector.shape_cast %get3A_82 : vector<16xf32> to vector<16xf32>
          %mul3A_84 = arith.constant 256 : i32
          %mul3A_85 = arith.muli %while3A_54, %mul3A_84 : i32
          %add3A_86 = arith.constant 16 : i32
          %add3A_87 = arith.addi %mul3A_85, %add3A_86 : i32
          %get3A_88 = arith.index_cast %add3A_87 : i32 to index
          %get3A_89 = tpu.vector_load %arg6[%get3A_88] {strides = array<i32>} : memref<32768xf32, #tpu.memory_space<vmem>>, vector<16xf32>,
          %get3A_90 = vector.shape_cast %get3A_89 : vector<16xf32> to vector<16xf32>
          %gt3A_91 = arith.cmpf ogt, %get3A_90, %get3A_83 : vector<16xf32>
          %select_n3A_92 = arith.select %gt3A_91, %get3A_90, %get3A_83 : vector<16xi1>, vector<16xf32>
          %mul3A_93 = arith.constant 256 : i32
          %mul3A_94 = arith.muli %get3A_55, %mul3A_93 : i32
          %add3A_95 = arith.constant 16 : i32
          %add3A_96 = arith.addi %mul3A_94, %add3A_95 : i32
          %swap3A_97 = arith.index_cast %add3A_96 : i32 to index
          %swap3A_98 = tpu.vector_load %arg7[%swap3A_97] {strides = array<i32>} : memref<81920xf32, #tpu.memory_space<vmem>>, vector<16xf32>,
          %swap3A_99 = vector.shape_cast %swap3A_98 : vector<16xf32> to vector<16xf32>
          %swap3A_100 = vector.shape_cast %select_n3A_92 : vector<16xf32> to vector<16xf32>
          tpu.vector_store %arg7[%swap3A_97], %swap3A_100 {strides = array<i32>} : memref<81920xf32, #tpu.memory_space<vmem>>, vector<16xf32>,
          %mul3A_101 = arith.constant 256 : i32
          %mul3A_102 = arith.muli %get3A_55, %mul3A_101 : i32
          %add3A_103 = arith.constant 32 : i32
          %add3A_104 = arith.addi %mul3A_102, %add3A_103 : i32
          %get3A_105 = arith.index_cast %add3A_104 : i32 to index
          %get3A_106 = tpu.vector_load %arg7[%get3A_105] {strides = array<i32>} : memref<81920xf32, #tpu.memory_space<vmem>>, vector<16xf32>,
          %get3A_107 = vector.shape_cast %get3A_106 : vector<16xf32> to vector<16xf32>
          %mul3A_108 = arith.constant 256 : i32
          %mul3A_109 = arith.muli %while3A_54, %mul3A_108 : i32
          %add3A_110 = arith.constant 32 : i32
          %add3A_111 = arith.addi %mul3A_109, %add3A_110 : i32
          %get3A_112 = arith.index_cast %add3A_111 : i32 to index
          %get3A_113 = tpu.vector_load %arg6[%get3A_112] {strides = array<i32>} : memref<32768xf32, #tpu.memory_space<vmem>>, vector<16xf32>,
          %get3A_114 = vector.shape_cast %get3A_113 : vector<16xf32> to vector<16xf32>
          %gt3A_115 = arith.cmpf ogt, %get3A_114, %get3A_107 : vector<16xf32>
          %select_n3A_116 = arith.select %gt3A_115, %get3A_114, %get3A_107 : vector<16xi1>, vector<16xf32>
          %mul3A_117 = arith.constant 256 : i32
          %mul3A_118 = arith.muli %get3A_55, %mul3A_117 : i32
          %add3A_119 = arith.constant 32 : i32
          %add3A_120 = arith.addi %mul3A_118, %add3A_119 : i32
          %swap3A_121 = arith.index_cast %add3A_120 : i32 to index
          %swap3A_122 = tpu.vector_load %arg7[%swap3A_121] {strides = array<i32>} : memref<81920xf32, #tpu.memory_space<vmem>>, vector<16xf32>,
          %swap3A_123 = vector.shape_cast %swap3A_122 : vector<16xf32> to vector<16xf32>
          %swap3A_124 = vector.shape_cast %select_n3A_116 : vector<16xf32> to vector<16xf32>
          tpu.vector_store %arg7[%swap3A_121], %swap3A_124 {strides = array<i32>} : memref<81920xf32, #tpu.memory_space<vmem>>, vector<16xf32>,
          %mul3A_125 = arith.constant 256 : i32
          %mul3A_126 = arith.muli %get3A_55, %mul3A_125 : i32
          %add3A_127 = arith.constant 48 : i32
          %add3A_128 = arith.addi %mul3A_126, %add3A_127 : i32
          %get3A_129 = arith.index_cast %add3A_128 : i32 to index
          %get3A_130 = tpu.vector_load %arg7[%get3A_129] {strides = array<i32>} : memref<81920xf32, #tpu.memory_space<vmem>>, vector<16xf32>,
          %get3A_131 = vector.shape_cast %get3A_130 : vector<16xf32> to vector<16xf32>
          %mul3A_132 = arith.constant 256 : i32
          %mul3A_133 = arith.muli %while3A_54, %mul3A_132 : i32
          %add3A_134 = arith.constant 48 : i32
          %add3A_135 = arith.addi %mul3A_133, %add3A_134 : i32
          %get3A_136 = arith.index_cast %add3A_135 : i32 to index
          %get3A_137 = tpu.vector_load %arg6[%get3A_136] {strides = array<i32>} : memref<32768xf32, #tpu.memory_space<vmem>>, vector<16xf32>,
          %get3A_138 = vector.shape_cast %get3A_137 : vector<16xf32> to vector<16xf32>
          %gt3A_139 = arith.cmpf ogt, %get3A_138, %get3A_131 : vector<16xf32>
          %select_n3A_140 = arith.select %gt3A_139, %get3A_138, %get3A_131 : vector<16xi1>, vector<16xf32>
          %mul3A_141 = arith.constant 256 : i32
          %mul3A_142 = arith.muli %get3A_55, %mul3A_141 : i32
          %add3A_143 = arith.constant 48 : i32
          %add3A_144 = arith.addi %mul3A_142, %add3A_143 : i32
          %swap3A_145 = arith.index_cast %add3A_144 : i32 to index
          %swap3A_146 = tpu.vector_load %arg7[%swap3A_145] {strides = array<i32>} : memref<81920xf32, #tpu.memory_space<vmem>>, vector<16xf32>,
          %swap3A_147 = vector.shape_cast %swap3A_146 : vector<16xf32> to vector<16xf32>
          %swap3A_148 = vector.shape_cast %select_n3A_140 : vector<16xf32> to vector<16xf32>
          tpu.vector_store %arg7[%swap3A_145], %swap3A_148 {strides = array<i32>} : memref<81920xf32, #tpu.memory_space<vmem>>, vector<16xf32>,
          %mul3A_149 = arith.constant 256 : i32
          %mul3A_150 = arith.muli %get3A_55, %mul3A_149 : i32
          %add3A_151 = arith.constant 64 : i32
          %add3A_152 = arith.addi %mul3A_150, %add3A_151 : i32
          %get3A_153 = arith.index_cast %add3A_152 : i32 to index
          %get3A_154 = tpu.vector_load %arg7[%get3A_153] {strides = array<i32>} : memref<81920xf32, #tpu.memory_space<vmem>>, vector<16xf32>,
          %get3A_155 = vector.shape_cast %get3A_154 : vector<16xf32> to vector<16xf32>
          %mul3A_156 = arith.constant 256 : i32
          %mul3A_157 = arith.muli %while3A_54, %mul3A_156 : i32
          %add3A_158 = arith.constant 64 : i32
          %add3A_159 = arith.addi %mul3A_157, %add3A_158 : i32
          %get3A_160 = arith.index_cast %add3A_159 : i32 to index
          %get3A_161 = tpu.vector_load %arg6[%get3A_160] {strides = array<i32>} : memref<32768xf32, #tpu.memory_space<vmem>>, vector<16xf32>,
          %get3A_162 = vector.shape_cast %get3A_161 : vector<16xf32> to vector<16xf32>
          %gt3A_163 = arith.cmpf ogt, %get3A_162, %get3A_155 : vector<16xf32>
          %select_n3A_164 = arith.select %gt3A_163, %get3A_162, %get3A_155 : vector<16xi1>, vector<16xf32>
          %mul3A_165 = arith.constant 256 : i32
          %mul3A_166 = arith.muli %get3A_55, %mul3A_165 : i32
          %add3A_167 = arith.constant 64 : i32
          %add3A_168 = arith.addi %mul3A_166, %add3A_167 : i32
          %swap3A_169 = arith.index_cast %add3A_168 : i32 to index
          %swap3A_170 = tpu.vector_load %arg7[%swap3A_169] {strides = array<i32>} : memref<81920xf32, #tpu.memory_space<vmem>>, vector<16xf32>,
          %swap3A_171 = vector.shape_cast %swap3A_170 : vector<16xf32> to vector<16xf32>
          %swap3A_172 = vector.shape_cast %select_n3A_164 : vector<16xf32> to vector<16xf32>
          tpu.vector_store %arg7[%swap3A_169], %swap3A_172 {strides = array<i32>} : memref<81920xf32, #tpu.memory_space<vmem>>, vector<16xf32>,
          %mul3A_173 = arith.constant 256 : i32
          %mul3A_174 = arith.muli %get3A_55, %mul3A_173 : i32
          %add3A_175 = arith.constant 80 : i32
          %add3A_176 = arith.addi %mul3A_174, %add3A_175 : i32
          %get3A_177 = arith.index_cast %add3A_176 : i32 to index
          %get3A_178 = tpu.vector_load %arg7[%get3A_177] {strides = array<i32>} : memref<81920xf32, #tpu.memory_space<vmem>>, vector<16xf32>,
          %get3A_179 = vector.shape_cast %get3A_178 : vector<16xf32> to vector<16xf32>
          %mul3A_180 = arith.constant 256 : i32
          %mul3A_181 = arith.muli %while3A_54, %mul3A_180 : i32
          %add3A_182 = arith.constant 80 : i32
          %add3A_183 = arith.addi %mul3A_181, %add3A_182 : i32
          %get3A_184 = arith.index_cast %add3A_183 : i32 to index
          %get3A_185 = tpu.vector_load %arg6[%get3A_184] {strides = array<i32>} : memref<32768xf32, #tpu.memory_space<vmem>>, vector<16xf32>,
          %get3A_186 = vector.shape_cast %get3A_185 : vector<16xf32> to vector<16xf32>
          %gt3A_187 = arith.cmpf ogt, %get3A_186, %get3A_179 : vector<16xf32>
          %select_n3A_188 = arith.select %gt3A_187, %get3A_186, %get3A_179 : vector<16xi1>, vector<16xf32>
          %mul3A_189 = arith.constant 256 : i32
          %mul3A_190 = arith.muli %get3A_55, %mul3A_189 : i32
          %add3A_191 = arith.constant 80 : i32
          %add3A_192 = arith.addi %mul3A_190, %add3A_191 : i32
          %swap3A_193 = arith.index_cast %add3A_192 : i32 to index
          %swap3A_194 = tpu.vector_load %arg7[%swap3A_193] {strides = array<i32>} : memref<81920xf32, #tpu.memory_space<vmem>>, vector<16xf32>,
          %swap3A_195 = vector.shape_cast %swap3A_194 : vector<16xf32> to vector<16xf32>
          %swap3A_196 = vector.shape_cast %select_n3A_188 : vector<16xf32> to vector<16xf32>
          tpu.vector_store %arg7[%swap3A_193], %swap3A_196 {strides = array<i32>} : memref<81920xf32, #tpu.memory_space<vmem>>, vector<16xf32>,
          %mul3A_197 = arith.constant 256 : i32
          %mul3A_198 = arith.muli %get3A_55, %mul3A_197 : i32
          %add3A_199 = arith.constant 96 : i32
          %add3A_200 = arith.addi %mul3A_198, %add3A_199 : i32
          %get3A_201 = arith.index_cast %add3A_200 : i32 to index
          %get3A_202 = tpu.vector_load %arg7[%get3A_201] {strides = array<i32>} : memref<81920xf32, #tpu.memory_space<vmem>>, vector<16xf32>,
          %get3A_203 = vector.shape_cast %get3A_202 : vector<16xf32> to vector<16xf32>
          %mul3A_204 = arith.constant 256 : i32
          %mul3A_205 = arith.muli %while3A_54, %mul3A_204 : i32
          %add3A_206 = arith.constant 96 : i32
          %add3A_207 = arith.addi %mul3A_205, %add3A_206 : i32
          %get3A_208 = arith.index_cast %add3A_207 : i32 to index
          %get3A_209 = tpu.vector_load %arg6[%get3A_208] {strides = array<i32>} : memref<32768xf32, #tpu.memory_space<vmem>>, vector<16xf32>,
          %get3A_210 = vector.shape_cast %get3A_209 : vector<16xf32> to vector<16xf32>
          %gt3A_211 = arith.cmpf ogt, %get3A_210, %get3A_203 : vector<16xf32>
          %select_n3A_212 = arith.select %gt3A_211, %get3A_210, %get3A_203 : vector<16xi1>, vector<16xf32>
          %mul3A_213 = arith.constant 256 : i32
          %mul3A_214 = arith.muli %get3A_55, %mul3A_213 : i32
          %add3A_215 = arith.constant 96 : i32
          %add3A_216 = arith.addi %mul3A_214, %add3A_215 : i32
          %swap3A_217 = arith.index_cast %add3A_216 : i32 to index
          %swap3A_218 = tpu.vector_load %arg7[%swap3A_217] {strides = array<i32>} : memref<81920xf32, #tpu.memory_space<vmem>>, vector<16xf32>,
          %swap3A_219 = vector.shape_cast %swap3A_218 : vector<16xf32> to vector<16xf32>
          %swap3A_220 = vector.shape_cast %select_n3A_212 : vector<16xf32> to vector<16xf32>
          tpu.vector_store %arg7[%swap3A_217], %swap3A_220 {strides = array<i32>} : memref<81920xf32, #tpu.memory_space<vmem>>, vector<16xf32>,
          %mul3A_221 = arith.constant 256 : i32
          %mul3A_222 = arith.muli %get3A_55, %mul3A_221 : i32
          %add3A_223 = arith.constant 112 : i32
          %add3A_224 = arith.addi %mul3A_222, %add3A_223 : i32
          %get3A_225 = arith.index_cast %add3A_224 : i32 to index
          %get3A_226 = tpu.vector_load %arg7[%get3A_225] {strides = array<i32>} : memref<81920xf32, #tpu.memory_space<vmem>>, vector<16xf32>,
          %get3A_227 = vector.shape_cast %get3A_226 : vector<16xf32> to vector<16xf32>
          %mul3A_228 = arith.constant 256 : i32
          %mul3A_229 = arith.muli %while3A_54, %mul3A_228 : i32
          %add3A_230 = arith.constant 112 : i32
          %add3A_231 = arith.addi %mul3A_229, %add3A_230 : i32
          %get3A_232 = arith.index_cast %add3A_231 : i32 to index
          %get3A_233 = tpu.vector_load %arg6[%get3A_232] {strides = array<i32>} : memref<32768xf32, #tpu.memory_space<vmem>>, vector<16xf32>,
          %get3A_234 = vector.shape_cast %get3A_233 : vector<16xf32> to vector<16xf32>
          %gt3A_235 = arith.cmpf ogt, %get3A_234, %get3A_227 : vector<16xf32>
          %select_n3A_236 = arith.select %gt3A_235, %get3A_234, %get3A_227 : vector<16xi1>, vector<16xf32>
          %mul3A_237 = arith.constant 256 : i32
          %mul3A_238 = arith.muli %get3A_55, %mul3A_237 : i32
          %add3A_239 = arith.constant 112 : i32
          %add3A_240 = arith.addi %mul3A_238, %add3A_239 : i32
          %swap3A_241 = arith.index_cast %add3A_240 : i32 to index
          %swap3A_242 = tpu.vector_load %arg7[%swap3A_241] {strides = array<i32>} : memref<81920xf32, #tpu.memory_space<vmem>>, vector<16xf32>,
          %swap3A_243 = vector.shape_cast %swap3A_242 : vector<16xf32> to vector<16xf32>
          %swap3A_244 = vector.shape_cast %select_n3A_236 : vector<16xf32> to vector<16xf32>
          tpu.vector_store %arg7[%swap3A_241], %swap3A_244 {strides = array<i32>} : memref<81920xf32, #tpu.memory_space<vmem>>, vector<16xf32>,
          %mul3A_245 = arith.constant 256 : i32
          %mul3A_246 = arith.muli %get3A_55, %mul3A_245 : i32
          %add3A_247 = arith.constant 128 : i32
          %add3A_248 = arith.addi %mul3A_246, %add3A_247 : i32
          %get3A_249 = arith.index_cast %add3A_248 : i32 to index
          %get3A_250 = tpu.vector_load %arg7[%get3A_249] {strides = array<i32>} : memref<81920xf32, #tpu.memory_space<vmem>>, vector<16xf32>,
          %get3A_251 = vector.shape_cast %get3A_250 : vector<16xf32> to vector<16xf32>
          %mul3A_252 = arith.constant 256 : i32
          %mul3A_253 = arith.muli %while3A_54, %mul3A_252 : i32
          %add3A_254 = arith.constant 128 : i32
          %add3A_255 = arith.addi %mul3A_253, %add3A_254 : i32
          %get3A_256 = arith.index_cast %add3A_255 : i32 to index
          %get3A_257 = tpu.vector_load %arg6[%get3A_256] {strides = array<i32>} : memref<32768xf32, #tpu.memory_space<vmem>>, vector<16xf32>,
          %get3A_258 = vector.shape_cast %get3A_257 : vector<16xf32> to vector<16xf32>
          %gt3A_259 = arith.cmpf ogt, %get3A_258, %get3A_251 : vector<16xf32>
          %select_n3A_260 = arith.select %gt3A_259, %get3A_258, %get3A_251 : vector<16xi1>, vector<16xf32>
          %mul3A_261 = arith.constant 256 : i32
          %mul3A_262 = arith.muli %get3A_55, %mul3A_261 : i32
          %add3A_263 = arith.constant 128 : i32
          %add3A_264 = arith.addi %mul3A_262, %add3A_263 : i32
          %swap3A_265 = arith.index_cast %add3A_264 : i32 to index
          %swap3A_266 = tpu.vector_load %arg7[%swap3A_265] {strides = array<i32>} : memref<81920xf32, #tpu.memory_space<vmem>>, vector<16xf32>,
          %swap3A_267 = vector.shape_cast %swap3A_266 : vector<16xf32> to vector<16xf32>
          %swap3A_268 = vector.shape_cast %select_n3A_260 : vector<16xf32> to vector<16xf32>
          tpu.vector_store %arg7[%swap3A_265], %swap3A_268 {strides = array<i32>} : memref<81920xf32, #tpu.memory_space<vmem>>, vector<16xf32>,
          %mul3A_269 = arith.constant 256 : i32
          %mul3A_270 = arith.muli %get3A_55, %mul3A_269 : i32
          %add3A_271 = arith.constant 144 : i32
          %add3A_272 = arith.addi %mul3A_270, %add3A_271 : i32
          %get3A_273 = arith.index_cast %add3A_272 : i32 to index
          %get3A_274 = tpu.vector_load %arg7[%get3A_273] {strides = array<i32>} : memref<81920xf32, #tpu.memory_space<vmem>>, vector<16xf32>,
          %get3A_275 = vector.shape_cast %get3A_274 : vector<16xf32> to vector<16xf32>
          %mul3A_276 = arith.constant 256 : i32
          %mul3A_277 = arith.muli %while3A_54, %mul3A_276 : i32
          %add3A_278 = arith.constant 144 : i32
          %add3A_279 = arith.addi %mul3A_277, %add3A_278 : i32
          %get3A_280 = arith.index_cast %add3A_279 : i32 to index
          %get3A_281 = tpu.vector_load %arg6[%get3A_280] {strides = array<i32>} : memref<32768xf32, #tpu.memory_space<vmem>>, vector<16xf32>,
          %get3A_282 = vector.shape_cast %get3A_281 : vector<16xf32> to vector<16xf32>
          %gt3A_283 = arith.cmpf ogt, %get3A_282, %get3A_275 : vector<16xf32>
          %select_n3A_284 = arith.select %gt3A_283, %get3A_282, %get3A_275 : vector<16xi1>, vector<16xf32>
          %mul3A_285 = arith.constant 256 : i32
          %mul3A_286 = arith.muli %get3A_55, %mul3A_285 : i32
          %add3A_287 = arith.constant 144 : i32
          %add3A_288 = arith.addi %mul3A_286, %add3A_287 : i32
          %swap3A_289 = arith.index_cast %add3A_288 : i32 to index
          %swap3A_290 = tpu.vector_load %arg7[%swap3A_289] {strides = array<i32>} : memref<81920xf32, #tpu.memory_space<vmem>>, vector<16xf32>,
          %swap3A_291 = vector.shape_cast %swap3A_290 : vector<16xf32> to vector<16xf32>
          %swap3A_292 = vector.shape_cast %select_n3A_284 : vector<16xf32> to vector<16xf32>
          tpu.vector_store %arg7[%swap3A_289], %swap3A_292 {strides = array<i32>} : memref<81920xf32, #tpu.memory_space<vmem>>, vector<16xf32>,
          %mul3A_293 = arith.constant 256 : i32
          %mul3A_294 = arith.muli %get3A_55, %mul3A_293 : i32
          %add3A_295 = arith.constant 160 : i32
          %add3A_296 = arith.addi %mul3A_294, %add3A_295 : i32
          %get3A_297 = arith.index_cast %add3A_296 : i32 to index
          %get3A_298 = tpu.vector_load %arg7[%get3A_297] {strides = array<i32>} : memref<81920xf32, #tpu.memory_space<vmem>>, vector<16xf32>,
          %get3A_299 = vector.shape_cast %get3A_298 : vector<16xf32> to vector<16xf32>
          %mul3A_300 = arith.constant 256 : i32
          %mul3A_301 = arith.muli %while3A_54, %mul3A_300 : i32
          %add3A_302 = arith.constant 160 : i32
          %add3A_303 = arith.addi %mul3A_301, %add3A_302 : i32
          %get3A_304 = arith.index_cast %add3A_303 : i32 to index
          %get3A_305 = tpu.vector_load %arg6[%get3A_304] {strides = array<i32>} : memref<32768xf32, #tpu.memory_space<vmem>>, vector<16xf32>,
          %get3A_306 = vector.shape_cast %get3A_305 : vector<16xf32> to vector<16xf32>
          %gt3A_307 = arith.cmpf ogt, %get3A_306, %get3A_299 : vector<16xf32>
          %select_n3A_308 = arith.select %gt3A_307, %get3A_306, %get3A_299 : vector<16xi1>, vector<16xf32>
          %mul3A_309 = arith.constant 256 : i32
          %mul3A_310 = arith.muli %get3A_55, %mul3A_309 : i32
          %add3A_311 = arith.constant 160 : i32
          %add3A_312 = arith.addi %mul3A_310, %add3A_311 : i32
          %swap3A_313 = arith.index_cast %add3A_312 : i32 to index
          %swap3A_314 = tpu.vector_load %arg7[%swap3A_313] {strides = array<i32>} : memref<81920xf32, #tpu.memory_space<vmem>>, vector<16xf32>,
          %swap3A_315 = vector.shape_cast %swap3A_314 : vector<16xf32> to vector<16xf32>
          %swap3A_316 = vector.shape_cast %select_n3A_308 : vector<16xf32> to vector<16xf32>
          tpu.vector_store %arg7[%swap3A_313], %swap3A_316 {strides = array<i32>} : memref<81920xf32, #tpu.memory_space<vmem>>, vector<16xf32>,
          %mul3A_317 = arith.constant 256 : i32
          %mul3A_318 = arith.muli %get3A_55, %mul3A_317 : i32
          %add3A_319 = arith.constant 176 : i32
          %add3A_320 = arith.addi %mul3A_318, %add3A_319 : i32
          %get3A_321 = arith.index_cast %add3A_320 : i32 to index
          %get3A_322 = tpu.vector_load %arg7[%get3A_321] {strides = array<i32>} : memref<81920xf32, #tpu.memory_space<vmem>>, vector<16xf32>,
          %get3A_323 = vector.shape_cast %get3A_322 : vector<16xf32> to vector<16xf32>
          %mul3A_324 = arith.constant 256 : i32
          %mul3A_325 = arith.muli %while3A_54, %mul3A_324 : i32
          %add3A_326 = arith.constant 176 : i32
          %add3A_327 = arith.addi %mul3A_325, %add3A_326 : i32
          %get3A_328 = arith.index_cast %add3A_327 : i32 to index
          %get3A_329 = tpu.vector_load %arg6[%get3A_328] {strides = array<i32>} : memref<32768xf32, #tpu.memory_space<vmem>>, vector<16xf32>,
          %get3A_330 = vector.shape_cast %get3A_329 : vector<16xf32> to vector<16xf32>
          %gt3A_331 = arith.cmpf ogt, %get3A_330, %get3A_323 : vector<16xf32>
          %select_n3A_332 = arith.select %gt3A_331, %get3A_330, %get3A_323 : vector<16xi1>, vector<16xf32>
          %mul3A_333 = arith.constant 256 : i32
          %mul3A_334 = arith.muli %get3A_55, %mul3A_333 : i32
          %add3A_335 = arith.constant 176 : i32
          %add3A_336 = arith.addi %mul3A_334, %add3A_335 : i32
          %swap3A_337 = arith.index_cast %add3A_336 : i32 to index
          %swap3A_338 = tpu.vector_load %arg7[%swap3A_337] {strides = array<i32>} : memref<81920xf32, #tpu.memory_space<vmem>>, vector<16xf32>,
          %swap3A_339 = vector.shape_cast %swap3A_338 : vector<16xf32> to vector<16xf32>
          %swap3A_340 = vector.shape_cast %select_n3A_332 : vector<16xf32> to vector<16xf32>
          tpu.vector_store %arg7[%swap3A_337], %swap3A_340 {strides = array<i32>} : memref<81920xf32, #tpu.memory_space<vmem>>, vector<16xf32>,
          %mul3A_341 = arith.constant 256 : i32
          %mul3A_342 = arith.muli %get3A_55, %mul3A_341 : i32
          %add3A_343 = arith.constant 192 : i32
          %add3A_344 = arith.addi %mul3A_342, %add3A_343 : i32
          %get3A_345 = arith.index_cast %add3A_344 : i32 to index
          %get3A_346 = tpu.vector_load %arg7[%get3A_345] {strides = array<i32>} : memref<81920xf32, #tpu.memory_space<vmem>>, vector<16xf32>,
          %get3A_347 = vector.shape_cast %get3A_346 : vector<16xf32> to vector<16xf32>
          %mul3A_348 = arith.constant 256 : i32
          %mul3A_349 = arith.muli %while3A_54, %mul3A_348 : i32
          %add3A_350 = arith.constant 192 : i32
          %add3A_351 = arith.addi %mul3A_349, %add3A_350 : i32
          %get3A_352 = arith.index_cast %add3A_351 : i32 to index
          %get3A_353 = tpu.vector_load %arg6[%get3A_352] {strides = array<i32>} : memref<32768xf32, #tpu.memory_space<vmem>>, vector<16xf32>,
          %get3A_354 = vector.shape_cast %get3A_353 : vector<16xf32> to vector<16xf32>
          %gt3A_355 = arith.cmpf ogt, %get3A_354, %get3A_347 : vector<16xf32>
          %select_n3A_356 = arith.select %gt3A_355, %get3A_354, %get3A_347 : vector<16xi1>, vector<16xf32>
          %mul3A_357 = arith.constant 256 : i32
          %mul3A_358 = arith.muli %get3A_55, %mul3A_357 : i32
          %add3A_359 = arith.constant 192 : i32
          %add3A_360 = arith.addi %mul3A_358, %add3A_359 : i32
          %swap3A_361 = arith.index_cast %add3A_360 : i32 to index
          %swap3A_362 = tpu.vector_load %arg7[%swap3A_361] {strides = array<i32>} : memref<81920xf32, #tpu.memory_space<vmem>>, vector<16xf32>,
          %swap3A_363 = vector.shape_cast %swap3A_362 : vector<16xf32> to vector<16xf32>
          %swap3A_364 = vector.shape_cast %select_n3A_356 : vector<16xf32> to vector<16xf32>
          tpu.vector_store %arg7[%swap3A_361], %swap3A_364 {strides = array<i32>} : memref<81920xf32, #tpu.memory_space<vmem>>, vector<16xf32>,
          %mul3A_365 = arith.constant 256 : i32
          %mul3A_366 = arith.muli %get3A_55, %mul3A_365 : i32
          %add3A_367 = arith.constant 208 : i32
          %add3A_368 = arith.addi %mul3A_366, %add3A_367 : i32
          %get3A_369 = arith.index_cast %add3A_368 : i32 to index
          %get3A_370 = tpu.vector_load %arg7[%get3A_369] {strides = array<i32>} : memref<81920xf32, #tpu.memory_space<vmem>>, vector<16xf32>,
          %get3A_371 = vector.shape_cast %get3A_370 : vector<16xf32> to vector<16xf32>
          %mul3A_372 = arith.constant 256 : i32
          %mul3A_373 = arith.muli %while3A_54, %mul3A_372 : i32
          %add3A_374 = arith.constant 208 : i32
          %add3A_375 = arith.addi %mul3A_373, %add3A_374 : i32
          %get3A_376 = arith.index_cast %add3A_375 : i32 to index
          %get3A_377 = tpu.vector_load %arg6[%get3A_376] {strides = array<i32>} : memref<32768xf32, #tpu.memory_space<vmem>>, vector<16xf32>,
          %get3A_378 = vector.shape_cast %get3A_377 : vector<16xf32> to vector<16xf32>
          %gt3A_379 = arith.cmpf ogt, %get3A_378, %get3A_371 : vector<16xf32>
          %select_n3A_380 = arith.select %gt3A_379, %get3A_378, %get3A_371 : vector<16xi1>, vector<16xf32>
          %mul3A_381 = arith.constant 256 : i32
          %mul3A_382 = arith.muli %get3A_55, %mul3A_381 : i32
          %add3A_383 = arith.constant 208 : i32
          %add3A_384 = arith.addi %mul3A_382, %add3A_383 : i32
          %swap3A_385 = arith.index_cast %add3A_384 : i32 to index
          %swap3A_386 = tpu.vector_load %arg7[%swap3A_385] {strides = array<i32>} : memref<81920xf32, #tpu.memory_space<vmem>>, vector<16xf32>,
          %swap3A_387 = vector.shape_cast %swap3A_386 : vector<16xf32> to vector<16xf32>
          %swap3A_388 = vector.shape_cast %select_n3A_380 : vector<16xf32> to vector<16xf32>
          tpu.vector_store %arg7[%swap3A_385], %swap3A_388 {strides = array<i32>} : memref<81920xf32, #tpu.memory_space<vmem>>, vector<16xf32>,
          %mul3A_389 = arith.constant 256 : i32
          %mul3A_390 = arith.muli %get3A_55, %mul3A_389 : i32
          %add3A_391 = arith.constant 224 : i32
          %add3A_392 = arith.addi %mul3A_390, %add3A_391 : i32
          %get3A_393 = arith.index_cast %add3A_392 : i32 to index
          %get3A_394 = tpu.vector_load %arg7[%get3A_393] {strides = array<i32>} : memref<81920xf32, #tpu.memory_space<vmem>>, vector<16xf32>,
          %get3A_395 = vector.shape_cast %get3A_394 : vector<16xf32> to vector<16xf32>
          %mul3A_396 = arith.constant 256 : i32
          %mul3A_397 = arith.muli %while3A_54, %mul3A_396 : i32
          %add3A_398 = arith.constant 224 : i32
          %add3A_399 = arith.addi %mul3A_397, %add3A_398 : i32
          %get3A_400 = arith.index_cast %add3A_399 : i32 to index
          %get3A_401 = tpu.vector_load %arg6[%get3A_400] {strides = array<i32>} : memref<32768xf32, #tpu.memory_space<vmem>>, vector<16xf32>,
          %get3A_402 = vector.shape_cast %get3A_401 : vector<16xf32> to vector<16xf32>
          %gt3A_403 = arith.cmpf ogt, %get3A_402, %get3A_395 : vector<16xf32>
          %select_n3A_404 = arith.select %gt3A_403, %get3A_402, %get3A_395 : vector<16xi1>, vector<16xf32>
          %mul3A_405 = arith.constant 256 : i32
          %mul3A_406 = arith.muli %get3A_55, %mul3A_405 : i32
          %add3A_407 = arith.constant 224 : i32
          %add3A_408 = arith.addi %mul3A_406, %add3A_407 : i32
          %swap3A_409 = arith.index_cast %add3A_408 : i32 to index
          %swap3A_410 = tpu.vector_load %arg7[%swap3A_409] {strides = array<i32>} : memref<81920xf32, #tpu.memory_space<vmem>>, vector<16xf32>,
          %swap3A_411 = vector.shape_cast %swap3A_410 : vector<16xf32> to vector<16xf32>
          %swap3A_412 = vector.shape_cast %select_n3A_404 : vector<16xf32> to vector<16xf32>
          tpu.vector_store %arg7[%swap3A_409], %swap3A_412 {strides = array<i32>} : memref<81920xf32, #tpu.memory_space<vmem>>, vector<16xf32>,
          %mul3A_413 = arith.constant 256 : i32
          %mul3A_414 = arith.muli %get3A_55, %mul3A_413 : i32
          %add3A_415 = arith.constant 240 : i32
          %add3A_416 = arith.addi %mul3A_414, %add3A_415 : i32
          %get3A_417 = arith.index_cast %add3A_416 : i32 to index
          %get3A_418 = tpu.vector_load %arg7[%get3A_417] {strides = array<i32>} : memref<81920xf32, #tpu.memory_space<vmem>>, vector<16xf32>,
          %get3A_419 = vector.shape_cast %get3A_418 : vector<16xf32> to vector<16xf32>
          %mul3A_420 = arith.constant 256 : i32
          %mul3A_421 = arith.muli %while3A_54, %mul3A_420 : i32
          %add3A_422 = arith.constant 240 : i32
          %add3A_423 = arith.addi %mul3A_421, %add3A_422 : i32
          %get3A_424 = arith.index_cast %add3A_423 : i32 to index
          %get3A_425 = tpu.vector_load %arg6[%get3A_424] {strides = array<i32>} : memref<32768xf32, #tpu.memory_space<vmem>>, vector<16xf32>,
          %get3A_426 = vector.shape_cast %get3A_425 : vector<16xf32> to vector<16xf32>
          %gt3A_427 = arith.cmpf ogt, %get3A_426, %get3A_419 : vector<16xf32>
          %select_n3A_428 = arith.select %gt3A_427, %get3A_426, %get3A_419 : vector<16xi1>, vector<16xf32>
          %mul3A_429 = arith.constant 256 : i32
          %mul3A_430 = arith.muli %get3A_55, %mul3A_429 : i32
          %add3A_431 = arith.constant 240 : i32
          %add3A_432 = arith.addi %mul3A_430, %add3A_431 : i32
          %swap3A_433 = arith.index_cast %add3A_432 : i32 to index
          %swap3A_434 = tpu.vector_load %arg7[%swap3A_433] {strides = array<i32>} : memref<81920xf32, #tpu.memory_space<vmem>>, vector<16xf32>,
          %swap3A_435 = vector.shape_cast %swap3A_434 : vector<16xf32> to vector<16xf32>
          %swap3A_436 = vector.shape_cast %select_n3A_428 : vector<16xf32> to vector<16xf32>
          tpu.vector_store %arg7[%swap3A_433], %swap3A_436 {strides = array<i32>} : memref<81920xf32, #tpu.memory_space<vmem>>, vector<16xf32>,
        }
      }
      %scan3A_26 = arith.constant 5 : i32
    }
    %scan3A_13 = arith.constant 250 : i32
    %mul3A_14 = arith.constant 320 : i32
    %mul3A_15 = arith.muli %add3A, %mul3A_14 : i32
    %mul3A_16 = arith.constant 256 : i32
    %mul3A_17 = arith.muli %mul3A_15, %mul3A_16 : i32
    "tpu.region"() ({
      %run_scoped3A = tpu.sem_alloc : memref<!tpu.dma_semaphore, #tpu.memory_space<semaphore_mem>>
      %dma_start3A = tpu.memref_slice %arg4[%mul3A_17] : memref<2621440xf32, #tpu.memory_space<hbm>> -> memref<81920xf32, #tpu.memory_space<hbm>>
      %dma_start3A_18 = tpu.memref_slice %arg4[%mul3A_17] : memref<2621440xf32, #tpu.memory_space<hbm>> -> memref<81920xf32, #tpu.memory_space<hbm>>
      tpu.enqueue_dma source(%arg7 : memref<81920xf32, #tpu.memory_space<vmem>>) target(%dma_start3A_18 : memref<81920xf32, #tpu.memory_space<hbm>>) target_semaphore(%run_scoped3A : memref<!tpu.dma_semaphore, #tpu.memory_space<semaphore_mem>>)
      %dma_wait3A = tpu.memref_slice %arg4[%mul3A_17] : memref<2621440xf32, #tpu.memory_space<hbm>> -> memref<81920xf32, #tpu.memory_space<hbm>>
      %dma_wait3A_19 = tpu.memref_slice %arg4[%mul3A_17] : memref<2621440xf32, #tpu.memory_space<hbm>> -> memref<81920xf32, #tpu.memory_space<hbm>>
      tpu.wait_dma2 semaphore(%run_scoped3A : memref<!tpu.dma_semaphore, #tpu.memory_space<semaphore_mem>>) src(%arg7 : memref<81920xf32, #tpu.memory_space<vmem>>) dst(%dma_wait3A_19 : memref<81920xf32, #tpu.memory_space<hbm>>)
      tpu.yield
    }) : () -> ()
    return
  }
}

#map = affine_map<(d0, d1) -> (0, 0)>
#map1 = affine_map<(d0, d1) -> (0)>
module attributes {stable_mosaic.version = 14 : i64} {
  func.func @_gather_body(%arg0: i32, %arg1: i32, %arg2: memref<10000x256xf32, #tpu.memory_space<hbm>>, %arg3: memref<10000x256xf32, #tpu.memory_space<hbm>>, %arg4: memref<163840xi32, #tpu.memory_space<hbm>>, %arg5: memref<163840xi32, #tpu.memory_space<hbm>>, %arg6: memref<163840x256xf32, #tpu.memory_space<hbm>>, %arg7: memref<128xi32, #tpu.memory_space<vmem>>, %arg8: memref<128xi32, #tpu.memory_space<vmem>>, %arg9: memref<128x256xf32, #tpu.memory_space<vmem>>, %arg10: memref<128x256xf32, #tpu.memory_space<vmem>>, %arg11: memref<!tpu.dma_semaphore, #tpu.memory_space<semaphore_mem>>, %arg12: memref<!tpu.dma_semaphore, #tpu.memory_space<semaphore_mem>>) attributes {dimension_semantics = [#tpu.dimension_semantics<core_parallel>, #tpu.dimension_semantics<subcore_parallel>], iteration_bounds = array<i64: 2, 16>, scalar_prefetch = 0 : i64, scratch_operands = 6 : i64, tpu.core_type = #tpu.core_type<sc_vector_subcore>, window_params = [{transform_indices = #map}, {transform_indices = #map}, {transform_indices = #map1}, {transform_indices = #map1}, {transform_indices = #map}]} {
    %mul3A = arith.constant 2 : i32
    %mul3A_0 = arith.muli %arg1, %mul3A : i32
    %add3A = arith.addi %mul3A_0, %arg0 : i32
    %scan3A = arith.constant 0 : i32
    %scan3A_1 = arith.constant 0 : i32
    %scan3A_2 = arith.constant 40 : i32
    %scan3A_3 = arith.addi %scan3A_1, %scan3A_2 : i32
    %scan3A_4 = arith.constant 1 : i32
    scf.for %scan3A_6 = %scan3A_1 to %scan3A_3 step %scan3A_4  : i32 {
      %mul3A_7 = arith.constant 40 : i32
      %mul3A_8 = arith.muli %add3A, %mul3A_7 : i32
      %add3A_9 = arith.addi %mul3A_8, %scan3A_6 : i32
      %mul3A_10 = arith.constant 128 : i32
      %mul3A_11 = arith.muli %add3A_9, %mul3A_10 : i32
      "tpu.region"() ({
        %run_scoped3A = tpu.sem_alloc : memref<!tpu.dma_semaphore, #tpu.memory_space<semaphore_mem>>
        %dma_start3A_28 = tpu.memref_slice %arg4[%mul3A_11] : memref<163840xi32, #tpu.memory_space<hbm>> -> memref<128xi32, #tpu.memory_space<hbm>>
        %dma_start3A_29 = tpu.memref_slice %arg4[%mul3A_11] : memref<163840xi32, #tpu.memory_space<hbm>> -> memref<128xi32, #tpu.memory_space<hbm>>
        tpu.enqueue_dma source(%dma_start3A_29 : memref<128xi32, #tpu.memory_space<hbm>>) target(%arg7 : memref<128xi32, #tpu.memory_space<vmem>>) target_semaphore(%run_scoped3A : memref<!tpu.dma_semaphore, #tpu.memory_space<semaphore_mem>>)
        %dma_wait3A_30 = tpu.memref_slice %arg4[%mul3A_11] : memref<163840xi32, #tpu.memory_space<hbm>> -> memref<128xi32, #tpu.memory_space<hbm>>
        %dma_wait3A_31 = tpu.memref_slice %arg4[%mul3A_11] : memref<163840xi32, #tpu.memory_space<hbm>> -> memref<128xi32, #tpu.memory_space<hbm>>
        tpu.wait_dma2 semaphore(%run_scoped3A : memref<!tpu.dma_semaphore, #tpu.memory_space<semaphore_mem>>) src(%dma_wait3A_31 : memref<128xi32, #tpu.memory_space<hbm>>) dst(%arg7 : memref<128xi32, #tpu.memory_space<vmem>>)
        tpu.yield
      }) : () -> ()
      "tpu.region"() ({
        %run_scoped3A = tpu.sem_alloc : memref<!tpu.dma_semaphore, #tpu.memory_space<semaphore_mem>>
        %dma_start3A_28 = tpu.memref_slice %arg5[%mul3A_11] : memref<163840xi32, #tpu.memory_space<hbm>> -> memref<128xi32, #tpu.memory_space<hbm>>
        %dma_start3A_29 = tpu.memref_slice %arg5[%mul3A_11] : memref<163840xi32, #tpu.memory_space<hbm>> -> memref<128xi32, #tpu.memory_space<hbm>>
        tpu.enqueue_dma source(%dma_start3A_29 : memref<128xi32, #tpu.memory_space<hbm>>) target(%arg8 : memref<128xi32, #tpu.memory_space<vmem>>) target_semaphore(%run_scoped3A : memref<!tpu.dma_semaphore, #tpu.memory_space<semaphore_mem>>)
        %dma_wait3A_30 = tpu.memref_slice %arg5[%mul3A_11] : memref<163840xi32, #tpu.memory_space<hbm>> -> memref<128xi32, #tpu.memory_space<hbm>>
        %dma_wait3A_31 = tpu.memref_slice %arg5[%mul3A_11] : memref<163840xi32, #tpu.memory_space<hbm>> -> memref<128xi32, #tpu.memory_space<hbm>>
        tpu.wait_dma2 semaphore(%run_scoped3A : memref<!tpu.dma_semaphore, #tpu.memory_space<semaphore_mem>>) src(%dma_wait3A_31 : memref<128xi32, #tpu.memory_space<hbm>>) dst(%arg8 : memref<128xi32, #tpu.memory_space<vmem>>)
        tpu.yield
      }) : () -> ()
      %dma_start3A = arith.constant 0 : i32
      %dma_start3A_12 = arith.constant 0 : i32
      %dma_start3A_13 = tpu.memref_slice %arg2[%dma_start3A, %dma_start3A_12] : memref<10000x256xf32, #tpu.memory_space<hbm>> -> memref<10000x256xf32, #tpu.memory_space<hbm>>
      tpu.enqueue_indirect_dma source(%dma_start3A_13 : memref<10000x256xf32, #tpu.memory_space<hbm>>) target(%arg9 : memref<128x256xf32, #tpu.memory_space<vmem>>) offsets(%arg7 : memref<128xi32, #tpu.memory_space<vmem>>) semaphore(%arg11 : memref<!tpu.dma_semaphore, #tpu.memory_space<semaphore_mem>>)
      %dma_start3A_14 = arith.constant 0 : i32
      %dma_start3A_15 = arith.constant 0 : i32
      %dma_start3A_16 = tpu.memref_slice %arg3[%dma_start3A_14, %dma_start3A_15] : memref<10000x256xf32, #tpu.memory_space<hbm>> -> memref<10000x256xf32, #tpu.memory_space<hbm>>
      tpu.enqueue_indirect_dma source(%dma_start3A_16 : memref<10000x256xf32, #tpu.memory_space<hbm>>) target(%arg10 : memref<128x256xf32, #tpu.memory_space<vmem>>) offsets(%arg8 : memref<128xi32, #tpu.memory_space<vmem>>) semaphore(%arg12 : memref<!tpu.dma_semaphore, #tpu.memory_space<semaphore_mem>>)
      %dma_wait3A = arith.constant 0 : i32
      %dma_wait3A_17 = arith.constant 0 : i32
      %dma_wait3A_18 = tpu.memref_slice %arg2[%dma_wait3A, %dma_wait3A_17] : memref<10000x256xf32, #tpu.memory_space<hbm>> -> memref<10000x256xf32, #tpu.memory_space<hbm>>
      tpu.wait_indirect_dma semaphore(%arg11 : memref<!tpu.dma_semaphore, #tpu.memory_space<semaphore_mem>>) src(%dma_wait3A_18 : memref<10000x256xf32, #tpu.memory_space<hbm>>) dst(%arg9 : memref<128x256xf32, #tpu.memory_space<vmem>>)
      %dma_wait3A_19 = arith.constant 0 : i32
      %dma_wait3A_20 = arith.constant 0 : i32
      %dma_wait3A_21 = tpu.memref_slice %arg3[%dma_wait3A_19, %dma_wait3A_20] : memref<10000x256xf32, #tpu.memory_space<hbm>> -> memref<10000x256xf32, #tpu.memory_space<hbm>>
      tpu.wait_indirect_dma semaphore(%arg12 : memref<!tpu.dma_semaphore, #tpu.memory_space<semaphore_mem>>) src(%dma_wait3A_21 : memref<10000x256xf32, #tpu.memory_space<hbm>>) dst(%arg10 : memref<128x256xf32, #tpu.memory_space<vmem>>)
      %scan3A_22 = arith.constant 0 : i32
      %scan3A_23 = arith.constant 0 : i32
      %scan3A_24 = arith.constant 128 : i32
      %scan3A_25 = arith.addi %scan3A_23, %scan3A_24 : i32
      %scan3A_26 = arith.constant 1 : i32
      scf.for %scan3A_28 = %scan3A_23 to %scan3A_25 step %scan3A_26  : i32 {
        %get3A = arith.index_cast %scan3A_28 : i32 to index
        %get3A_29 = arith.constant 0 : index
        %get3A_30 = tpu.vector_load %arg9[%get3A, %get3A_29] {strides = array<i32>} : memref<128x256xf32, #tpu.memory_space<vmem>>, vector<1x16xf32>,
        %get3A_31 = vector.shape_cast %get3A_30 : vector<1x16xf32> to vector<16xf32>
        %get3A_32 = arith.index_cast %scan3A_28 : i32 to index
        %get3A_33 = arith.constant 0 : index
        %get3A_34 = tpu.vector_load %arg10[%get3A_32, %get3A_33] {strides = array<i32>} : memref<128x256xf32, #tpu.memory_space<vmem>>, vector<1x16xf32>,
        %get3A_35 = vector.shape_cast %get3A_34 : vector<1x16xf32> to vector<16xf32>
        %sub3A = arith.subf %get3A_31, %get3A_35 : vector<16xf32>
        %swap3A = arith.index_cast %scan3A_28 : i32 to index
        %swap3A_36 = arith.constant 0 : index
        %swap3A_37 = tpu.vector_load %arg9[%swap3A, %swap3A_36] {strides = array<i32>} : memref<128x256xf32, #tpu.memory_space<vmem>>, vector<1x16xf32>,
        %swap3A_38 = vector.shape_cast %swap3A_37 : vector<1x16xf32> to vector<16xf32>
        %swap3A_39 = vector.shape_cast %sub3A : vector<16xf32> to vector<1x16xf32>
        tpu.vector_store %arg9[%swap3A, %swap3A_36], %swap3A_39 {strides = array<i32>} : memref<128x256xf32, #tpu.memory_space<vmem>>, vector<1x16xf32>,
        %get3A_40 = arith.index_cast %scan3A_28 : i32 to index
        %get3A_41 = arith.constant 16 : index
        %get3A_42 = tpu.vector_load %arg9[%get3A_40, %get3A_41] {strides = array<i32>} : memref<128x256xf32, #tpu.memory_space<vmem>>, vector<1x16xf32>,
        %get3A_43 = vector.shape_cast %get3A_42 : vector<1x16xf32> to vector<16xf32>
        %get3A_44 = arith.index_cast %scan3A_28 : i32 to index
        %get3A_45 = arith.constant 16 : index
        %get3A_46 = tpu.vector_load %arg10[%get3A_44, %get3A_45] {strides = array<i32>} : memref<128x256xf32, #tpu.memory_space<vmem>>, vector<1x16xf32>,
        %get3A_47 = vector.shape_cast %get3A_46 : vector<1x16xf32> to vector<16xf32>
        %sub3A_48 = arith.subf %get3A_43, %get3A_47 : vector<16xf32>
        %swap3A_49 = arith.index_cast %scan3A_28 : i32 to index
        %swap3A_50 = arith.constant 16 : index
        %swap3A_51 = tpu.vector_load %arg9[%swap3A_49, %swap3A_50] {strides = array<i32>} : memref<128x256xf32, #tpu.memory_space<vmem>>, vector<1x16xf32>,
        %swap3A_52 = vector.shape_cast %swap3A_51 : vector<1x16xf32> to vector<16xf32>
        %swap3A_53 = vector.shape_cast %sub3A_48 : vector<16xf32> to vector<1x16xf32>
        tpu.vector_store %arg9[%swap3A_49, %swap3A_50], %swap3A_53 {strides = array<i32>} : memref<128x256xf32, #tpu.memory_space<vmem>>, vector<1x16xf32>,
        %get3A_54 = arith.index_cast %scan3A_28 : i32 to index
        %get3A_55 = arith.constant 32 : index
        %get3A_56 = tpu.vector_load %arg9[%get3A_54, %get3A_55] {strides = array<i32>} : memref<128x256xf32, #tpu.memory_space<vmem>>, vector<1x16xf32>,
        %get3A_57 = vector.shape_cast %get3A_56 : vector<1x16xf32> to vector<16xf32>
        %get3A_58 = arith.index_cast %scan3A_28 : i32 to index
        %get3A_59 = arith.constant 32 : index
        %get3A_60 = tpu.vector_load %arg10[%get3A_58, %get3A_59] {strides = array<i32>} : memref<128x256xf32, #tpu.memory_space<vmem>>, vector<1x16xf32>,
        %get3A_61 = vector.shape_cast %get3A_60 : vector<1x16xf32> to vector<16xf32>
        %sub3A_62 = arith.subf %get3A_57, %get3A_61 : vector<16xf32>
        %swap3A_63 = arith.index_cast %scan3A_28 : i32 to index
        %swap3A_64 = arith.constant 32 : index
        %swap3A_65 = tpu.vector_load %arg9[%swap3A_63, %swap3A_64] {strides = array<i32>} : memref<128x256xf32, #tpu.memory_space<vmem>>, vector<1x16xf32>,
        %swap3A_66 = vector.shape_cast %swap3A_65 : vector<1x16xf32> to vector<16xf32>
        %swap3A_67 = vector.shape_cast %sub3A_62 : vector<16xf32> to vector<1x16xf32>
        tpu.vector_store %arg9[%swap3A_63, %swap3A_64], %swap3A_67 {strides = array<i32>} : memref<128x256xf32, #tpu.memory_space<vmem>>, vector<1x16xf32>,
        %get3A_68 = arith.index_cast %scan3A_28 : i32 to index
        %get3A_69 = arith.constant 48 : index
        %get3A_70 = tpu.vector_load %arg9[%get3A_68, %get3A_69] {strides = array<i32>} : memref<128x256xf32, #tpu.memory_space<vmem>>, vector<1x16xf32>,
        %get3A_71 = vector.shape_cast %get3A_70 : vector<1x16xf32> to vector<16xf32>
        %get3A_72 = arith.index_cast %scan3A_28 : i32 to index
        %get3A_73 = arith.constant 48 : index
        %get3A_74 = tpu.vector_load %arg10[%get3A_72, %get3A_73] {strides = array<i32>} : memref<128x256xf32, #tpu.memory_space<vmem>>, vector<1x16xf32>,
        %get3A_75 = vector.shape_cast %get3A_74 : vector<1x16xf32> to vector<16xf32>
        %sub3A_76 = arith.subf %get3A_71, %get3A_75 : vector<16xf32>
        %swap3A_77 = arith.index_cast %scan3A_28 : i32 to index
        %swap3A_78 = arith.constant 48 : index
        %swap3A_79 = tpu.vector_load %arg9[%swap3A_77, %swap3A_78] {strides = array<i32>} : memref<128x256xf32, #tpu.memory_space<vmem>>, vector<1x16xf32>,
        %swap3A_80 = vector.shape_cast %swap3A_79 : vector<1x16xf32> to vector<16xf32>
        %swap3A_81 = vector.shape_cast %sub3A_76 : vector<16xf32> to vector<1x16xf32>
        tpu.vector_store %arg9[%swap3A_77, %swap3A_78], %swap3A_81 {strides = array<i32>} : memref<128x256xf32, #tpu.memory_space<vmem>>, vector<1x16xf32>,
        %get3A_82 = arith.index_cast %scan3A_28 : i32 to index
        %get3A_83 = arith.constant 64 : index
        %get3A_84 = tpu.vector_load %arg9[%get3A_82, %get3A_83] {strides = array<i32>} : memref<128x256xf32, #tpu.memory_space<vmem>>, vector<1x16xf32>,
        %get3A_85 = vector.shape_cast %get3A_84 : vector<1x16xf32> to vector<16xf32>
        %get3A_86 = arith.index_cast %scan3A_28 : i32 to index
        %get3A_87 = arith.constant 64 : index
        %get3A_88 = tpu.vector_load %arg10[%get3A_86, %get3A_87] {strides = array<i32>} : memref<128x256xf32, #tpu.memory_space<vmem>>, vector<1x16xf32>,
        %get3A_89 = vector.shape_cast %get3A_88 : vector<1x16xf32> to vector<16xf32>
        %sub3A_90 = arith.subf %get3A_85, %get3A_89 : vector<16xf32>
        %swap3A_91 = arith.index_cast %scan3A_28 : i32 to index
        %swap3A_92 = arith.constant 64 : index
        %swap3A_93 = tpu.vector_load %arg9[%swap3A_91, %swap3A_92] {strides = array<i32>} : memref<128x256xf32, #tpu.memory_space<vmem>>, vector<1x16xf32>,
        %swap3A_94 = vector.shape_cast %swap3A_93 : vector<1x16xf32> to vector<16xf32>
        %swap3A_95 = vector.shape_cast %sub3A_90 : vector<16xf32> to vector<1x16xf32>
        tpu.vector_store %arg9[%swap3A_91, %swap3A_92], %swap3A_95 {strides = array<i32>} : memref<128x256xf32, #tpu.memory_space<vmem>>, vector<1x16xf32>,
        %get3A_96 = arith.index_cast %scan3A_28 : i32 to index
        %get3A_97 = arith.constant 80 : index
        %get3A_98 = tpu.vector_load %arg9[%get3A_96, %get3A_97] {strides = array<i32>} : memref<128x256xf32, #tpu.memory_space<vmem>>, vector<1x16xf32>,
        %get3A_99 = vector.shape_cast %get3A_98 : vector<1x16xf32> to vector<16xf32>
        %get3A_100 = arith.index_cast %scan3A_28 : i32 to index
        %get3A_101 = arith.constant 80 : index
        %get3A_102 = tpu.vector_load %arg10[%get3A_100, %get3A_101] {strides = array<i32>} : memref<128x256xf32, #tpu.memory_space<vmem>>, vector<1x16xf32>,
        %get3A_103 = vector.shape_cast %get3A_102 : vector<1x16xf32> to vector<16xf32>
        %sub3A_104 = arith.subf %get3A_99, %get3A_103 : vector<16xf32>
        %swap3A_105 = arith.index_cast %scan3A_28 : i32 to index
        %swap3A_106 = arith.constant 80 : index
        %swap3A_107 = tpu.vector_load %arg9[%swap3A_105, %swap3A_106] {strides = array<i32>} : memref<128x256xf32, #tpu.memory_space<vmem>>, vector<1x16xf32>,
        %swap3A_108 = vector.shape_cast %swap3A_107 : vector<1x16xf32> to vector<16xf32>
        %swap3A_109 = vector.shape_cast %sub3A_104 : vector<16xf32> to vector<1x16xf32>
        tpu.vector_store %arg9[%swap3A_105, %swap3A_106], %swap3A_109 {strides = array<i32>} : memref<128x256xf32, #tpu.memory_space<vmem>>, vector<1x16xf32>,
        %get3A_110 = arith.index_cast %scan3A_28 : i32 to index
        %get3A_111 = arith.constant 96 : index
        %get3A_112 = tpu.vector_load %arg9[%get3A_110, %get3A_111] {strides = array<i32>} : memref<128x256xf32, #tpu.memory_space<vmem>>, vector<1x16xf32>,
        %get3A_113 = vector.shape_cast %get3A_112 : vector<1x16xf32> to vector<16xf32>
        %get3A_114 = arith.index_cast %scan3A_28 : i32 to index
        %get3A_115 = arith.constant 96 : index
        %get3A_116 = tpu.vector_load %arg10[%get3A_114, %get3A_115] {strides = array<i32>} : memref<128x256xf32, #tpu.memory_space<vmem>>, vector<1x16xf32>,
        %get3A_117 = vector.shape_cast %get3A_116 : vector<1x16xf32> to vector<16xf32>
        %sub3A_118 = arith.subf %get3A_113, %get3A_117 : vector<16xf32>
        %swap3A_119 = arith.index_cast %scan3A_28 : i32 to index
        %swap3A_120 = arith.constant 96 : index
        %swap3A_121 = tpu.vector_load %arg9[%swap3A_119, %swap3A_120] {strides = array<i32>} : memref<128x256xf32, #tpu.memory_space<vmem>>, vector<1x16xf32>,
        %swap3A_122 = vector.shape_cast %swap3A_121 : vector<1x16xf32> to vector<16xf32>
        %swap3A_123 = vector.shape_cast %sub3A_118 : vector<16xf32> to vector<1x16xf32>
        tpu.vector_store %arg9[%swap3A_119, %swap3A_120], %swap3A_123 {strides = array<i32>} : memref<128x256xf32, #tpu.memory_space<vmem>>, vector<1x16xf32>,
        %get3A_124 = arith.index_cast %scan3A_28 : i32 to index
        %get3A_125 = arith.constant 112 : index
        %get3A_126 = tpu.vector_load %arg9[%get3A_124, %get3A_125] {strides = array<i32>} : memref<128x256xf32, #tpu.memory_space<vmem>>, vector<1x16xf32>,
        %get3A_127 = vector.shape_cast %get3A_126 : vector<1x16xf32> to vector<16xf32>
        %get3A_128 = arith.index_cast %scan3A_28 : i32 to index
        %get3A_129 = arith.constant 112 : index
        %get3A_130 = tpu.vector_load %arg10[%get3A_128, %get3A_129] {strides = array<i32>} : memref<128x256xf32, #tpu.memory_space<vmem>>, vector<1x16xf32>,
        %get3A_131 = vector.shape_cast %get3A_130 : vector<1x16xf32> to vector<16xf32>
        %sub3A_132 = arith.subf %get3A_127, %get3A_131 : vector<16xf32>
        %swap3A_133 = arith.index_cast %scan3A_28 : i32 to index
        %swap3A_134 = arith.constant 112 : index
        %swap3A_135 = tpu.vector_load %arg9[%swap3A_133, %swap3A_134] {strides = array<i32>} : memref<128x256xf32, #tpu.memory_space<vmem>>, vector<1x16xf32>,
        %swap3A_136 = vector.shape_cast %swap3A_135 : vector<1x16xf32> to vector<16xf32>
        %swap3A_137 = vector.shape_cast %sub3A_132 : vector<16xf32> to vector<1x16xf32>
        tpu.vector_store %arg9[%swap3A_133, %swap3A_134], %swap3A_137 {strides = array<i32>} : memref<128x256xf32, #tpu.memory_space<vmem>>, vector<1x16xf32>,
        %get3A_138 = arith.index_cast %scan3A_28 : i32 to index
        %get3A_139 = arith.constant 128 : index
        %get3A_140 = tpu.vector_load %arg9[%get3A_138, %get3A_139] {strides = array<i32>} : memref<128x256xf32, #tpu.memory_space<vmem>>, vector<1x16xf32>,
        %get3A_141 = vector.shape_cast %get3A_140 : vector<1x16xf32> to vector<16xf32>
        %get3A_142 = arith.index_cast %scan3A_28 : i32 to index
        %get3A_143 = arith.constant 128 : index
        %get3A_144 = tpu.vector_load %arg10[%get3A_142, %get3A_143] {strides = array<i32>} : memref<128x256xf32, #tpu.memory_space<vmem>>, vector<1x16xf32>,
        %get3A_145 = vector.shape_cast %get3A_144 : vector<1x16xf32> to vector<16xf32>
        %sub3A_146 = arith.subf %get3A_141, %get3A_145 : vector<16xf32>
        %swap3A_147 = arith.index_cast %scan3A_28 : i32 to index
        %swap3A_148 = arith.constant 128 : index
        %swap3A_149 = tpu.vector_load %arg9[%swap3A_147, %swap3A_148] {strides = array<i32>} : memref<128x256xf32, #tpu.memory_space<vmem>>, vector<1x16xf32>,
        %swap3A_150 = vector.shape_cast %swap3A_149 : vector<1x16xf32> to vector<16xf32>
        %swap3A_151 = vector.shape_cast %sub3A_146 : vector<16xf32> to vector<1x16xf32>
        tpu.vector_store %arg9[%swap3A_147, %swap3A_148], %swap3A_151 {strides = array<i32>} : memref<128x256xf32, #tpu.memory_space<vmem>>, vector<1x16xf32>,
        %get3A_152 = arith.index_cast %scan3A_28 : i32 to index
        %get3A_153 = arith.constant 144 : index
        %get3A_154 = tpu.vector_load %arg9[%get3A_152, %get3A_153] {strides = array<i32>} : memref<128x256xf32, #tpu.memory_space<vmem>>, vector<1x16xf32>,
        %get3A_155 = vector.shape_cast %get3A_154 : vector<1x16xf32> to vector<16xf32>
        %get3A_156 = arith.index_cast %scan3A_28 : i32 to index
        %get3A_157 = arith.constant 144 : index
        %get3A_158 = tpu.vector_load %arg10[%get3A_156, %get3A_157] {strides = array<i32>} : memref<128x256xf32, #tpu.memory_space<vmem>>, vector<1x16xf32>,
        %get3A_159 = vector.shape_cast %get3A_158 : vector<1x16xf32> to vector<16xf32>
        %sub3A_160 = arith.subf %get3A_155, %get3A_159 : vector<16xf32>
        %swap3A_161 = arith.index_cast %scan3A_28 : i32 to index
        %swap3A_162 = arith.constant 144 : index
        %swap3A_163 = tpu.vector_load %arg9[%swap3A_161, %swap3A_162] {strides = array<i32>} : memref<128x256xf32, #tpu.memory_space<vmem>>, vector<1x16xf32>,
        %swap3A_164 = vector.shape_cast %swap3A_163 : vector<1x16xf32> to vector<16xf32>
        %swap3A_165 = vector.shape_cast %sub3A_160 : vector<16xf32> to vector<1x16xf32>
        tpu.vector_store %arg9[%swap3A_161, %swap3A_162], %swap3A_165 {strides = array<i32>} : memref<128x256xf32, #tpu.memory_space<vmem>>, vector<1x16xf32>,
        %get3A_166 = arith.index_cast %scan3A_28 : i32 to index
        %get3A_167 = arith.constant 160 : index
        %get3A_168 = tpu.vector_load %arg9[%get3A_166, %get3A_167] {strides = array<i32>} : memref<128x256xf32, #tpu.memory_space<vmem>>, vector<1x16xf32>,
        %get3A_169 = vector.shape_cast %get3A_168 : vector<1x16xf32> to vector<16xf32>
        %get3A_170 = arith.index_cast %scan3A_28 : i32 to index
        %get3A_171 = arith.constant 160 : index
        %get3A_172 = tpu.vector_load %arg10[%get3A_170, %get3A_171] {strides = array<i32>} : memref<128x256xf32, #tpu.memory_space<vmem>>, vector<1x16xf32>,
        %get3A_173 = vector.shape_cast %get3A_172 : vector<1x16xf32> to vector<16xf32>
        %sub3A_174 = arith.subf %get3A_169, %get3A_173 : vector<16xf32>
        %swap3A_175 = arith.index_cast %scan3A_28 : i32 to index
        %swap3A_176 = arith.constant 160 : index
        %swap3A_177 = tpu.vector_load %arg9[%swap3A_175, %swap3A_176] {strides = array<i32>} : memref<128x256xf32, #tpu.memory_space<vmem>>, vector<1x16xf32>,
        %swap3A_178 = vector.shape_cast %swap3A_177 : vector<1x16xf32> to vector<16xf32>
        %swap3A_179 = vector.shape_cast %sub3A_174 : vector<16xf32> to vector<1x16xf32>
        tpu.vector_store %arg9[%swap3A_175, %swap3A_176], %swap3A_179 {strides = array<i32>} : memref<128x256xf32, #tpu.memory_space<vmem>>, vector<1x16xf32>,
        %get3A_180 = arith.index_cast %scan3A_28 : i32 to index
        %get3A_181 = arith.constant 176 : index
        %get3A_182 = tpu.vector_load %arg9[%get3A_180, %get3A_181] {strides = array<i32>} : memref<128x256xf32, #tpu.memory_space<vmem>>, vector<1x16xf32>,
        %get3A_183 = vector.shape_cast %get3A_182 : vector<1x16xf32> to vector<16xf32>
        %get3A_184 = arith.index_cast %scan3A_28 : i32 to index
        %get3A_185 = arith.constant 176 : index
        %get3A_186 = tpu.vector_load %arg10[%get3A_184, %get3A_185] {strides = array<i32>} : memref<128x256xf32, #tpu.memory_space<vmem>>, vector<1x16xf32>,
        %get3A_187 = vector.shape_cast %get3A_186 : vector<1x16xf32> to vector<16xf32>
        %sub3A_188 = arith.subf %get3A_183, %get3A_187 : vector<16xf32>
        %swap3A_189 = arith.index_cast %scan3A_28 : i32 to index
        %swap3A_190 = arith.constant 176 : index
        %swap3A_191 = tpu.vector_load %arg9[%swap3A_189, %swap3A_190] {strides = array<i32>} : memref<128x256xf32, #tpu.memory_space<vmem>>, vector<1x16xf32>,
        %swap3A_192 = vector.shape_cast %swap3A_191 : vector<1x16xf32> to vector<16xf32>
        %swap3A_193 = vector.shape_cast %sub3A_188 : vector<16xf32> to vector<1x16xf32>
        tpu.vector_store %arg9[%swap3A_189, %swap3A_190], %swap3A_193 {strides = array<i32>} : memref<128x256xf32, #tpu.memory_space<vmem>>, vector<1x16xf32>,
        %get3A_194 = arith.index_cast %scan3A_28 : i32 to index
        %get3A_195 = arith.constant 192 : index
        %get3A_196 = tpu.vector_load %arg9[%get3A_194, %get3A_195] {strides = array<i32>} : memref<128x256xf32, #tpu.memory_space<vmem>>, vector<1x16xf32>,
        %get3A_197 = vector.shape_cast %get3A_196 : vector<1x16xf32> to vector<16xf32>
        %get3A_198 = arith.index_cast %scan3A_28 : i32 to index
        %get3A_199 = arith.constant 192 : index
        %get3A_200 = tpu.vector_load %arg10[%get3A_198, %get3A_199] {strides = array<i32>} : memref<128x256xf32, #tpu.memory_space<vmem>>, vector<1x16xf32>,
        %get3A_201 = vector.shape_cast %get3A_200 : vector<1x16xf32> to vector<16xf32>
        %sub3A_202 = arith.subf %get3A_197, %get3A_201 : vector<16xf32>
        %swap3A_203 = arith.index_cast %scan3A_28 : i32 to index
        %swap3A_204 = arith.constant 192 : index
        %swap3A_205 = tpu.vector_load %arg9[%swap3A_203, %swap3A_204] {strides = array<i32>} : memref<128x256xf32, #tpu.memory_space<vmem>>, vector<1x16xf32>,
        %swap3A_206 = vector.shape_cast %swap3A_205 : vector<1x16xf32> to vector<16xf32>
        %swap3A_207 = vector.shape_cast %sub3A_202 : vector<16xf32> to vector<1x16xf32>
        tpu.vector_store %arg9[%swap3A_203, %swap3A_204], %swap3A_207 {strides = array<i32>} : memref<128x256xf32, #tpu.memory_space<vmem>>, vector<1x16xf32>,
        %get3A_208 = arith.index_cast %scan3A_28 : i32 to index
        %get3A_209 = arith.constant 208 : index
        %get3A_210 = tpu.vector_load %arg9[%get3A_208, %get3A_209] {strides = array<i32>} : memref<128x256xf32, #tpu.memory_space<vmem>>, vector<1x16xf32>,
        %get3A_211 = vector.shape_cast %get3A_210 : vector<1x16xf32> to vector<16xf32>
        %get3A_212 = arith.index_cast %scan3A_28 : i32 to index
        %get3A_213 = arith.constant 208 : index
        %get3A_214 = tpu.vector_load %arg10[%get3A_212, %get3A_213] {strides = array<i32>} : memref<128x256xf32, #tpu.memory_space<vmem>>, vector<1x16xf32>,
        %get3A_215 = vector.shape_cast %get3A_214 : vector<1x16xf32> to vector<16xf32>
        %sub3A_216 = arith.subf %get3A_211, %get3A_215 : vector<16xf32>
        %swap3A_217 = arith.index_cast %scan3A_28 : i32 to index
        %swap3A_218 = arith.constant 208 : index
        %swap3A_219 = tpu.vector_load %arg9[%swap3A_217, %swap3A_218] {strides = array<i32>} : memref<128x256xf32, #tpu.memory_space<vmem>>, vector<1x16xf32>,
        %swap3A_220 = vector.shape_cast %swap3A_219 : vector<1x16xf32> to vector<16xf32>
        %swap3A_221 = vector.shape_cast %sub3A_216 : vector<16xf32> to vector<1x16xf32>
        tpu.vector_store %arg9[%swap3A_217, %swap3A_218], %swap3A_221 {strides = array<i32>} : memref<128x256xf32, #tpu.memory_space<vmem>>, vector<1x16xf32>,
        %get3A_222 = arith.index_cast %scan3A_28 : i32 to index
        %get3A_223 = arith.constant 224 : index
        %get3A_224 = tpu.vector_load %arg9[%get3A_222, %get3A_223] {strides = array<i32>} : memref<128x256xf32, #tpu.memory_space<vmem>>, vector<1x16xf32>,
        %get3A_225 = vector.shape_cast %get3A_224 : vector<1x16xf32> to vector<16xf32>
        %get3A_226 = arith.index_cast %scan3A_28 : i32 to index
        %get3A_227 = arith.constant 224 : index
        %get3A_228 = tpu.vector_load %arg10[%get3A_226, %get3A_227] {strides = array<i32>} : memref<128x256xf32, #tpu.memory_space<vmem>>, vector<1x16xf32>,
        %get3A_229 = vector.shape_cast %get3A_228 : vector<1x16xf32> to vector<16xf32>
        %sub3A_230 = arith.subf %get3A_225, %get3A_229 : vector<16xf32>
        %swap3A_231 = arith.index_cast %scan3A_28 : i32 to index
        %swap3A_232 = arith.constant 224 : index
        %swap3A_233 = tpu.vector_load %arg9[%swap3A_231, %swap3A_232] {strides = array<i32>} : memref<128x256xf32, #tpu.memory_space<vmem>>, vector<1x16xf32>,
        %swap3A_234 = vector.shape_cast %swap3A_233 : vector<1x16xf32> to vector<16xf32>
        %swap3A_235 = vector.shape_cast %sub3A_230 : vector<16xf32> to vector<1x16xf32>
        tpu.vector_store %arg9[%swap3A_231, %swap3A_232], %swap3A_235 {strides = array<i32>} : memref<128x256xf32, #tpu.memory_space<vmem>>, vector<1x16xf32>,
        %get3A_236 = arith.index_cast %scan3A_28 : i32 to index
        %get3A_237 = arith.constant 240 : index
        %get3A_238 = tpu.vector_load %arg9[%get3A_236, %get3A_237] {strides = array<i32>} : memref<128x256xf32, #tpu.memory_space<vmem>>, vector<1x16xf32>,
        %get3A_239 = vector.shape_cast %get3A_238 : vector<1x16xf32> to vector<16xf32>
        %get3A_240 = arith.index_cast %scan3A_28 : i32 to index
        %get3A_241 = arith.constant 240 : index
        %get3A_242 = tpu.vector_load %arg10[%get3A_240, %get3A_241] {strides = array<i32>} : memref<128x256xf32, #tpu.memory_space<vmem>>, vector<1x16xf32>,
        %get3A_243 = vector.shape_cast %get3A_242 : vector<1x16xf32> to vector<16xf32>
        %sub3A_244 = arith.subf %get3A_239, %get3A_243 : vector<16xf32>
        %swap3A_245 = arith.index_cast %scan3A_28 : i32 to index
        %swap3A_246 = arith.constant 240 : index
        %swap3A_247 = tpu.vector_load %arg9[%swap3A_245, %swap3A_246] {strides = array<i32>} : memref<128x256xf32, #tpu.memory_space<vmem>>, vector<1x16xf32>,
        %swap3A_248 = vector.shape_cast %swap3A_247 : vector<1x16xf32> to vector<16xf32>
        %swap3A_249 = vector.shape_cast %sub3A_244 : vector<16xf32> to vector<1x16xf32>
        tpu.vector_store %arg9[%swap3A_245, %swap3A_246], %swap3A_249 {strides = array<i32>} : memref<128x256xf32, #tpu.memory_space<vmem>>, vector<1x16xf32>,
      }
      %scan3A_27 = arith.constant 128 : i32
      "tpu.region"() ({
        %run_scoped3A = tpu.sem_alloc : memref<!tpu.dma_semaphore, #tpu.memory_space<semaphore_mem>>
        %dma_start3A_28 = arith.constant 0 : i32
        %dma_start3A_29 = tpu.memref_slice %arg6[%mul3A_11, %dma_start3A_28] : memref<163840x256xf32, #tpu.memory_space<hbm>> -> memref<128x256xf32, #tpu.memory_space<hbm>>
        %dma_start3A_30 = arith.constant 0 : i32
        %dma_start3A_31 = tpu.memref_slice %arg6[%mul3A_11, %dma_start3A_30] : memref<163840x256xf32, #tpu.memory_space<hbm>> -> memref<128x256xf32, #tpu.memory_space<hbm>>
        tpu.enqueue_dma source(%arg9 : memref<128x256xf32, #tpu.memory_space<vmem>>) target(%dma_start3A_31 : memref<128x256xf32, #tpu.memory_space<hbm>>) target_semaphore(%run_scoped3A : memref<!tpu.dma_semaphore, #tpu.memory_space<semaphore_mem>>)
        %dma_wait3A_32 = arith.constant 0 : i32
        %dma_wait3A_33 = tpu.memref_slice %arg6[%mul3A_11, %dma_wait3A_32] : memref<163840x256xf32, #tpu.memory_space<hbm>> -> memref<128x256xf32, #tpu.memory_space<hbm>>
        %dma_wait3A_34 = arith.constant 0 : i32
        %dma_wait3A_35 = tpu.memref_slice %arg6[%mul3A_11, %dma_wait3A_34] : memref<163840x256xf32, #tpu.memory_space<hbm>> -> memref<128x256xf32, #tpu.memory_space<hbm>>
        tpu.wait_dma2 semaphore(%run_scoped3A : memref<!tpu.dma_semaphore, #tpu.memory_space<semaphore_mem>>) src(%arg9 : memref<128x256xf32, #tpu.memory_space<vmem>>) dst(%dma_wait3A_35 : memref<128x256xf32, #tpu.memory_space<hbm>>)
        tpu.yield
      }) : () -> ()
    }
    %scan3A_5 = arith.constant 40 : i32
    return
  }
}

module attributes {stable_mosaic.version = 14 : i64} {
  func.func @_node_prep_kernel(%arg0: i32, %arg1: memref<1000x256xf32, #tpu.memory_space<vmem>>, %arg2: memref<1000x128xf32, #tpu.memory_space<vmem>>, %arg3: memref<256x256xf32, #tpu.memory_space<vmem>>, %arg4: memref<128x256xf32, #tpu.memory_space<vmem>>, %arg5: memref<1x256xf32, #tpu.memory_space<vmem>>, %arg6: memref<1000x256xf32, #tpu.memory_space<vmem>>, %arg7: memref<1000x256xf32, #tpu.memory_space<vmem>>) attributes {dimension_semantics = [#tpu.dimension_semantics<arbitrary>], iteration_bounds = array<i64: 10>, scalar_prefetch = 0 : i64, scratch_operands = 0 : i64, tpu.core_type = #tpu.core_type<tc>, window_params = [{transform_indices = @transform_0, window_bounds = array<i64: 1000, 256>}, {transform_indices = @transform_1, window_bounds = array<i64: 1000, 128>}, {pipeline_mode = #tpu.pipeline_mode<synchronous>, transform_indices = @transform_2, window_bounds = array<i64: 256, 256>}, {pipeline_mode = #tpu.pipeline_mode<synchronous>, transform_indices = @transform_3, window_bounds = array<i64: 128, 256>}, {pipeline_mode = #tpu.pipeline_mode<synchronous>, transform_indices = @transform_4, window_bounds = array<i64: 1, 256>}, {transform_indices = @transform_5, window_bounds = array<i64: 1000, 256>}, {transform_indices = @transform_6, window_bounds = array<i64: 1000, 256>}]} {
    %get3A = arith.constant 0 : index
    %get3A_0 = arith.constant 0 : index
    %get3A_1 = vector.load %arg2[%get3A, %get3A_0] : memref<1000x128xf32, #tpu.memory_space<vmem>>, vector<1000x128xf32>
    %get3A_2 = arith.constant 0 : index
    %get3A_3 = arith.constant 0 : index
    %get3A_4 = vector.load %arg4[%get3A_2, %get3A_3] : memref<128x256xf32, #tpu.memory_space<vmem>>, vector<128x256xf32>
    %dot_general3A = arith.constant dense<0.000000e+00> : vector<1000x256xf32>
    %dot_general3A_5 = tpu.matmul %get3A_1, %get3A_4, %dot_general3A {dimension_numbers = #tpu.dot_dimension_numbers<[1], [0], [0], [1], [0, 0, 1, 1], [], []>, transpose_lhs_hint = false} : vector<1000x128xf32>, vector<128x256xf32>, vector<1000x256xf32> -> vector<1000x256xf32>
    %get3A_6 = arith.constant 0 : index
    %get3A_7 = arith.constant 0 : index
    %get3A_8 = vector.load %arg1[%get3A_6, %get3A_7] : memref<1000x256xf32, #tpu.memory_space<vmem>>, vector<1000x256xf32>
    %get3A_9 = arith.constant 0 : index
    %get3A_10 = arith.constant 0 : index
    %get3A_11 = vector.load %arg3[%get3A_9, %get3A_10] : memref<256x256xf32, #tpu.memory_space<vmem>>, vector<256x256xf32>
    %dot_general3A_12 = arith.constant dense<0.000000e+00> : vector<1000x256xf32>
    %dot_general3A_13 = tpu.matmul %get3A_8, %get3A_11, %dot_general3A_12 {dimension_numbers = #tpu.dot_dimension_numbers<[1], [0], [0], [1], [0, 0, 1, 1], [], []>, transpose_lhs_hint = false} : vector<1000x256xf32>, vector<256x256xf32>, vector<1000x256xf32> -> vector<1000x256xf32>
    %add3A = arith.addf %dot_general3A_13, %dot_general3A_5 : vector<1000x256xf32>
    %get3A_14 = arith.constant 0 : index
    %get3A_15 = arith.constant 0 : index
    %get3A_16 = vector.load %arg5[%get3A_14, %get3A_15] : memref<1x256xf32, #tpu.memory_space<vmem>>, vector<1x256xf32>
    %add3A_17 = vector.broadcast %get3A_16 : vector<1x256xf32> to vector<1000x256xf32>
    %add3A_18 = arith.addf %add3A, %add3A_17 : vector<1000x256xf32>
    %swap3A = arith.constant 0 : index
    %swap3A_19 = arith.constant 0 : index
    %swap3A_20 = vector.load %arg6[%swap3A, %swap3A_19] : memref<1000x256xf32, #tpu.memory_space<vmem>>, vector<1000x256xf32>
    tpu.vector_store %arg6[%swap3A, %swap3A_19], %add3A_18 {strides = array<i32>} : memref<1000x256xf32, #tpu.memory_space<vmem>>, vector<1000x256xf32>,
    %swap3A_21 = arith.constant 0 : index
    %swap3A_22 = arith.constant 0 : index
    %swap3A_23 = vector.load %arg7[%swap3A_21, %swap3A_22] : memref<1000x256xf32, #tpu.memory_space<vmem>>, vector<1000x256xf32>
    tpu.vector_store %arg7[%swap3A_21, %swap3A_22], %dot_general3A_5 {strides = array<i32>} : memref<1000x256xf32, #tpu.memory_space<vmem>>, vector<1000x256xf32>,
    return
  }
  func.func @transform_0(%arg0: i32) -> (i32, i32) {
    %c0_i32 = arith.constant 0 : i32
    %c0_i32_0 = arith.constant 0 : i32
    return %arg0, %c0_i32 : i32, i32
  }
  func.func @transform_1(%arg0: i32) -> (i32, i32) {
    %c0_i32 = arith.constant 0 : i32
    %c0_i32_0 = arith.constant 0 : i32
    return %arg0, %c0_i32 : i32, i32
  }
  func.func @transform_2(%arg0: i32) -> (i32, i32) {
    %c0_i32 = arith.constant 0 : i32
    %c0_i32_0 = arith.constant 0 : i32
    %c0_i32_1 = arith.constant 0 : i32
    return %c0_i32, %c0_i32_0 : i32, i32
  }
  func.func @transform_3(%arg0: i32) -> (i32, i32) {
    %c0_i32 = arith.constant 0 : i32
    %c0_i32_0 = arith.constant 0 : i32
    %c0_i32_1 = arith.constant 0 : i32
    return %c0_i32, %c0_i32_0 : i32, i32
  }
  func.func @transform_4(%arg0: i32) -> (i32, i32) {
    %c0_i32 = arith.constant 0 : i32
    %c0_i32_0 = arith.constant 0 : i32
    %c0_i32_1 = arith.constant 0 : i32
    return %c0_i32, %c0_i32_0 : i32, i32
  }
  func.func @transform_5(%arg0: i32) -> (i32, i32) {
    %c0_i32 = arith.constant 0 : i32
    %c0_i32_0 = arith.constant 0 : i32
    return %arg0, %c0_i32 : i32, i32
  }
  func.func @transform_6(%arg0: i32) -> (i32, i32) {
    %c0_i32 = arith.constant 0 : i32
    %c0_i32_0 = arith.constant 0 : i32
    return %arg0, %c0_i32 : i32, i32
  }
}

module attributes {stable_mosaic.version = 14 : i64} {
  func.func @_edge_ln_kernel(%arg0: i32, %arg1: memref<640x256xf32, #tpu.memory_space<vmem>>, %arg2: memref<1x256xf32, #tpu.memory_space<vmem>>, %arg3: memref<1x256xf32, #tpu.memory_space<vmem>>, %arg4: memref<640x256xf32, #tpu.memory_space<vmem>>) attributes {dimension_semantics = [#tpu.dimension_semantics<arbitrary>], iteration_bounds = array<i64: 256>, scalar_prefetch = 0 : i64, scratch_operands = 0 : i64, tpu.core_type = #tpu.core_type<tc>, window_params = [{transform_indices = @transform_0, window_bounds = array<i64: 640, 256>}, {pipeline_mode = #tpu.pipeline_mode<synchronous>, transform_indices = @transform_1, window_bounds = array<i64: 1, 256>}, {pipeline_mode = #tpu.pipeline_mode<synchronous>, transform_indices = @transform_2, window_bounds = array<i64: 1, 256>}, {transform_indices = @transform_3, window_bounds = array<i64: 640, 256>}]} {
    %get3A = arith.constant 0 : index
    %get3A_0 = arith.constant 0 : index
    %get3A_1 = vector.load %arg1[%get3A, %get3A_0] : memref<640x256xf32, #tpu.memory_space<vmem>>, vector<640x256xf32>
    %max3A = arith.constant 0.000000e+00 : f32
    %max3A_2 = vector.broadcast %max3A : f32 to vector<640x256xf32>
    %max3A_3 = arith.maximumf %get3A_1, %max3A_2 : vector<640x256xf32>
    %reduce_sum3A = arith.constant dense<0.000000e+00> : vector<640xf32>
    %reduce_sum3A_4 = vector.multi_reduction <add>, %max3A_3, %reduce_sum3A [1] : vector<640x256xf32> to vector<640xf32>
    %broadcast_in_dim3A = vector.shape_cast %reduce_sum3A_4 : vector<640xf32> to vector<640x1xf32>
    %div3A = arith.constant 2.560000e+02 : f32
    %div3A_5 = vector.broadcast %div3A : f32 to vector<640x1xf32>
    %div3A_6 = arith.divf %broadcast_in_dim3A, %div3A_5 : vector<640x1xf32>
    %sub3A = vector.broadcast %div3A_6 : vector<640x1xf32> to vector<640x256xf32>
    %sub3A_7 = arith.subf %max3A_3, %sub3A : vector<640x256xf32>
    %mul3A = arith.mulf %sub3A_7, %sub3A_7 : vector<640x256xf32>
    %reduce_sum3A_8 = arith.constant dense<0.000000e+00> : vector<640xf32>
    %reduce_sum3A_9 = vector.multi_reduction <add>, %mul3A, %reduce_sum3A_8 [1] : vector<640x256xf32> to vector<640xf32>
    %broadcast_in_dim3A_10 = vector.shape_cast %reduce_sum3A_9 : vector<640xf32> to vector<640x1xf32>
    %div3A_11 = arith.constant 2.560000e+02 : f32
    %div3A_12 = vector.broadcast %div3A_11 : f32 to vector<640x1xf32>
    %div3A_13 = arith.divf %broadcast_in_dim3A_10, %div3A_12 : vector<640x1xf32>
    %add3A = arith.constant 9.99999974E-6 : f32
    %add3A_14 = vector.broadcast %add3A : f32 to vector<640x1xf32>
    %add3A_15 = arith.addf %div3A_13, %add3A_14 : vector<640x1xf32>
    %rsqrt3A = math.rsqrt %add3A_15 : vector<640x1xf32>
    %mul3A_16 = vector.broadcast %rsqrt3A : vector<640x1xf32> to vector<640x256xf32>
    %mul3A_17 = arith.mulf %sub3A_7, %mul3A_16 : vector<640x256xf32>
    %get3A_18 = arith.constant 0 : index
    %get3A_19 = arith.constant 0 : index
    %get3A_20 = vector.load %arg2[%get3A_18, %get3A_19] : memref<1x256xf32, #tpu.memory_space<vmem>>, vector<1x256xf32>
    %mul3A_21 = vector.broadcast %get3A_20 : vector<1x256xf32> to vector<640x256xf32>
    %mul3A_22 = arith.mulf %mul3A_17, %mul3A_21 : vector<640x256xf32>
    %get3A_23 = arith.constant 0 : index
    %get3A_24 = arith.constant 0 : index
    %get3A_25 = vector.load %arg3[%get3A_23, %get3A_24] : memref<1x256xf32, #tpu.memory_space<vmem>>, vector<1x256xf32>
    %add3A_26 = vector.broadcast %get3A_25 : vector<1x256xf32> to vector<640x256xf32>
    %add3A_27 = arith.addf %mul3A_22, %add3A_26 : vector<640x256xf32>
    %swap3A = arith.constant 0 : index
    %swap3A_28 = arith.constant 0 : index
    %swap3A_29 = vector.load %arg4[%swap3A, %swap3A_28] : memref<640x256xf32, #tpu.memory_space<vmem>>, vector<640x256xf32>
    tpu.vector_store %arg4[%swap3A, %swap3A_28], %add3A_27 {strides = array<i32>} : memref<640x256xf32, #tpu.memory_space<vmem>>, vector<640x256xf32>,
    return
  }
  func.func @transform_0(%arg0: i32) -> (i32, i32) {
    %c0_i32 = arith.constant 0 : i32
    %c0_i32_0 = arith.constant 0 : i32
    return %arg0, %c0_i32 : i32, i32
  }
  func.func @transform_1(%arg0: i32) -> (i32, i32) {
    %c0_i32 = arith.constant 0 : i32
    %c0_i32_0 = arith.constant 0 : i32
    %c0_i32_1 = arith.constant 0 : i32
    return %c0_i32, %c0_i32_0 : i32, i32
  }
  func.func @transform_2(%arg0: i32) -> (i32, i32) {
    %c0_i32 = arith.constant 0 : i32
    %c0_i32_0 = arith.constant 0 : i32
    %c0_i32_1 = arith.constant 0 : i32
    return %c0_i32, %c0_i32_0 : i32, i32
  }
  func.func @transform_3(%arg0: i32) -> (i32, i32) {
    %c0_i32 = arith.constant 0 : i32
    %c0_i32_0 = arith.constant 0 : i32
    return %arg0, %c0_i32 : i32, i32
  }
}

module attributes {stable_mosaic.version = 14 : i64} {
  func.func @_update_kernel(%arg0: i32, %arg1: memref<1000x256xf32, #tpu.memory_space<vmem>>, %arg2: memref<1000x256xf32, #tpu.memory_space<vmem>>, %arg3: memref<256x256xf32, #tpu.memory_space<vmem>>, %arg4: memref<1x256xf32, #tpu.memory_space<vmem>>, %arg5: memref<1x256xf32, #tpu.memory_space<vmem>>, %arg6: memref<1x256xf32, #tpu.memory_space<vmem>>, %arg7: memref<1000x256xf32, #tpu.memory_space<vmem>>) attributes {dimension_semantics = [#tpu.dimension_semantics<arbitrary>], iteration_bounds = array<i64: 10>, scalar_prefetch = 0 : i64, scratch_operands = 0 : i64, tpu.core_type = #tpu.core_type<tc>, window_params = [{transform_indices = @transform_0, window_bounds = array<i64: 1000, 256>}, {transform_indices = @transform_1, window_bounds = array<i64: 1000, 256>}, {pipeline_mode = #tpu.pipeline_mode<synchronous>, transform_indices = @transform_2, window_bounds = array<i64: 256, 256>}, {pipeline_mode = #tpu.pipeline_mode<synchronous>, transform_indices = @transform_3, window_bounds = array<i64: 1, 256>}, {pipeline_mode = #tpu.pipeline_mode<synchronous>, transform_indices = @transform_4, window_bounds = array<i64: 1, 256>}, {pipeline_mode = #tpu.pipeline_mode<synchronous>, transform_indices = @transform_5, window_bounds = array<i64: 1, 256>}, {transform_indices = @transform_6, window_bounds = array<i64: 1000, 256>}]} {
    %get3A = arith.constant 0 : index
    %get3A_0 = arith.constant 0 : index
    %get3A_1 = vector.load %arg1[%get3A, %get3A_0] : memref<1000x256xf32, #tpu.memory_space<vmem>>, vector<1000x256xf32>
    %lt3A = arith.constant -9.99999968E+37 : f32
    %lt3A_2 = vector.broadcast %lt3A : f32 to vector<1000x256xf32>
    %lt3A_3 = arith.cmpf olt, %get3A_1, %lt3A_2 : vector<1000x256xf32>
    %jit3A = arith.constant 0.000000e+00 : f32
    %broadcast_in_dim3A = vector.broadcast %jit3A : f32 to vector<1000x256xf32>
    %select_n3A = arith.select %lt3A_3, %broadcast_in_dim3A, %get3A_1 : vector<1000x256xi1>, vector<1000x256xf32>
    %get3A_4 = arith.constant 0 : index
    %get3A_5 = arith.constant 0 : index
    %get3A_6 = vector.load %arg3[%get3A_4, %get3A_5] : memref<256x256xf32, #tpu.memory_space<vmem>>, vector<256x256xf32>
    %dot_general3A = arith.constant dense<0.000000e+00> : vector<1000x256xf32>
    %dot_general3A_7 = tpu.matmul %select_n3A, %get3A_6, %dot_general3A {dimension_numbers = #tpu.dot_dimension_numbers<[1], [0], [0], [1], [0, 0, 1, 1], [], []>, transpose_lhs_hint = false} : vector<1000x256xf32>, vector<256x256xf32>, vector<1000x256xf32> -> vector<1000x256xf32>
    %get3A_8 = arith.constant 0 : index
    %get3A_9 = arith.constant 0 : index
    %get3A_10 = vector.load %arg4[%get3A_8, %get3A_9] : memref<1x256xf32, #tpu.memory_space<vmem>>, vector<1x256xf32>
    %add3A = vector.broadcast %get3A_10 : vector<1x256xf32> to vector<1000x256xf32>
    %add3A_11 = arith.addf %dot_general3A_7, %add3A : vector<1000x256xf32>
    %max3A = arith.constant 0.000000e+00 : f32
    %max3A_12 = vector.broadcast %max3A : f32 to vector<1000x256xf32>
    %max3A_13 = arith.maximumf %add3A_11, %max3A_12 : vector<1000x256xf32>
    %reduce_sum3A = arith.constant dense<0.000000e+00> : vector<1000xf32>
    %reduce_sum3A_14 = vector.multi_reduction <add>, %max3A_13, %reduce_sum3A [1] : vector<1000x256xf32> to vector<1000xf32>
    %broadcast_in_dim3A_15 = vector.shape_cast %reduce_sum3A_14 : vector<1000xf32> to vector<1000x1xf32>
    %div3A = arith.constant 2.560000e+02 : f32
    %div3A_16 = vector.broadcast %div3A : f32 to vector<1000x1xf32>
    %div3A_17 = arith.divf %broadcast_in_dim3A_15, %div3A_16 : vector<1000x1xf32>
    %sub3A = vector.broadcast %div3A_17 : vector<1000x1xf32> to vector<1000x256xf32>
    %sub3A_18 = arith.subf %max3A_13, %sub3A : vector<1000x256xf32>
    %mul3A = arith.mulf %sub3A_18, %sub3A_18 : vector<1000x256xf32>
    %reduce_sum3A_19 = arith.constant dense<0.000000e+00> : vector<1000xf32>
    %reduce_sum3A_20 = vector.multi_reduction <add>, %mul3A, %reduce_sum3A_19 [1] : vector<1000x256xf32> to vector<1000xf32>
    %broadcast_in_dim3A_21 = vector.shape_cast %reduce_sum3A_20 : vector<1000xf32> to vector<1000x1xf32>
    %div3A_22 = arith.constant 2.560000e+02 : f32
    %div3A_23 = vector.broadcast %div3A_22 : f32 to vector<1000x1xf32>
    %div3A_24 = arith.divf %broadcast_in_dim3A_21, %div3A_23 : vector<1000x1xf32>
    %add3A_25 = arith.constant 9.99999974E-6 : f32
    %add3A_26 = vector.broadcast %add3A_25 : f32 to vector<1000x1xf32>
    %add3A_27 = arith.addf %div3A_24, %add3A_26 : vector<1000x1xf32>
    %rsqrt3A = math.rsqrt %add3A_27 : vector<1000x1xf32>
    %mul3A_28 = vector.broadcast %rsqrt3A : vector<1000x1xf32> to vector<1000x256xf32>
    %mul3A_29 = arith.mulf %sub3A_18, %mul3A_28 : vector<1000x256xf32>
    %get3A_30 = arith.constant 0 : index
    %get3A_31 = arith.constant 0 : index
    %get3A_32 = vector.load %arg5[%get3A_30, %get3A_31] : memref<1x256xf32, #tpu.memory_space<vmem>>, vector<1x256xf32>
    %mul3A_33 = vector.broadcast %get3A_32 : vector<1x256xf32> to vector<1000x256xf32>
    %mul3A_34 = arith.mulf %mul3A_29, %mul3A_33 : vector<1000x256xf32>
    %get3A_35 = arith.constant 0 : index
    %get3A_36 = arith.constant 0 : index
    %get3A_37 = vector.load %arg6[%get3A_35, %get3A_36] : memref<1x256xf32, #tpu.memory_space<vmem>>, vector<1x256xf32>
    %add3A_38 = vector.broadcast %get3A_37 : vector<1x256xf32> to vector<1000x256xf32>
    %add3A_39 = arith.addf %mul3A_34, %add3A_38 : vector<1000x256xf32>
    %get3A_40 = arith.constant 0 : index
    %get3A_41 = arith.constant 0 : index
    %get3A_42 = vector.load %arg2[%get3A_40, %get3A_41] : memref<1000x256xf32, #tpu.memory_space<vmem>>, vector<1000x256xf32>
    %add3A_43 = arith.addf %add3A_39, %get3A_42 : vector<1000x256xf32>
    %swap3A = arith.constant 0 : index
    %swap3A_44 = arith.constant 0 : index
    %swap3A_45 = vector.load %arg7[%swap3A, %swap3A_44] : memref<1000x256xf32, #tpu.memory_space<vmem>>, vector<1000x256xf32>
    tpu.vector_store %arg7[%swap3A, %swap3A_44], %add3A_43 {strides = array<i32>} : memref<1000x256xf32, #tpu.memory_space<vmem>>, vector<1000x256xf32>,
    return
  }
  func.func @transform_0(%arg0: i32) -> (i32, i32) {
    %c0_i32 = arith.constant 0 : i32
    %c0_i32_0 = arith.constant 0 : i32
    return %arg0, %c0_i32 : i32, i32
  }
  func.func @transform_1(%arg0: i32) -> (i32, i32) {
    %c0_i32 = arith.constant 0 : i32
    %c0_i32_0 = arith.constant 0 : i32
    return %arg0, %c0_i32 : i32, i32
  }
  func.func @transform_2(%arg0: i32) -> (i32, i32) {
    %c0_i32 = arith.constant 0 : i32
    %c0_i32_0 = arith.constant 0 : i32
    %c0_i32_1 = arith.constant 0 : i32
    return %c0_i32, %c0_i32_0 : i32, i32
  }
  func.func @transform_3(%arg0: i32) -> (i32, i32) {
    %c0_i32 = arith.constant 0 : i32
    %c0_i32_0 = arith.constant 0 : i32
    %c0_i32_1 = arith.constant 0 : i32
    return %c0_i32, %c0_i32_0 : i32, i32
  }
  func.func @transform_4(%arg0: i32) -> (i32, i32) {
    %c0_i32 = arith.constant 0 : i32
    %c0_i32_0 = arith.constant 0 : i32
    %c0_i32_1 = arith.constant 0 : i32
    return %c0_i32, %c0_i32_0 : i32, i32
  }
  func.func @transform_5(%arg0: i32) -> (i32, i32) {
    %c0_i32 = arith.constant 0 : i32
    %c0_i32_0 = arith.constant 0 : i32
    %c0_i32_1 = arith.constant 0 : i32
    return %c0_i32, %c0_i32_0 : i32, i32
  }
  func.func @transform_6(%arg0: i32) -> (i32, i32) {
    %c0_i32 = arith.constant 0 : i32
    %c0_i32_0 = arith.constant 0 : i32
    return %arg0, %c0_i32 : i32, i32
  }
}

</mosaic_0001>

<sc_bundles>
// kernel: kernel.10.cloned.1.call-start
scs
__scs_entry_jumppad:
0x0: {  	(pc) =	sbr.rel $0x88, $3  }
0x1: {  	(tag) =	ssettag $0x0;
	lr =	simm.s32 $0x1  }
0x2: {  	[smem:$0x3F96] =	sst lr;
	_ =	strace $0xD0000000  }
0x3: {  	_ = 	snop  }
0x4: {  	_ = 	snop  }
0x5: {  	_ = 	snop  }
0x6: {  	_ = 	snop  }
0x7: {  	_ = 	snop  }
__scs_overlays_trampoline_lowered:
0x8: {  	[smem:$0x3FA5] =	sst s0  }
0x9: {  	[smem:$0x3FA6] =	sst s1  }
0xa: {  	[smem:$0x3FA7] =	sst s2  }
0xb: {  	[smem:$0x3FA8] =	sst s3  }
0xc: {  	[smem:$0x3FA9] =	sst s4  }
0xd: {  	[smem:$0x3FAA] =	sst s5  }
0xe: {  	[smem:$0x3FAB] =	sst s6  }
0xf: {  	[smem:$0x3FAC] =	sst s7  }
0x10: {  	[smem:$0x3FAD] =	sst s8  }
0x11: {  	[smem:$0x3FAE] =	sst s9;
	s0 =	simm.s32 @!p0 $0x0  }
0x12: {  	s1 =	sld [smem:$0x3F94];
	s0 =	simm.s32 @p0 $0x1  }
0x13: {  	[smem:$0x3FAF] =	sst s0;
	s0 =	simm.s32 @!p1 $0x0  }
0x14: {  	s2 =	sld [smem:$0x3F93];
	s0 =	simm.s32 @p1 $0x1  }
0x15: {  	[smem:$0x3FB0] =	sst s0;
	s0 =	simm.s32 @!p2 $0x0  }
0x16: {  	s3 =	sld [smem:$0x3FDB];
	s0 =	simm.s32 @p2 $0x1  }
0x17: {  	s4 =	simm.s32 $0x1BF5;
	[smem:$0x3FB2] =	sst s0  }
0x18: {  	s0 =	sld [smem:$0x3F95];
	_ =	swait.ge [sflag:s4], $0x0  }
0x19: {  	s7 =	sld [smem:$0x3F96]  }
0x1a: {  	s8 =	sadd.s32 $0xFFFFE003, lr  }
0x1b: {  	s9 =	sadd.s32 $0xFFFFFEF7, lr;
	s5 =	simm.s32 $0xFFFFFFFF;
	p2 =	slt.u32 s8, $0xFFFFF086  }
0x1c: {  	p1 =	slt.u32 s9, $0xF7A;
	s5 =	simm.s32 @!p2 $0x0  }
0x1d: {  	s5 =	simm.s32 @p1 $0x1;
	p0 =	seq.s32 s7, s2  }
0x1e: {  	s7 =	smul.u32 @!p0 $0xF7A, s2;
	p2 =	seq.s32 @!p0 s5, $0x0  }
0x1f: {  	s9 =	smul.u32 $0xF7A, s1;
	s8 =	simm.s32 @!p0 $0x1BF5;
	p2 =	por !p2, p0  }
0x20: {  	[sflag:s8] =	ssyncset.s32 @!p0 $0xFFFFF086;
	s6 =	sadd.s32 @!p0 s3, s7;
	s7 =	simm.s32 @!p0 $0x108  }
0x21: {  	s3 =	sadd.s32 s3, s9;
	s6 =	sadd.s32 @!p0 $0x88, s6;
	s7 =	simm.s32 @p2 $0x1082  }
0x22: {  	[simem:s7], [sflag:s8] =	dma.local @!p0 [hbm:s6], $0xF7A  }
0x23: {  	s9 =	sor.u32 $0xD0000000, s2;
	s6 =	simm.s32 $0x108;
	_ =	swait.ge @!p0 [sflag:s8], $0x0  }
0x24: {  	s3 =	sadd.s32 $0x88, s3;
	s6 =	simm.s32 @!p1 $0x1082;
	[sflag:s4] =	ssyncset.s32 $0xFFFFF086  }
0x25: {  	[simem:s6], [sflag:s4] =	dma.local [hbm:s3], $0xF7A  }
0x26: {  	[smem:$0x3F96] =	sst s1;
	(tag) =	ssettag s2;
	_ =	strace s9  }
0x27: {  	s1 =	sld [smem:$0x3FA6]  }
0x28: {  	s2 =	sld [smem:$0x3FA7]  }
0x29: {  	s4 =	sld [smem:$0x3FA9]  }
0x2a: {  	p0 =	seq.s32 s5, $0x0;
	s5 =	sld [smem:$0x3FAA]  }
0x2b: {  	s6 =	sld [smem:$0x3FAB]  }
0x2c: {  	s7 =	sld [smem:$0x3FAC]  }
0x2d: {  	s3 =	simm.s32 $0x108;
	s8 =	sld [smem:$0x3FAD]  }
0x2e: {  	s3 =	simm.s32 @!p0 $0x1082;
	s9 =	sld [smem:$0x3FAE]  }
0x2f: {  	lr =	sadd.s32 s0, s3;
	s0 =	sld [smem:$0x3FA5]  }
0x30: {  	s3 =	sld [smem:$0x3FA8]  }
0x31: {  	[smem:$0x3FB1] =	sst s10  }
0x32: {  	s10 =	sld [smem:$0x3FAF];
	_ =	sdelay $0x3  }
0x33: {  	p0 =	seq.s32 s10, $0x1;
	s10 =	sld [smem:$0x3FB1];
	_ =	sdelay $0x3  }
0x34: {  	[smem:$0x3FB1] =	sst s10  }
0x35: {  	s10 =	sld [smem:$0x3FB0];
	_ =	sdelay $0x3  }
0x36: {  	p1 =	seq.s32 s10, $0x1;
	s10 =	sld [smem:$0x3FB1];
	_ =	sdelay $0x3  }
0x37: {  	[smem:$0x3FB1] =	sst s10  }
0x38: {  	s10 =	sld [smem:$0x3FB2]  }
0x39: {  	_ = 	snop;
	(pc) =	sbr.ind lr, $3  }
0x3a: {  	_ = 	snop  }
0x3b: {  	_ = 	snop  }
0x3c: {  	p2 =	seq.s32 s10, $0x1;
	s10 =	sld [smem:$0x3FB1]  }
0x3d: {  	_ =	shalt  }
0x3e: {  	_ =	shalt  }
0x3f: {  	_ =	shalt  }
0x40: {  	_ =	shalt  }
0x41: {  	_ =	shalt  }
0x42: {  	_ =	shalt  }
0x43: {  	_ =	shalt  }
0x44: {  	_ =	shalt  }
0x45: {  	_ =	shalt  }
0x46: {  	_ =	shalt  }
0x47: {  	_ =	shalt  }
0x48: {  	_ =	shalt  }
0x49: {  	_ =	shalt  }
0x4a: {  	_ =	shalt  }
0x4b: {  	_ =	shalt  }
0x4c: {  	_ =	shalt  }
0x4d: {  	_ =	shalt  }
0x4e: {  	_ =	shalt  }
0x4f: {  	_ =	shalt  }
0x50: {  	_ =	shalt  }
0x51: {  	_ =	shalt  }
0x52: {  	_ =	shalt  }
0x53: {  	_ =	shalt  }
0x54: {  	_ =	shalt  }
0x55: {  	_ =	shalt  }
0x56: {  	_ =	shalt  }
0x57: {  	_ =	shalt  }
0x58: {  	_ =	shalt  }
0x59: {  	_ =	shalt  }
0x5a: {  	_ =	shalt  }
0x5b: {  	_ =	shalt  }
0x5c: {  	_ =	shalt  }
0x5d: {  	_ =	shalt  }
0x5e: {  	_ =	shalt  }
0x5f: {  	_ =	shalt  }
0x60: {  	_ =	shalt  }
0x61: {  	_ =	shalt  }
0x62: {  	_ =	shalt  }
0x63: {  	_ =	shalt  }
0x64: {  	_ =	shalt  }
0x65: {  	_ =	shalt  }
0x66: {  	_ =	shalt  }
0x67: {  	_ =	shalt  }
0x68: {  	_ =	shalt  }
0x69: {  	_ =	shalt  }
0x6a: {  	_ =	shalt  }
0x6b: {  	_ =	shalt  }
0x6c: {  	_ =	shalt  }
0x6d: {  	_ =	shalt  }
0x6e: {  	_ =	shalt  }
0x6f: {  	_ =	shalt  }
0x70: {  	_ =	shalt  }
0x71: {  	_ =	shalt  }
0x72: {  	_ =	shalt  }
0x73: {  	_ =	shalt  }
0x74: {  	_ =	shalt  }
0x75: {  	_ =	shalt  }
0x76: {  	_ =	shalt  }
0x77: {  	_ =	shalt  }
0x78: {  	_ =	shalt  }
0x79: {  	_ =	shalt  }
0x7a: {  	_ =	shalt  }
0x7b: {  	_ =	shalt  }
0x7c: {  	_ =	shalt  }
0x7d: {  	_ =	shalt  }
0x7e: {  	_ =	shalt  }
0x7f: {  	_ =	shalt  }
0x80: {  	_ =	shalt  }
0x81: {  	_ =	shalt  }
0x82: {  	_ =	shalt  }
0x83: {  	_ =	shalt  }
0x84: {  	_ =	shalt  }
0x85: {  	_ =	shalt  }
0x86: {  	_ =	shalt  }
0x87: {  	_ =	shalt  }
.Lfunc_end0:
.L_simem_size_0:
called_computation.2_lowered:
.L_overlay_start_0:
0x88: {  	s2 =	sld [smem:$0x3FD9]  }
0x89: {  	s3 =	sld [smem:$0x3FFE];
	_ =	sdelay $0x1  }
0x8a: {  	s1 =	srdreg.scid  }
0x8b: {  	s0 =	sand.u32 $0x1, s1  }
0x8c: {  	s16 =	sshll.u32 s0, $0xA;
	s2 =	sadd.s32 s3, s2  }
0x8d: {  	s2 =	sadd.s32 s2, s16  }
0x8e: {  	[smem:$0x3FBD] =	sst s2  }
0x8f: {  	_ = 	snop  }
0x90: {  	(tm) =	ssettm $0x1  }
0x91: {  	s17 =	sld [smem:$0x3FFB];
	_ =	sdelay $0x3  }
0x92: {  	_ =	strace s17  }
0x93: {  	s2 =	sld [smem:$0x3FFC];
	_ =	sdelay $0x3  }
0x94: {  	_ =	strace s2  }
0x95: {  	s2 =	sld [smem:$0x3FFD];
	_ =	sdelay $0x3  }
0x96: {  	_ =	strace s2  }
0x97: {  	_ =	strace $0x8FFFFFFF  }
0x98: {  	s18 =	sld [smem:$0x3FDB];
	_ =	sdelay $0x1  }
0x99: {  	s19 =	simm.s32 $_scs_section_size  }
0x9a: {  	s4 =	simm.s32 $_size__tile_overlayer_lowered;
	s5 =	simm.s32 $_tile_overlayer_lowered  }
0x9b: {  	s22 =	simm.s32 $0x1BFF;
	s21 =	sshll.u32 s5, $0x1;
	s2 =	sadd.s32 s19, s18  }
0x9c: {  	s6 =	simm.s32 $0x0;
	s20 =	sshll.u32 s4, $0x1;
	s4 =	sadd.s32 s21, s2  }
0x9d: {  	[timem:s6], [sflag:s22] =	dma.local [hbm:s4], s20  }
0x9e: {  	_ =	swait.ge [sflag:s22], s20  }
0x9f: {  	s3 =	ssub.s32 $0x0, s20;
	[sflag:s22] =	ssyncset.done $0x0  }
0xa0: {  	[sflag:s22] =	ssyncadd.s32 s3;
	_ =	sdelay $0x1  }
0xa1: {  	s23 =	simm.s32 $0x1B8B  }
0xa2: {  	_ =	swait.ge [sflag:s23], $0x1  }
0xa3: {  	[sflag:s23] =	ssyncset.done $0x0  }
0xa4: {  	s25 =	simm.s32 $0x1B8E;
	s24 =	sld [smem:$0x3FFE];
	[sflag:s23] =	ssyncadd.s32 $0xFFFFFFFF  }
0xa5: {  	s26 =	simm.s32 $execute0_lowered;
	[smem:$0x3FD2] =	sst s25  }
0xa6: {  	s4 =	sshll.u32 s26, $0x1;
	_ =	strace $0x8000004C;
	[dreg:$0x1] =	wrdreg $0xFFFFFFFF  }
0xa7: {  	s28 =	simm.s32 $_size_execute0_lowered;
	s2 =	sadd.s32 s2, s4;
	[dreg:$0x0] =	wrdreg $0x0  }
0xa8: {  	s4 =	sshll.u32 s28, $0x1;
	[dreg:$0x2] =	wrdreg s2  }
0xa9: {  	[dreg:$0x3] =	wrdreg s4  }
0xaa: {  	[dreg:$0x4] =	wrdreg $0xC0  }
0xab: {  	_ =	task [dreg:s6], $0x5FFFF  }
0xac: {  	[dreg:$0x1] =	wrdreg $0xFFFFFFFF  }
0xad: {  	[dreg:$0x0] =	wrdreg $0x60  }
0xae: {  	[dreg:$0x2] =	wrdreg s24  }
0xaf: {  	[dreg:$0x3] =	wrdreg $0x9  }
0xb0: {  	_ =	task.clear_ibuf [dreg:s6], $0x4FFFF;
	_ =	strace $0x9000004C  }
0xb1: {  	s29 =	simm.s32 $0x9;
	_ =	strace $0x8000004E  }
0xb2: {  	_ =	swait.ge [sflag:s29], $0x1  }
0xb3: {  	[sflag:s29] =	ssyncadd.s32 $0xFFFFFFFF  }
0xb4: {  	_ =	strace $0x9000004E  }
0xb5: {  	_ =	sfence  }
0xb6: {  	s30 =	sld [smem:$0x0];
	_ =	sdelay $0x2  }
0xb7: {  	s31 =	sshll.u32 s1, $0xD;
	s1 =	sshrl.u32 s1, $0x2  }
0xb8: {  	s3 =	sand.u32 $0x4000, s31;
	s1 =	sadd.s32 s1, s30  }
0xb9: {  	s0 =	sor.u32 s3, s0;
	s1 =	sshll.u32 s1, $0x11  }
0xba: {  	s0 =	sor.u32 s1, s0  }
0xbb: {  	s0 =	sadd.s32 $0x8F2B, s0  }
0xbc: {  	[sflag:s0] =	ssyncadd.remote.s32 $0x1  }
0xbd: {  	_ =	sfence.sel $0xFFFF  }
0xbe: {  	[dreg:$0x0] =	wrdreg $0xFFFFFFFF;
	(pc) =	sbr.abs _section_cstart, $3  }
0xbf: {  	[dreg:$0x1] =	wrdreg $0xFFFFFFFF  }
0xc0: {  	_ =	task.clear_ibuf [dreg:s6], $0x2FFFF;
	_ =	strace $0x9FFFFFFF  }
0xc1: {  	(tm) =	ssettm $0x7FFFFFFF  }
tec
execute0_lowered:
.L_overlay_start_1:
0x0: {  	(tag) =	ssettag $0x1  }
0x1: {  	s0 =	srdreg.scid  }
0x2: {  	s2 =	stileid.u32;
	s1 =	rddreg [dreg:$0x0];
	s3 =	simm.s32 $0x0  }
0x3: {  	s0 =	sand.u32 $0x1, s0;
	s2 =	sshll.u32 s2, $0x1;
	[smem:$0x7FF] =	sst s3  }
0x4: {  	s28 =	sadd.s32 $0x7A00, s1;
	s29 =	sadd.s32 $0x2A00, s1;
	s2 =	sor.u32 s0, s2  }
0x5: {  	_ =	strace $0x8000004D;
	s0 =	ssub.s32 $0x2, s0;
	s4 =	smul.u32 $0x2800, s2  }
.Ltmp0:
0x6: {  	[dreg:$0x2] =	wrdreg s28;
	s30 =	sshrl.u32 s0, $0x1;
	(pc) =	sbr.rel .LBB2_1-.Ltmp0, $4  }
0x7: {  	[dreg:$0x3] =	wrdreg s29;
	s0 =	ssub.s32 s0, s30  }
0x8: {  	s3 =	smul.u32 $0x140, s2;
	s1 =	sadd.s32 s4, s1;
	s0 =	smax.u32 s0, $0x1  }
0x9: {  	s10 =	simm.s32 $0x1;
	s1 =	sadd.s32 $0x507A00, s1;
	[dreg:$0x5] =	wrdreg s0  }
0xa: {  	v0 =	vimm.f32 $-3.000000010e+38;
	s2 =	simm.s32 $0x0;
	s31 =	sadd.s32 $0x140, s3;
	[dreg:$0x4] =	wrdreg s1  }
.LBB2_15:
0xb: {  	s0 =	simm.s32 $0x0  }
0xc: {  	s1 =	rddreg [dreg:$0x4];
	s2 =	simm.s32 $0x8280;
	s28 =	simm.s32 $0x2  }
0xd: {  	[hbm4b:s1+s0] =	stream.linear.scatter [tilespmem:s2], [sflag:$0x2], $0x14000, $0x38;
	[tilespmem:$0x1C280] =	vst v63  }
0xe: {  	_ =	swait.ge [sflag:s28], $0x14000  }
0xf: {  	s29 =	rddreg [dreg:$0x6]  }
0x10: {  	s30 =	rddreg [dreg:$0x5];
	s2 =	sadd.s32 $0x1, s29  }
0x11: {  	p0 =	sne.s32 s2, s30  }
.Ltmp1:
0x12: {  	_ = 	snop;
	(pc) =	sbr.rel @!p0 .LBB2_16-.Ltmp1, $3  }
0x13: {  	_ =	sdelay $0x1  }
0x14: {  	[sflag:s28] =	ssyncset.done $0x0  }
0x15: {  	[sflag:s28] =	ssyncadd.s32 $0xFFFEC000  }
.LBB2_1:
0x16: {  	s0 =	simm.s32 $0x40;
	s1 =	simm.s32 $0x0  }
.LBB2_2:
0x17: {  	p0 =	sne.s32 s0, $0x4FFC0;
	[tilespmem:s1+$0x8280] =	vst v0;
	s1 =	smov.u32 s0;
	s0 =	sadd.s32 $0x40, s0  }
.Ltmp2:
0x18: {  	(pc) =	sbr.rel @p0 .LBB2_2-.Ltmp2, $2  }
0x19: {  	_ =	sdelay $0x2  }
0x1a: {  	s1 =	sshra.s32 s1, $0x2  }
.Ltmp3:
0x1b: {  	(pc) =	sbr.rel .LBB2_4-.Ltmp3, $3  }
0x1c: {  	_ =	sdelay $0x1  }
0x1d: {  	[dreg:$0x6] =	wrdreg s2  }
0x1e: {  	[tilespmem:s1+$0x8280] =	vst v0;
	s17 =	rddreg [dreg:$0x2];
	s0 =	simm.s32 $0x0  }
.LBB2_14:
0x1f: {  	s0 =	rddreg [dreg:$0x8]  }
0x20: {  	s0 =	sadd.s32 $0x1, s0  }
0x21: {  	p0 =	sne.s32 s0, $0xFA  }
.Ltmp4:
0x22: {  	_ = 	snop;
	(pc) =	sbr.rel @!p0 .LBB2_15-.Ltmp4, $3  }
0x23: {  	_ =	sdelay $0x1  }
0x24: {  	s17 =	rddreg [dreg:$0x7]  }
0x25: {  	s17 =	sadd.s32 $0x5000, s17  }
.LBB2_4:
0x26: {  	s28 =	smul.u32 $0x280, s0  }
0x27: {  	[dreg:$0x8] =	wrdreg s0  }
0x28: {  	s1 =	rddreg [dreg:$0x3];
	s29 =	simm.s32 $0x0;
	s0 =	sshrl.u32 s28, $0x3  }
.Ltmp5:
0x29: {  	s30 =	simm.s32 $0x2;
	s0 =	sadd.s32 s1, s0;
	(pc) =	sbr.rel .LBB2_5-.Ltmp5, $4  }
0x2a: {  	[tilespmem:s29], [sflag:$0x2] =	stream.linear.gather [hbm4b:s0+s29], $0x280, $0x38;
	[tilespmem:$0x1C280] =	vst v63  }
0x2b: {  	_ =	swait.ge [sflag:s30], $0x280  }
0x2c: {  	s21 =	simm.s32 $0x0;
	[sflag:s30] =	ssyncset.done $0x0  }
0x2d: {  	s1 =	simm.s32 $0x0;
	[dreg:$0x7] =	wrdreg s17;
	[sflag:s30] =	ssyncadd.s32 $0xFFFFFD80  }
.LBB2_12:
0x2e: {  	vm0 =	vgt.f32 v2, v1  }
0x2f: {  	v1 =	vsel vm0, v2, v1  }
0x30: {  	s1 =	rddreg [dreg:$0xa];
	[tilespmem:s20+$0x8370] =	vst v1  }
.LBB2_13:
0x31: {  	s1 =	sadd.s32 $0x1, s1  }
0x32: {  	p0 =	sne.s32 s1, $0x5  }
.Ltmp6:
0x33: {  	_ = 	snop;
	(pc) =	sbr.rel @!p0 .LBB2_14-.Ltmp6, $3  }
0x34: {  	_ =	sdelay $0x1  }
0x35: {  	s21 =	rddreg [dreg:$0x9]  }
0x36: {  	s17 =	sadd.s32 $0x1000, s17;
	s21 =	sadd.s32 $0x80, s21  }
.LBB2_5:
0x37: {  	[dreg:$0xa] =	wrdreg s1  }
0x38: {  	s20 =	simm.s32 $0x0;
	[dreg:$0x9] =	wrdreg s21;
	s19 =	simm.s32 $0x0  }
.LBB2_6:
0x39: {  	v1 =	vld [tilespmem:s21+$0x0];
	_ =	sdelay $0x4  }
0x3a: {  	(v2sf) =	vpush v1, $0x0;
	_ =	sdelay $0x7  }
0x3b: {  	(v2sf) =	vpush v1, $0x1;
	_ =	sdelay $0x6  }
0x3c: {  	s0 =	spop (v2sf)  }
0x3d: {  	p0 =	sge.s32 s0, s3;
	p1 =	slt.s32 s0, s31  }
0x3e: {  	(v2sf) =	vpush v1, $0x2;
	p0 =	por !p0, !p1  }
0x3f: {  	p2 =	por !p0, !p0  }
0x40: {  	[dreg:$0xb] =	wrdreg s0;
	s0 =	sshll.u32 @p2 s19, $0xA  }
0x41: {  	s0 =	sshra.s32 @p2 s0, $0x2  }
0x42: {  	s1 =	sadd.s32 @p2 s20, s17;
	s2 =	simm.s32 @p2 $0x0;
	s0 =	sadd.s32 @p2 $0x280, s0  }
0x43: {  	[tilespmem:s0], [sflag:$0x1] =	stream.linear.gather @p2 [hbm4b:s1+s2], $0x100, $0x38;
	[tilespmem:$0x1C280] =	vst v63  }
0x44: {  	s24 =	spop (v2sf);
	s0 =	simm.s32 @!p2 $0x0  }
0x45: {  	p3 =	sge.s32 s24, s3;
	s0 =	simm.s32 @p2 $0x1  }
0x46: {  	p4 =	slt.s32 s24, s31;
	[smem:$0x7F4] =	sst s0;
	s0 =	simm.s32 $0x1  }
0x47: {  	(v2sf) =	vpush v1, $0x3;
	p0 =	por !p3, !p4;
	s0 =	simm.s32 @!p2 $0x0  }
0x48: {  	p2 =	por !p0, !p0;
	s4 =	sadd.s32 s0, s19  }
0x49: {  	s0 =	sshll.u32 @p2 s4, $0xA  }
0x4a: {  	s1 =	sadd.s32 @p2 s20, s17;
	s0 =	sshra.s32 @p2 s0, $0x2  }
0x4b: {  	s2 =	simm.s32 @p2 $0x0;
	s1 =	sadd.s32 @p2 $0x20, s1;
	s0 =	sadd.s32 @p2 $0x280, s0  }
0x4c: {  	[tilespmem:s0], [sflag:$0x1] =	stream.linear.gather @p2 [hbm4b:s1+s2], $0x100, $0x38;
	[tilespmem:$0x1C280] =	vst v63  }
0x4d: {  	s0 =	simm.s32 @!p2 $0x0;
	s25 =	spop (v2sf)  }
0x4e: {  	s0 =	simm.s32 @p2 $0x1;
	p5 =	sge.s32 s25, s3  }
0x4f: {  	p6 =	slt.s32 s25, s31;
	[smem:$0x7F5] =	sst s0;
	s0 =	simm.s32 $0x1  }
0x50: {  	(v2sf) =	vpush v1, $0x4;
	p0 =	por !p5, !p6;
	s0 =	simm.s32 @!p2 $0x0  }
0x51: {  	[dreg:$0xe] =	wrdreg s4;
	p2 =	por !p0, !p0;
	s4 =	sadd.s32 s0, s4  }
0x52: {  	s0 =	sshll.u32 @p2 s4, $0xA  }
0x53: {  	s1 =	sadd.s32 @p2 s20, s17;
	s0 =	sshra.s32 @p2 s0, $0x2  }
0x54: {  	s2 =	simm.s32 @p2 $0x0;
	s1 =	sadd.s32 @p2 $0x40, s1;
	s0 =	sadd.s32 @p2 $0x280, s0  }
0x55: {  	[tilespmem:s0], [sflag:$0x1] =	stream.linear.gather @p2 [hbm4b:s1+s2], $0x100, $0x38;
	[tilespmem:$0x1C280] =	vst v63  }
0x56: {  	s26 =	spop (v2sf);
	s0 =	simm.s32 @!p2 $0x0  }
0x57: {  	p3 =	sge.s32 s26, s3;
	s0 =	simm.s32 @p2 $0x1  }
0x58: {  	p4 =	slt.s32 s26, s31;
	[smem:$0x7F6] =	sst s0;
	s0 =	simm.s32 $0x1  }
0x59: {  	(v2sf) =	vpush v1, $0x5;
	p0 =	por !p3, !p4;
	s0 =	simm.s32 @!p2 $0x0  }
0x5a: {  	[dreg:$0x10] =	wrdreg s4;
	p2 =	por !p0, !p0;
	s4 =	sadd.s32 s0, s4  }
0x5b: {  	s0 =	sshll.u32 @p2 s4, $0xA  }
0x5c: {  	s1 =	sadd.s32 @p2 s20, s17;
	s0 =	sshra.s32 @p2 s0, $0x2  }
0x5d: {  	s2 =	simm.s32 @p2 $0x0;
	s1 =	sadd.s32 @p2 $0x60, s1;
	s0 =	sadd.s32 @p2 $0x280, s0  }
0x5e: {  	[tilespmem:s0], [sflag:$0x1] =	stream.linear.gather @p2 [hbm4b:s1+s2], $0x100, $0x38;
	[tilespmem:$0x1C280] =	vst v63  }
0x5f: {  	s28 =	spop (v2sf);
	s0 =	simm.s32 @!p2 $0x0  }
0x60: {  	p5 =	sge.s32 s28, s3;
	s0 =	simm.s32 @p2 $0x1  }
0x61: {  	p6 =	slt.s32 s28, s31;
	[smem:$0x7F7] =	sst s0;
	s0 =	simm.s32 $0x1  }
0x62: {  	(v2sf) =	vpush v1, $0x6;
	p0 =	por !p5, !p6;
	s0 =	simm.s32 @!p2 $0x0  }
0x63: {  	[dreg:$0x12] =	wrdreg s4;
	p2 =	por !p0, !p0;
	s4 =	sadd.s32 s0, s4  }
0x64: {  	s0 =	sshll.u32 @p2 s4, $0xA  }
0x65: {  	s1 =	sadd.s32 @p2 s20, s17;
	s0 =	sshra.s32 @p2 s0, $0x2  }
0x66: {  	s2 =	simm.s32 @p2 $0x0;
	s1 =	sadd.s32 @p2 $0x80, s1;
	s0 =	sadd.s32 @p2 $0x280, s0  }
0x67: {  	[tilespmem:s0], [sflag:$0x1] =	stream.linear.gather @p2 [hbm4b:s1+s2], $0x100, $0x38;
	[tilespmem:$0x1C280] =	vst v63  }
0x68: {  	s29 =	spop (v2sf);
	s0 =	simm.s32 @!p2 $0x0  }
0x69: {  	p3 =	sge.s32 s29, s3;
	s0 =	simm.s32 @p2 $0x1  }
0x6a: {  	p4 =	slt.s32 s29, s31;
	[smem:$0x7F8] =	sst s0;
	s0 =	simm.s32 $0x1  }
0x6b: {  	(v2sf) =	vpush v1, $0x7;
	p0 =	por !p3, !p4;
	s0 =	simm.s32 @!p2 $0x0  }
0x6c: {  	p2 =	por !p0, !p0;
	s1 =	sadd.s32 s0, s4  }
0x6d: {  	s0 =	sshll.u32 @p2 s1, $0xA  }
0x6e: {  	[dreg:$0x14] =	wrdreg s4;
	s2 =	sadd.s32 @p2 s20, s17;
	s0 =	sshra.s32 @p2 s0, $0x2  }
0x6f: {  	s4 =	simm.s32 @p2 $0x0;
	s2 =	sadd.s32 @p2 $0xA0, s2;
	s0 =	sadd.s32 @p2 $0x280, s0  }
0x70: {  	[tilespmem:s0], [sflag:$0x1] =	stream.linear.gather @p2 [hbm4b:s2+s4], $0x100, $0x38;
	[tilespmem:$0x1C280] =	vst v63  }
0x71: {  	s11 =	spop (v2sf);
	s0 =	simm.s32 @!p2 $0x0  }
0x72: {  	p5 =	sge.s32 s11, s3;
	s0 =	simm.s32 @p2 $0x1  }
0x73: {  	p6 =	slt.s32 s11, s31;
	[smem:$0x7F9] =	sst s0;
	s0 =	simm.s32 $0x1  }
0x74: {  	(v2sf) =	vpush v1, $0x8;
	p0 =	por !p5, !p6;
	s0 =	simm.s32 @!p2 $0x0  }
0x75: {  	p2 =	por !p0, !p0;
	s2 =	sadd.s32 s0, s1  }
0x76: {  	s0 =	sshll.u32 @p2 s2, $0xA  }
0x77: {  	s4 =	sadd.s32 @p2 s20, s17;
	s0 =	sshra.s32 @p2 s0, $0x2  }
0x78: {  	s5 =	simm.s32 @p2 $0x0;
	s4 =	sadd.s32 @p2 $0xC0, s4;
	s0 =	sadd.s32 @p2 $0x280, s0  }
0x79: {  	[tilespmem:s0], [sflag:$0x1] =	stream.linear.gather @p2 [hbm4b:s4+s5], $0x100, $0x38;
	[tilespmem:$0x1C280] =	vst v63  }
0x7a: {  	s7 =	spop (v2sf);
	s0 =	simm.s32 @!p2 $0x0  }
0x7b: {  	p3 =	sge.s32 s7, s3;
	s0 =	simm.s32 @p2 $0x1  }
0x7c: {  	p4 =	slt.s32 s7, s31;
	[smem:$0x7FA] =	sst s0;
	s0 =	simm.s32 $0x1  }
0x7d: {  	(v2sf) =	vpush v1, $0x9;
	p0 =	por !p3, !p4;
	s0 =	simm.s32 @!p2 $0x0  }
0x7e: {  	p2 =	por !p0, !p0;
	s8 =	sadd.s32 s0, s2  }
0x7f: {  	s0 =	sshll.u32 @p2 s8, $0xA  }
0x80: {  	s4 =	sadd.s32 @p2 s20, s17;
	s0 =	sshra.s32 @p2 s0, $0x2  }
0x81: {  	s5 =	simm.s32 @p2 $0x0;
	s4 =	sadd.s32 @p2 $0xE0, s4;
	s0 =	sadd.s32 @p2 $0x280, s0  }
0x82: {  	[tilespmem:s0], [sflag:$0x1] =	stream.linear.gather @p2 [hbm4b:s4+s5], $0x100, $0x38;
	[tilespmem:$0x1C280] =	vst v63  }
0x83: {  	s0 =	simm.s32 @!p2 $0x0;
	s4 =	spop (v2sf)  }
0x84: {  	s0 =	simm.s32 @p2 $0x1;
	p5 =	sge.s32 s4, s3  }
0x85: {  	p6 =	slt.s32 s4, s31;
	[smem:$0x7FB] =	sst s0;
	s0 =	simm.s32 $0x1  }
0x86: {  	(v2sf) =	vpush v1, $0xA;
	p0 =	por !p5, !p6;
	s0 =	simm.s32 @!p2 $0x0  }
0x87: {  	p2 =	por !p0, !p0;
	s12 =	sadd.s32 s0, s8  }
0x88: {  	s0 =	sshll.u32 @p2 s12, $0xA  }
0x89: {  	s5 =	sadd.s32 @p2 s20, s17;
	s0 =	sshra.s32 @p2 s0, $0x2  }
0x8a: {  	s6 =	simm.s32 @p2 $0x0;
	s5 =	sadd.s32 @p2 $0x100, s5;
	s0 =	sadd.s32 @p2 $0x280, s0  }
0x8b: {  	[tilespmem:s0], [sflag:$0x1] =	stream.linear.gather @p2 [hbm4b:s5+s6], $0x100, $0x38;
	[tilespmem:$0x1C280] =	vst v63  }
0x8c: {  	s13 =	spop (v2sf);
	s0 =	simm.s32 @!p2 $0x0  }
0x8d: {  	p3 =	sge.s32 s13, s3;
	s0 =	simm.s32 @p2 $0x1  }
0x8e: {  	p4 =	slt.s32 s13, s31;
	[smem:$0x7FC] =	sst s0;
	s0 =	simm.s32 $0x1  }
0x8f: {  	(v2sf) =	vpush v1, $0xB;
	p0 =	por !p3, !p4;
	s0 =	simm.s32 @!p2 $0x0  }
0x90: {  	p2 =	por !p0, !p0;
	s5 =	sadd.s32 s0, s12  }
0x91: {  	s0 =	sshll.u32 @p2 s5, $0xA  }
0x92: {  	s6 =	sadd.s32 @p2 s20, s17;
	s0 =	sshra.s32 @p2 s0, $0x2  }
0x93: {  	s9 =	simm.s32 @p2 $0x0;
	s6 =	sadd.s32 @p2 $0x120, s6;
	s0 =	sadd.s32 @p2 $0x280, s0  }
0x94: {  	[tilespmem:s0], [sflag:$0x1] =	stream.linear.gather @p2 [hbm4b:s6+s9], $0x100, $0x38;
	[tilespmem:$0x1C280] =	vst v63  }
0x95: {  	s0 =	simm.s32 @!p2 $0x0;
	s9 =	spop (v2sf)  }
0x96: {  	s0 =	simm.s32 @p2 $0x1;
	p5 =	sge.s32 s9, s3  }
0x97: {  	(v2sf) =	vpush v1, $0xC;
	p6 =	slt.s32 s9, s31;
	[smem:$0x7FD] =	sst s0;
	s0 =	simm.s32 $0x1  }
0x98: {  	p0 =	por !p5, !p6;
	s0 =	simm.s32 @!p2 $0x0  }
0x99: {  	p6 =	por !p0, !p0;
	s14 =	sadd.s32 s0, s5  }
0x9a: {  	s0 =	sshll.u32 @p6 s14, $0xA  }
0x9b: {  	s6 =	sadd.s32 @p6 s20, s17;
	s0 =	sshra.s32 @p6 s0, $0x2  }
0x9c: {  	s15 =	simm.s32 @p6 $0x0;
	s6 =	sadd.s32 @p6 $0x140, s6;
	s0 =	sadd.s32 @p6 $0x280, s0  }
0x9d: {  	[tilespmem:s0], [sflag:$0x1] =	stream.linear.gather @p6 [hbm4b:s6+s15], $0x100, $0x38;
	[tilespmem:$0x1C280] =	vst v63  }
0x9e: {  	s15 =	spop (v2sf)  }
0x9f: {  	s0 =	simm.s32 $0x1;
	(v2sf) =	vpush v1, $0xD;
	p1 =	sge.s32 s15, s3;
	p2 =	slt.s32 s15, s31  }
0xa0: {  	s0 =	simm.s32 @!p6 $0x0;
	p0 =	por !p1, !p2  }
0xa1: {  	s18 =	sadd.s32 s0, s14;
	p5 =	por !p0, !p0  }
0xa2: {  	s0 =	sshll.u32 @p5 s18, $0xA  }
0xa3: {  	s6 =	sadd.s32 @p5 s20, s17;
	s0 =	sshra.s32 @p5 s0, $0x2  }
0xa4: {  	s16 =	simm.s32 @p5 $0x0;
	s6 =	sadd.s32 @p5 $0x160, s6;
	s0 =	sadd.s32 @p5 $0x280, s0  }
0xa5: {  	[tilespmem:s0], [sflag:$0x1] =	stream.linear.gather @p5 [hbm4b:s6+s16], $0x100, $0x38;
	[tilespmem:$0x1C280] =	vst v63  }
0xa6: {  	s16 =	spop (v2sf)  }
0xa7: {  	s0 =	simm.s32 $0x1;
	(v2sf) =	vpush v1, $0xE;
	p3 =	sge.s32 s16, s3;
	p4 =	slt.s32 s16, s31  }
0xa8: {  	s0 =	simm.s32 @!p5 $0x0;
	p0 =	por !p3, !p4  }
0xa9: {  	s0 =	sadd.s32 s0, s18;
	p4 =	por !p0, !p0  }
0xaa: {  	s6 =	sshll.u32 @p4 s0, $0xA  }
0xab: {  	[dreg:$0xc] =	wrdreg s24;
	s24 =	sadd.s32 @p4 s20, s17;
	s6 =	sshra.s32 @p4 s6, $0x2  }
0xac: {  	s23 =	simm.s32 @p4 $0x0;
	s24 =	sadd.s32 @p4 $0x180, s24;
	s6 =	sadd.s32 @p4 $0x280, s6  }
0xad: {  	[tilespmem:s6], [sflag:$0x1] =	stream.linear.gather @p4 [hbm4b:s24+s23], $0x100, $0x38;
	[tilespmem:$0x1C280] =	vst v63  }
0xae: {  	s6 =	spop (v2sf)  }
0xaf: {  	s23 =	simm.s32 $0x1;
	(v2sf) =	vpush v1, $0xF;
	p2 =	sge.s32 s6, s3;
	p3 =	slt.s32 s6, s31  }
0xb0: {  	s23 =	simm.s32 @!p4 $0x0;
	p0 =	por !p2, !p3  }
0xb1: {  	s24 =	sadd.s32 s23, s0;
	p2 =	por !p0, !p0  }
0xb2: {  	[dreg:$0xd] =	wrdreg s25;
	s23 =	sshll.u32 @p2 s24, $0xA  }
0xb3: {  	[dreg:$0x11] =	wrdreg s28;
	s25 =	sadd.s32 @p2 s20, s17;
	s23 =	sshra.s32 @p2 s23, $0x2  }
0xb4: {  	s28 =	simm.s32 @p2 $0x0;
	s25 =	sadd.s32 @p2 $0x1A0, s25;
	s23 =	sadd.s32 @p2 $0x280, s23  }
0xb5: {  	[tilespmem:s23], [sflag:$0x1] =	stream.linear.gather @p2 [hbm4b:s25+s28], $0x100, $0x38;
	[tilespmem:$0x1C280] =	vst v63  }
0xb6: {  	s23 =	spop (v2sf)  }
0xb7: {  	s25 =	simm.s32 $0x1;
	p1 =	sge.s32 s23, s3;
	p3 =	slt.s32 s23, s31  }
0xb8: {  	s25 =	simm.s32 @!p2 $0x0;
	p0 =	por !p1, !p3  }
0xb9: {  	s25 =	sadd.s32 s25, s24;
	p1 =	por !p0, !p0  }
0xba: {  	s28 =	sshll.u32 @p1 s25, $0xA  }
0xbb: {  	[dreg:$0xf] =	wrdreg s26;
	s26 =	sadd.s32 @p1 s20, s17;
	s28 =	sshra.s32 @p1 s28, $0x2  }
0xbc: {  	s30 =	simm.s32 @p1 $0x0;
	s26 =	sadd.s32 @p1 $0x1C0, s26;
	s28 =	sadd.s32 @p1 $0x280, s28  }
0xbd: {  	[tilespmem:s28], [sflag:$0x1] =	stream.linear.gather @p1 [hbm4b:s26+s30], $0x100, $0x38;
	[tilespmem:$0x1C280] =	vst v63  }
0xbe: {  	s26 =	spop (v2sf)  }
0xbf: {  	p0 =	sge.s32 s26, s3  }
0xc0: {  	s22 =	simm.s32 @!p0 $0x0  }
0xc1: {  	s22 =	simm.s32 @p0 $0x1  }
0xc2: {  	[smem:$0x7F3] =	sst s22  }
0xc3: {  	s22 =	sld [smem:$0x7F3];
	_ =	sdelay $0x2  }
0xc4: {  	s28 =	simm.s32 $0x1;
	p0 =	slt.s32 s26, s31;
	p3 =	seq.s32 s22, $0x1  }
0xc5: {  	s28 =	simm.s32 @!p1 $0x0;
	p0 =	por !p3, !p0  }
0xc6: {  	s28 =	sadd.s32 s28, s25;
	p0 =	por !p0, !p0  }
0xc7: {  	s30 =	sshll.u32 @p0 s28, $0xA  }
0xc8: {  	[dreg:$0x13] =	wrdreg s29;
	s29 =	sadd.s32 @p0 s20, s17;
	s30 =	sshra.s32 @p0 s30, $0x2  }
0xc9: {  	s22 =	simm.s32 @p0 $0x0;
	s29 =	sadd.s32 @p0 $0x1E0, s29;
	s30 =	sadd.s32 @p0 $0x280, s30  }
0xca: {  	[tilespmem:s30], [sflag:$0x1] =	stream.linear.gather @p0 [hbm4b:s29+s22], $0x100, $0x38;
	[tilespmem:$0x1C280] =	vst v63  }
0xcb: {  	s30 =	sld [smem:$0x7F4];
	_ =	sdelay $0x1  }
0xcc: {  	s22 =	rddreg [dreg:$0xb]  }
0xcd: {  	s29 =	sld [smem:$0x7F6];
	p3 =	seq.s32 s30, $0x1  }
0xce: {  	s30 =	sld [smem:$0x7F5];
	s22 =	ssub.s32 @p3 s22, s3  }
0xcf: {  	[smem:s19] =	sst @p3 s22  }
0xd0: {  	s19 =	rddreg [dreg:$0xc]  }
0xd1: {  	s22 =	rddreg [dreg:$0xe];
	p3 =	seq.s32 s30, $0x1  }
0xd2: {  	s30 =	sld [smem:$0x7F7];
	s19 =	ssub.s32 @p3 s19, s3  }
0xd3: {  	[smem:s22] =	sst @p3 s19  }
0xd4: {  	s19 =	rddreg [dreg:$0xd]  }
0xd5: {  	p3 =	seq.s32 s29, $0x1;
	s22 =	rddreg [dreg:$0x10]  }
0xd6: {  	s29 =	sld [smem:$0x7F8];
	s19 =	ssub.s32 @p3 s19, s3  }
0xd7: {  	[smem:s22] =	sst @p3 s19  }
0xd8: {  	s19 =	rddreg [dreg:$0xf]  }
0xd9: {  	p3 =	seq.s32 s30, $0x1;
	s22 =	rddreg [dreg:$0x12]  }
0xda: {  	s30 =	sld [smem:$0x7F9];
	s19 =	ssub.s32 @p3 s19, s3  }
0xdb: {  	[smem:s22] =	sst @p3 s19  }
0xdc: {  	s19 =	rddreg [dreg:$0x11];
	p3 =	seq.s32 s29, $0x1  }
0xdd: {  	s22 =	rddreg [dreg:$0x14];
	s19 =	ssub.s32 @p3 s19, s3  }
0xde: {  	[smem:s22] =	sst @p3 s19  }
0xdf: {  	s19 =	rddreg [dreg:$0x13];
	p3 =	seq.s32 s30, $0x1  }
0xe0: {  	s19 =	ssub.s32 @p3 s19, s3  }
0xe1: {  	[smem:s1] =	sst @p3 s19  }
0xe2: {  	s19 =	sld [smem:$0x7FA];
	_ =	sdelay $0x1  }
0xe3: {  	s22 =	sld [smem:$0x7FB]  }
0xe4: {  	p3 =	seq.s32 s19, $0x1  }
0xe5: {  	s29 =	sld [smem:$0x7FC];
	s1 =	ssub.s32 @p3 s11, s3  }
0xe6: {  	[smem:s2] =	sst @p3 s1;
	p3 =	seq.s32 s22, $0x1  }
0xe7: {  	s30 =	sld [smem:$0x7FD];
	s1 =	ssub.s32 @p3 s7, s3  }
0xe8: {  	[smem:s8] =	sst @p3 s1;
	p3 =	seq.s32 s29, $0x1  }
0xe9: {  	s1 =	ssub.s32 @p3 s4, s3  }
0xea: {  	[smem:s12] =	sst @p3 s1;
	p3 =	seq.s32 s30, $0x1  }
0xeb: {  	s1 =	ssub.s32 @p3 s13, s3  }
0xec: {  	[smem:s5] =	sst @p3 s1;
	s1 =	ssub.s32 @p6 s9, s3  }
0xed: {  	[smem:s14] =	sst @p6 s1;
	s1 =	ssub.s32 @p5 s15, s3  }
0xee: {  	[smem:s18] =	sst @p5 s1;
	s1 =	ssub.s32 @p4 s16, s3  }
0xef: {  	[smem:s0] =	sst @p4 s1;
	s0 =	ssub.s32 @p2 s6, s3  }
0xf0: {  	s20 =	sadd.s32 $0x200, s20;
	[smem:s24] =	sst @p2 s0;
	s0 =	ssub.s32 @p1 s23, s3  }
0xf1: {  	[smem:s25] =	sst @p1 s0;
	p1 =	seq.s32 s20, $0x1000  }
.Ltmp7:
0xf2: {  	_ = 	snop;
	(pc) =	sbr.rel @!p1 .LBB2_6-.Ltmp7, $4  }
0xf3: {  	_ = 	snop  }
0xf4: {  	s0 =	simm.s32 $0x1  }
0xf5: {  	s1 =	ssub.s32 @p0 s26, s3;
	s0 =	simm.s32 @!p0 $0x0  }
0xf6: {  	s21 =	sadd.s32 $0x10, s21;
	[smem:s28] =	sst @p0 s1;
	s19 =	sadd.s32 s0, s28  }
0xf7: {  	p0 =	sgt.s32 s19, $0x0  }
.Ltmp8:
0xf8: {  	_ = 	snop;
	(pc) =	sbr.rel @!p0 .LBB2_13-.Ltmp8, $2  }
0xf9: {  	_ =	sdelay $0x2  }
0xfa: {  	s0 =	simm.s32 $0x0;
	s1 =	rddreg [dreg:$0xa]  }
0xfb: {  	s0 =	sadd.s32 $0x1, s0  }
0xfc: {  	p0 =	slt.s32 s0, s19  }
.Ltmp9:
0xfd: {  	_ = 	snop;
	(pc) =	sbr.rel @!p0 .LBB2_10-.Ltmp9, $3  }
0xfe: {  	_ =	sdelay $0x1  }
0xff: {  	_ =	swait.ge [sflag:s10], $0x100  }
0x100: {  	[sflag:s10] =	ssyncset.done $0x0  }
.LBB2_9:
0x101: {  	s0 =	sadd.s32 $0x1, s0  }
0x102: {  	[sflag:s10] =	ssyncadd.s32 $0xFFFFFF00;
	p0 =	slt.s32 s0, s19  }
.Ltmp10:
0x103: {  	(pc) =	sbr.rel @p0 .LBB2_9-.Ltmp10, $3  }
0x104: {  	_ =	sdelay $0x1  }
0x105: {  	_ =	swait.ge [sflag:s10], $0x100  }
0x106: {  	[sflag:s10] =	ssyncset.done $0x0  }
.LBB2_10:
0x107: {  	[sflag:s10] =	ssyncadd.s32 $0xFFFFFF00  }
0x108: {  	s0 =	sld [smem:$0x0];
	_ =	sdelay $0x2  }
0x109: {  	s21 =	simm.s32 $0x300;
	s0 =	sshll.u32 s0, $0xA  }
0x10a: {  	v2 =	vld [tilespmem:s21+$0xFFFFFF80];
	s20 =	sshra.s32 s0, $0x2  }
0x10b: {  	v1 =	vld [tilespmem:s20+$0x8280];
	_ =	sdelay $0x4  }
0x10c: {  	vm0 =	vgt.f32 v2, v1  }
0x10d: {  	v1 =	vsel vm0, v2, v1  }
0x10e: {  	[tilespmem:s20+$0x8280] =	vst v1;
	v1 =	vld [tilespmem:s20+$0x8290]  }
0x10f: {  	v2 =	vld [tilespmem:s21+$0xFFFFFF90];
	_ =	sdelay $0x4  }
0x110: {  	vm14 =	vgt.f32 v2, v1  }
0x111: {  	v1 =	vsel vm14, v2, v1  }
0x112: {  	[tilespmem:s20+$0x8290] =	vst v1;
	v1 =	vld [tilespmem:s20+$0x82A0]  }
0x113: {  	v2 =	vld [tilespmem:s21+$0xFFFFFFA0];
	_ =	sdelay $0x4  }
0x114: {  	vm15 =	vgt.f32 v2, v1  }
0x115: {  	v1 =	vsel vm15, v2, v1  }
0x116: {  	[tilespmem:s20+$0x82A0] =	vst v1;
	v1 =	vld [tilespmem:s20+$0x82B0]  }
0x117: {  	v2 =	vld [tilespmem:s21+$0xFFFFFFB0];
	_ =	sdelay $0x4  }
0x118: {  	vm4 =	vgt.f32 v2, v1  }
0x119: {  	v1 =	vsel vm4, v2, v1  }
0x11a: {  	[tilespmem:s20+$0x82B0] =	vst v1;
	v1 =	vld [tilespmem:s20+$0x82C0]  }
0x11b: {  	v2 =	vld [tilespmem:s21+$0xFFFFFFC0];
	_ =	sdelay $0x4  }
0x11c: {  	vm5 =	vgt.f32 v2, v1  }
0x11d: {  	v1 =	vsel vm5, v2, v1  }
0x11e: {  	[tilespmem:s20+$0x82C0] =	vst v1;
	v1 =	vld [tilespmem:s20+$0x82D0]  }
0x11f: {  	v2 =	vld [tilespmem:s21+$0xFFFFFFD0];
	_ =	sdelay $0x4  }
0x120: {  	vm6 =	vgt.f32 v2, v1  }
0x121: {  	v1 =	vsel vm6, v2, v1  }
0x122: {  	[tilespmem:s20+$0x82D0] =	vst v1;
	v1 =	vld [tilespmem:s20+$0x82E0]  }
0x123: {  	v2 =	vld [tilespmem:s21+$0xFFFFFFE0];
	_ =	sdelay $0x4  }
0x124: {  	vm7 =	vgt.f32 v2, v1  }
0x125: {  	v1 =	vsel vm7, v2, v1  }
0x126: {  	[tilespmem:s20+$0x82E0] =	vst v1;
	v1 =	vld [tilespmem:s20+$0x82F0]  }
0x127: {  	v2 =	vld [tilespmem:s21+$0xFFFFFFF0];
	_ =	sdelay $0x4  }
0x128: {  	vm8 =	vgt.f32 v2, v1  }
0x129: {  	v1 =	vsel vm8, v2, v1  }
0x12a: {  	[tilespmem:s20+$0x82F0] =	vst v1;
	v1 =	vld [tilespmem:s20+$0x8300]  }
0x12b: {  	v2 =	vld [tilespmem:s21+$0x0];
	_ =	sdelay $0x4  }
0x12c: {  	vm9 =	vgt.f32 v2, v1  }
0x12d: {  	v1 =	vsel vm9, v2, v1  }
0x12e: {  	[tilespmem:s20+$0x8300] =	vst v1;
	v1 =	vld [tilespmem:s20+$0x8310]  }
0x12f: {  	v2 =	vld [tilespmem:s21+$0x10];
	_ =	sdelay $0x4  }
0x130: {  	vm10 =	vgt.f32 v2, v1  }
0x131: {  	v1 =	vsel vm10, v2, v1  }
0x132: {  	[tilespmem:s20+$0x8310] =	vst v1;
	v1 =	vld [tilespmem:s20+$0x8320]  }
0x133: {  	v2 =	vld [tilespmem:s21+$0x20];
	_ =	sdelay $0x4  }
0x134: {  	vm11 =	vgt.f32 v2, v1  }
0x135: {  	v1 =	vsel vm11, v2, v1  }
0x136: {  	[tilespmem:s20+$0x8320] =	vst v1;
	v1 =	vld [tilespmem:s20+$0x8330]  }
0x137: {  	v2 =	vld [tilespmem:s21+$0x30];
	_ =	sdelay $0x4  }
0x138: {  	vm12 =	vgt.f32 v2, v1  }
0x139: {  	v1 =	vsel vm12, v2, v1  }
0x13a: {  	[tilespmem:s20+$0x8330] =	vst v1;
	v1 =	vld [tilespmem:s20+$0x8340]  }
0x13b: {  	v2 =	vld [tilespmem:s21+$0x40];
	_ =	sdelay $0x4  }
0x13c: {  	vm13 =	vgt.f32 v2, v1  }
0x13d: {  	v1 =	vsel vm13, v2, v1  }
0x13e: {  	[tilespmem:s20+$0x8340] =	vst v1;
	v1 =	vld [tilespmem:s20+$0x8350]  }
0x13f: {  	v2 =	vld [tilespmem:s21+$0x50];
	_ =	sdelay $0x4  }
0x140: {  	vm14 =	vgt.f32 v2, v1  }
0x141: {  	v1 =	vsel vm14, v2, v1  }
0x142: {  	[tilespmem:s20+$0x8350] =	vst v1;
	v1 =	vld [tilespmem:s20+$0x8360]  }
0x143: {  	v2 =	vld [tilespmem:s21+$0x60];
	_ =	sdelay $0x4  }
0x144: {  	vm15 =	vgt.f32 v2, v1  }
0x145: {  	v1 =	vsel vm15, v2, v1  }
0x146: {  	p0 =	sgt.s32 s19, $0x1;
	[tilespmem:s20+$0x8360] =	vst v1;
	v1 =	vld [tilespmem:s20+$0x8370]  }
.Ltmp11:
0x147: {  	v2 =	vld [tilespmem:s21+$0x70];
	(pc) =	sbr.rel @!p0 .LBB2_12-.Ltmp11, $2  }
0x148: {  	_ =	sdelay $0x2  }
0x149: {  	s22 =	simm.s32 $0x1;
	s23 =	simm.s32 $0x1  }
.LBB2_11:
0x14a: {  	s0 =	sld [smem:s22+$0x0]  }
0x14b: {  	s23 =	sadd.s32 $0x1, s23  }
0x14c: {  	p0 =	slt.s32 s23, s19  }
0x14d: {  	vm0 =	vgt.f32 v2, v1;
	s0 =	sshll.u32 s0, $0xA  }
0x14e: {  	v1 =	vsel vm0, v2, v1;
	s0 =	sshra.s32 s0, $0x2  }
0x14f: {  	s21 =	sadd.s32 $0x100, s21;
	v2 =	vld [tilespmem:s0+$0x8280];
	[tilespmem:s20+$0x8370] =	vst v1;
	s20 =	smov.u32 s0  }
0x150: {  	v1 =	vld [tilespmem:s21+$0xFFFFFF80];
	_ =	sdelay $0x4  }
0x151: {  	vm0 =	vgt.f32 v1, v2  }
0x152: {  	v1 =	vsel vm0, v1, v2  }
0x153: {  	[tilespmem:s20+$0x8280] =	vst v1;
	v1 =	vld [tilespmem:s20+$0x8290]  }
0x154: {  	v2 =	vld [tilespmem:s21+$0xFFFFFF90];
	_ =	sdelay $0x4  }
0x155: {  	vm0 =	vgt.f32 v2, v1  }
0x156: {  	v1 =	vsel vm0, v2, v1  }
0x157: {  	[tilespmem:s20+$0x8290] =	vst v1;
	v1 =	vld [tilespmem:s20+$0x82A0]  }
0x158: {  	v2 =	vld [tilespmem:s21+$0xFFFFFFA0];
	_ =	sdelay $0x4  }
0x159: {  	vm0 =	vgt.f32 v2, v1  }
0x15a: {  	v1 =	vsel vm0, v2, v1  }
0x15b: {  	[tilespmem:s20+$0x82A0] =	vst v1;
	v1 =	vld [tilespmem:s20+$0x82B0]  }
0x15c: {  	v2 =	vld [tilespmem:s21+$0xFFFFFFB0];
	_ =	sdelay $0x4  }
0x15d: {  	vm0 =	vgt.f32 v2, v1  }
0x15e: {  	v1 =	vsel vm0, v2, v1  }
0x15f: {  	[tilespmem:s20+$0x82B0] =	vst v1;
	v1 =	vld [tilespmem:s20+$0x82C0]  }
0x160: {  	v2 =	vld [tilespmem:s21+$0xFFFFFFC0];
	_ =	sdelay $0x4  }
0x161: {  	vm0 =	vgt.f32 v2, v1  }
0x162: {  	v1 =	vsel vm0, v2, v1  }
0x163: {  	[tilespmem:s20+$0x82C0] =	vst v1;
	v1 =	vld [tilespmem:s20+$0x82D0]  }
0x164: {  	v2 =	vld [tilespmem:s21+$0xFFFFFFD0];
	_ =	sdelay $0x4  }
0x165: {  	vm0 =	vgt.f32 v2, v1  }
0x166: {  	v1 =	vsel vm0, v2, v1  }
0x167: {  	[tilespmem:s20+$0x82D0] =	vst v1;
	v1 =	vld [tilespmem:s20+$0x82E0]  }
0x168: {  	v2 =	vld [tilespmem:s21+$0xFFFFFFE0];
	_ =	sdelay $0x4  }
0x169: {  	vm0 =	vgt.f32 v2, v1  }
0x16a: {  	v1 =	vsel vm0, v2, v1  }
0x16b: {  	[tilespmem:s20+$0x82E0] =	vst v1;
	v1 =	vld [tilespmem:s20+$0x82F0]  }
0x16c: {  	v2 =	vld [tilespmem:s21+$0xFFFFFFF0];
	_ =	sdelay $0x4  }
0x16d: {  	vm0 =	vgt.f32 v2, v1  }
0x16e: {  	v1 =	vsel vm0, v2, v1  }
0x16f: {  	[tilespmem:s20+$0x82F0] =	vst v1;
	v1 =	vld [tilespmem:s20+$0x8300]  }
0x170: {  	v2 =	vld [tilespmem:s21+$0x0];
	_ =	sdelay $0x4  }
0x171: {  	vm0 =	vgt.f32 v2, v1  }
0x172: {  	v1 =	vsel vm0, v2, v1  }
0x173: {  	[tilespmem:s20+$0x8300] =	vst v1;
	v1 =	vld [tilespmem:s20+$0x8310]  }
0x174: {  	v2 =	vld [tilespmem:s21+$0x10];
	_ =	sdelay $0x4  }
0x175: {  	vm0 =	vgt.f32 v2, v1  }
0x176: {  	v1 =	vsel vm0, v2, v1  }
0x177: {  	[tilespmem:s20+$0x8310] =	vst v1;
	v1 =	vld [tilespmem:s20+$0x8320]  }
0x178: {  	v2 =	vld [tilespmem:s21+$0x20];
	_ =	sdelay $0x4  }
0x179: {  	vm0 =	vgt.f32 v2, v1  }
0x17a: {  	v1 =	vsel vm0, v2, v1  }
0x17b: {  	[tilespmem:s20+$0x8320] =	vst v1;
	v1 =	vld [tilespmem:s20+$0x8330]  }
0x17c: {  	v2 =	vld [tilespmem:s21+$0x30];
	_ =	sdelay $0x4  }
0x17d: {  	vm0 =	vgt.f32 v2, v1  }
0x17e: {  	v1 =	vsel vm0, v2, v1  }
0x17f: {  	[tilespmem:s20+$0x8330] =	vst v1;
	v1 =	vld [tilespmem:s20+$0x8340]  }
0x180: {  	v2 =	vld [tilespmem:s21+$0x40];
	_ =	sdelay $0x4  }
0x181: {  	vm0 =	vgt.f32 v2, v1  }
0x182: {  	v1 =	vsel vm0, v2, v1  }
0x183: {  	[tilespmem:s20+$0x8340] =	vst v1;
	v1 =	vld [tilespmem:s20+$0x8350]  }
0x184: {  	v2 =	vld [tilespmem:s21+$0x50];
	_ =	sdelay $0x4  }
0x185: {  	vm0 =	vgt.f32 v2, v1  }
0x186: {  	v1 =	vsel vm0, v2, v1  }
0x187: {  	[tilespmem:s20+$0x8350] =	vst v1;
	v1 =	vld [tilespmem:s20+$0x8360]  }
0x188: {  	v2 =	vld [tilespmem:s21+$0x60];
	_ =	sdelay $0x4  }
.Ltmp12:
0x189: {  	vm0 =	vgt.f32 v2, v1;
	(pc) =	sbr.rel @p0 .LBB2_11-.Ltmp12, $4  }
0x18a: {  	v1 =	vsel vm0, v2, v1  }
0x18b: {  	[tilespmem:s20+$0x8360] =	vst v1;
	v1 =	vld [tilespmem:s20+$0x8370]  }
0x18c: {  	v2 =	vld [tilespmem:s21+$0x70]  }
0x18d: {  	s22 =	sadd.s32 $0x1, s22  }
.Ltmp13:
0x18e: {  	_ = 	snop;
	(pc) =	sbr.rel .LBB2_12-.Ltmp13, $1  }
0x18f: {  	_ =	sdelay $0x3  }
.LBB2_16:
0x190: {  	_ =	sfence.sel $0x180000  }
0x191: {  	[bflag:$0x0] =	sbarrier.arrive $0xFFFF  }
0x192: {  	_ =	strace $0x9000004D  }
0x193: {  	s0 =	stileid.u32;
	[bflag:$0x2] =	sbarrier.arrive $0xFFFF  }
0x194: {  	p0 =	sne.s32 s0, $0x0;
	s0 =	rddreg [dreg:$0x1]  }
0x195: {  	s0 =	sadd.s32 @!p0 $0x100000, s0  }
0x196: {  	[sflag:s0] =	ssyncadd.tile.s32 @!p0 $0x1;
	_ =	shalt  }
.Lfunc_end2:
_tile_overlayer_lowered:
.L_overlay_start_2:
0x197: {  	(tag) =	ssettag $0x2  }
0x198: {  	s0 =	rddreg [dreg:$0x0];
	s2 =	stileid.u32  }
0x199: {  	s1 =	rddreg [dreg:$0x1];
	p0 =	sne.s32 s2, $0x0  }
0x19a: {  	s3 =	rddreg [dreg:$0x2];
	[bflag:$0x3] =	sbarrier.arrive $0xFFFF;
	s2 =	simm.s32 @!p0 $0x1C02  }
0x19b: {  	[timem:s3], [sflag:s2] =	dma.local @!p0 [hbm:s0], s1  }
0x19c: {  	s0 =	simm.s32 @!p0 $0x2  }
0x19d: {  	_ =	swait.ge @!p0 [sflag:s0], s1  }
0x19e: {  	s1 =	ssub.s32 @!p0 $0x0, s1;
	[sflag:s0] =	ssyncset.done @!p0 $0x0  }
0x19f: {  	[sflag:s0] =	ssyncadd.s32 @!p0 s1  }
0x1a0: {  	[bflag:$0x3] =	sbarrier.arrive $0xFFFF  }
0x1a1: {  	_ =	shalt  }

// kernel: kernel.7.cloned.1.call-start
scs
__scs_entry_jumppad:
0x0: {  	(pc) =	sbr.rel $0x88, $3  }
0x1: {  	(tag) =	ssettag $0x0;
	lr =	simm.s32 $0x1  }
0x2: {  	[smem:$0x3F96] =	sst lr;
	_ =	strace $0xD0000000  }
0x3: {  	_ = 	snop  }
0x4: {  	_ = 	snop  }
0x5: {  	_ = 	snop  }
0x6: {  	_ = 	snop  }
0x7: {  	_ = 	snop  }
__scs_overlays_trampoline_lowered:
0x8: {  	[smem:$0x3FA5] =	sst s0  }
0x9: {  	[smem:$0x3FA6] =	sst s1  }
0xa: {  	[smem:$0x3FA7] =	sst s2  }
0xb: {  	[smem:$0x3FA8] =	sst s3  }
0xc: {  	[smem:$0x3FA9] =	sst s4  }
0xd: {  	[smem:$0x3FAA] =	sst s5  }
0xe: {  	[smem:$0x3FAB] =	sst s6  }
0xf: {  	[smem:$0x3FAC] =	sst s7  }
0x10: {  	[smem:$0x3FAD] =	sst s8  }
0x11: {  	[smem:$0x3FAE] =	sst s9;
	s0 =	simm.s32 @!p0 $0x0  }
0x12: {  	s1 =	sld [smem:$0x3F94];
	s0 =	simm.s32 @p0 $0x1  }
0x13: {  	[smem:$0x3FAF] =	sst s0;
	s0 =	simm.s32 @!p1 $0x0  }
0x14: {  	s2 =	sld [smem:$0x3F93];
	s0 =	simm.s32 @p1 $0x1  }
0x15: {  	[smem:$0x3FB0] =	sst s0;
	s0 =	simm.s32 @!p2 $0x0  }
0x16: {  	s3 =	sld [smem:$0x3FDB];
	s0 =	simm.s32 @p2 $0x1  }
0x17: {  	s4 =	simm.s32 $0x1BF5;
	[smem:$0x3FB2] =	sst s0  }
0x18: {  	s0 =	sld [smem:$0x3F95];
	_ =	swait.ge [sflag:s4], $0x0  }
0x19: {  	s7 =	sld [smem:$0x3F96]  }
0x1a: {  	s8 =	sadd.s32 $0xFFFFE003, lr  }
0x1b: {  	s9 =	sadd.s32 $0xFFFFFEF7, lr;
	s5 =	simm.s32 $0xFFFFFFFF;
	p2 =	slt.u32 s8, $0xFFFFF086  }
0x1c: {  	p1 =	slt.u32 s9, $0xF7A;
	s5 =	simm.s32 @!p2 $0x0  }
0x1d: {  	s5 =	simm.s32 @p1 $0x1;
	p0 =	seq.s32 s7, s2  }
0x1e: {  	s7 =	smul.u32 @!p0 $0xF7A, s2;
	p2 =	seq.s32 @!p0 s5, $0x0  }
0x1f: {  	s9 =	smul.u32 $0xF7A, s1;
	s8 =	simm.s32 @!p0 $0x1BF5;
	p2 =	por !p2, p0  }
0x20: {  	[sflag:s8] =	ssyncset.s32 @!p0 $0xFFFFF086;
	s6 =	sadd.s32 @!p0 s3, s7;
	s7 =	simm.s32 @!p0 $0x108  }
0x21: {  	s3 =	sadd.s32 s3, s9;
	s6 =	sadd.s32 @!p0 $0x88, s6;
	s7 =	simm.s32 @p2 $0x1082  }
0x22: {  	[simem:s7], [sflag:s8] =	dma.local @!p0 [hbm:s6], $0xF7A  }
0x23: {  	s9 =	sor.u32 $0xD0000000, s2;
	s6 =	simm.s32 $0x108;
	_ =	swait.ge @!p0 [sflag:s8], $0x0  }
0x24: {  	s3 =	sadd.s32 $0x88, s3;
	s6 =	simm.s32 @!p1 $0x1082;
	[sflag:s4] =	ssyncset.s32 $0xFFFFF086  }
0x25: {  	[simem:s6], [sflag:s4] =	dma.local [hbm:s3], $0xF7A  }
0x26: {  	[smem:$0x3F96] =	sst s1;
	(tag) =	ssettag s2;
	_ =	strace s9  }
0x27: {  	s1 =	sld [smem:$0x3FA6]  }
0x28: {  	s2 =	sld [smem:$0x3FA7]  }
0x29: {  	s4 =	sld [smem:$0x3FA9]  }
0x2a: {  	p0 =	seq.s32 s5, $0x0;
	s5 =	sld [smem:$0x3FAA]  }
0x2b: {  	s6 =	sld [smem:$0x3FAB]  }
0x2c: {  	s7 =	sld [smem:$0x3FAC]  }
0x2d: {  	s3 =	simm.s32 $0x108;
	s8 =	sld [smem:$0x3FAD]  }
0x2e: {  	s3 =	simm.s32 @!p0 $0x1082;
	s9 =	sld [smem:$0x3FAE]  }
0x2f: {  	lr =	sadd.s32 s0, s3;
	s0 =	sld [smem:$0x3FA5]  }
0x30: {  	s3 =	sld [smem:$0x3FA8]  }
0x31: {  	[smem:$0x3FB1] =	sst s10  }
0x32: {  	s10 =	sld [smem:$0x3FAF];
	_ =	sdelay $0x3  }
0x33: {  	p0 =	seq.s32 s10, $0x1;
	s10 =	sld [smem:$0x3FB1];
	_ =	sdelay $0x3  }
0x34: {  	[smem:$0x3FB1] =	sst s10  }
0x35: {  	s10 =	sld [smem:$0x3FB0];
	_ =	sdelay $0x3  }
0x36: {  	p1 =	seq.s32 s10, $0x1;
	s10 =	sld [smem:$0x3FB1];
	_ =	sdelay $0x3  }
0x37: {  	[smem:$0x3FB1] =	sst s10  }
0x38: {  	s10 =	sld [smem:$0x3FB2]  }
0x39: {  	_ = 	snop;
	(pc) =	sbr.ind lr, $3  }
0x3a: {  	_ = 	snop  }
0x3b: {  	_ = 	snop  }
0x3c: {  	p2 =	seq.s32 s10, $0x1;
	s10 =	sld [smem:$0x3FB1]  }
0x3d: {  	_ =	shalt  }
0x3e: {  	_ =	shalt  }
0x3f: {  	_ =	shalt  }
0x40: {  	_ =	shalt  }
0x41: {  	_ =	shalt  }
0x42: {  	_ =	shalt  }
0x43: {  	_ =	shalt  }
0x44: {  	_ =	shalt  }
0x45: {  	_ =	shalt  }
0x46: {  	_ =	shalt  }
0x47: {  	_ =	shalt  }
0x48: {  	_ =	shalt  }
0x49: {  	_ =	shalt  }
0x4a: {  	_ =	shalt  }
0x4b: {  	_ =	shalt  }
0x4c: {  	_ =	shalt  }
0x4d: {  	_ =	shalt  }
0x4e: {  	_ =	shalt  }
0x4f: {  	_ =	shalt  }
0x50: {  	_ =	shalt  }
0x51: {  	_ =	shalt  }
0x52: {  	_ =	shalt  }
0x53: {  	_ =	shalt  }
0x54: {  	_ =	shalt  }
0x55: {  	_ =	shalt  }
0x56: {  	_ =	shalt  }
0x57: {  	_ =	shalt  }
0x58: {  	_ =	shalt  }
0x59: {  	_ =	shalt  }
0x5a: {  	_ =	shalt  }
0x5b: {  	_ =	shalt  }
0x5c: {  	_ =	shalt  }
0x5d: {  	_ =	shalt  }
0x5e: {  	_ =	shalt  }
0x5f: {  	_ =	shalt  }
0x60: {  	_ =	shalt  }
0x61: {  	_ =	shalt  }
0x62: {  	_ =	shalt  }
0x63: {  	_ =	shalt  }
0x64: {  	_ =	shalt  }
0x65: {  	_ =	shalt  }
0x66: {  	_ =	shalt  }
0x67: {  	_ =	shalt  }
0x68: {  	_ =	shalt  }
0x69: {  	_ =	shalt  }
0x6a: {  	_ =	shalt  }
0x6b: {  	_ =	shalt  }
0x6c: {  	_ =	shalt  }
0x6d: {  	_ =	shalt  }
0x6e: {  	_ =	shalt  }
0x6f: {  	_ =	shalt  }
0x70: {  	_ =	shalt  }
0x71: {  	_ =	shalt  }
0x72: {  	_ =	shalt  }
0x73: {  	_ =	shalt  }
0x74: {  	_ =	shalt  }
0x75: {  	_ =	shalt  }
0x76: {  	_ =	shalt  }
0x77: {  	_ =	shalt  }
0x78: {  	_ =	shalt  }
0x79: {  	_ =	shalt  }
0x7a: {  	_ =	shalt  }
0x7b: {  	_ =	shalt  }
0x7c: {  	_ =	shalt  }
0x7d: {  	_ =	shalt  }
0x7e: {  	_ =	shalt  }
0x7f: {  	_ =	shalt  }
0x80: {  	_ =	shalt  }
0x81: {  	_ =	shalt  }
0x82: {  	_ =	shalt  }
0x83: {  	_ =	shalt  }
0x84: {  	_ =	shalt  }
0x85: {  	_ =	shalt  }
0x86: {  	_ =	shalt  }
0x87: {  	_ =	shalt  }
.Lfunc_end0:
.L_simem_size_0:
called_computation.1_lowered:
.L_overlay_start_0:
0x88: {  	s2 =	sld [smem:$0x3FD9]  }
0x89: {  	s3 =	sld [smem:$0x3FFE];
	_ =	sdelay $0x1  }
0x8a: {  	s1 =	srdreg.scid  }
0x8b: {  	s0 =	sand.u32 $0x1, s1  }
0x8c: {  	s17 =	sshll.u32 s0, $0xA;
	s2 =	sadd.s32 s3, s2  }
0x8d: {  	s2 =	sadd.s32 s2, s17  }
0x8e: {  	[smem:$0x3FBD] =	sst s2  }
0x8f: {  	_ = 	snop  }
0x90: {  	s2 =	sld [smem:$0x3FD0];
	(tm) =	ssettm $0x1  }
0x91: {  	s18 =	sld [smem:$0x3FFB];
	_ =	sdelay $0x3  }
0x92: {  	_ =	strace s18  }
0x93: {  	s3 =	sld [smem:$0x3FFC];
	_ =	sdelay $0x3  }
0x94: {  	_ =	strace s3  }
0x95: {  	s3 =	sld [smem:$0x3FFD];
	_ =	sdelay $0x3  }
0x96: {  	_ =	strace s3  }
0x97: {  	_ =	strace $0x8FFFFFFF  }
0x98: {  	s19 =	sld [smem:$0x3FDB];
	_ =	sdelay $0x1  }
0x99: {  	s4 =	simm.s32 $_scs_section_size  }
0x9a: {  	s5 =	simm.s32 $_size__tile_overlayer_lowered;
	s6 =	simm.s32 $_tile_overlayer_lowered  }
0x9b: {  	s22 =	simm.s32 $0x1BFF;
	s21 =	sshll.u32 s6, $0x1;
	s3 =	sadd.s32 s4, s19  }
0x9c: {  	s7 =	simm.s32 $0x0;
	s20 =	sshll.u32 s5, $0x1;
	s5 =	sadd.s32 s21, s3  }
0x9d: {  	[timem:s7], [sflag:s22] =	dma.local [hbm:s5], s20  }
0x9e: {  	_ =	swait.ge [sflag:s22], s20  }
0x9f: {  	s4 =	ssub.s32 $0x0, s20;
	[sflag:s22] =	ssyncset.done $0x0  }
0xa0: {  	[sflag:s22] =	ssyncadd.s32 s4;
	_ =	sdelay $0x1  }
0xa1: {  	s23 =	simm.s32 $0x1B8B  }
0xa2: {  	_ =	swait.ge [sflag:s23], $0x1  }
0xa3: {  	[sflag:s23] =	ssyncset.done $0x0  }
0xa4: {  	s25 =	simm.s32 $0x1B8E;
	s24 =	sld [smem:$0x3FFE];
	[sflag:s23] =	ssyncadd.s32 $0xFFFFFFFF  }
0xa5: {  	s26 =	simm.s32 $execute0_lowered;
	[smem:$0x3FD2] =	sst s25  }
0xa6: {  	s5 =	sshll.u32 s26, $0x1;
	_ =	strace $0x80000046;
	[dreg:$0x1] =	wrdreg $0xFFFFFFFF  }
0xa7: {  	s28 =	simm.s32 $_size_execute0_lowered;
	s3 =	sadd.s32 s3, s5;
	[dreg:$0x0] =	wrdreg $0x0  }
0xa8: {  	s5 =	sshll.u32 s28, $0x1;
	[dreg:$0x2] =	wrdreg s3  }
0xa9: {  	[dreg:$0x3] =	wrdreg s5  }
0xaa: {  	[dreg:$0x4] =	wrdreg $0xC0  }
0xab: {  	_ =	task [dreg:s7], $0x5FFFF  }
0xac: {  	[dreg:$0x1] =	wrdreg $0xFFFFFFFF  }
0xad: {  	[dreg:$0x0] =	wrdreg $0x60  }
0xae: {  	[dreg:$0x2] =	wrdreg s24  }
0xaf: {  	[dreg:$0x3] =	wrdreg s2  }
0xb0: {  	[dreg:$0x4] =	wrdreg $0x9  }
0xb1: {  	_ =	task.clear_ibuf [dreg:s7], $0x5FFFF;
	_ =	strace $0x90000046  }
0xb2: {  	s29 =	simm.s32 $0x9;
	_ =	strace $0x80000048  }
0xb3: {  	_ =	swait.ge [sflag:s29], $0x1  }
0xb4: {  	[sflag:s29] =	ssyncadd.s32 $0xFFFFFFFF  }
0xb5: {  	_ =	strace $0x90000048  }
0xb6: {  	_ =	sfence  }
0xb7: {  	s30 =	sld [smem:$0x0];
	_ =	sdelay $0x2  }
0xb8: {  	s31 =	sshll.u32 s1, $0xD;
	s1 =	sshrl.u32 s1, $0x2  }
0xb9: {  	s3 =	sand.u32 $0x4000, s31;
	s1 =	sadd.s32 s1, s30  }
0xba: {  	s0 =	sor.u32 s3, s0;
	s1 =	sshll.u32 s1, $0x11  }
0xbb: {  	s0 =	sor.u32 s1, s0  }
0xbc: {  	s0 =	sadd.s32 $0x8F2B, s0  }
0xbd: {  	[sflag:s0] =	ssyncadd.remote.s32 $0x1  }
0xbe: {  	_ =	sfence.sel $0xFFFF  }
0xbf: {  	[dreg:$0x0] =	wrdreg $0xFFFFFFFF;
	(pc) =	sbr.abs _section_cstart, $3  }
0xc0: {  	[dreg:$0x1] =	wrdreg $0xFFFFFFFF  }
0xc1: {  	_ =	task.clear_ibuf [dreg:s7], $0x2FFFF;
	_ =	strace $0x9FFFFFFF  }
0xc2: {  	(tm) =	ssettm $0x7FFFFFFF  }
0xc3: {  	_ =	shalt  }
tec
execute0_lowered:
.L_overlay_start_1:
0x0: {  	(tag) =	ssettag $0x1  }
0x1: {  	s0 =	rddreg [dreg:$0x0]  }
0x2: {  	s1 =	rddreg [dreg:$0x1];
	s2 =	simm.s32 $0x0  }
0x3: {  	s29 =	srdreg.scid;
	s7 =	stileid.u32;
	s10 =	simm.s32 $0x3  }
0x4: {  	s12 =	simm.s32 $0x100;
	s31 =	simm.s32 $0x9100;
	s11 =	simm.s32 $0xB900  }
0x5: {  	s13 =	simm.s32 $0xC100;
	s14 =	simm.s32 $0xC900;
	s15 =	simm.s32 $0xD100  }
0x6: {  	s16 =	simm.s32 $0xD900;
	s17 =	simm.s32 $0xE100;
	s18 =	simm.s32 $0xE900  }
0x7: {  	s19 =	simm.s32 $0xF100;
	s20 =	simm.s32 $0xF900;
	s21 =	simm.s32 $0x1  }
0x8: {  	s22 =	simm.s32 $0x2;
	s24 =	simm.s32 $0x0;
	[smem:$0x7FF] =	sst s2  }
0x9: {  	s4 =	sadd.s32 $0x11A00, s0;
	s2 =	sand.u32 $0x1, s29;
	s5 =	sadd.s32 $0xCA00, s0  }
0xa: {  	s6 =	sadd.s32 $0x7A00, s0;
	s9 =	sshll.u32 s7, $0x1;
	s3 =	ssub.s32 $0x2, s2  }
0xb: {  	s7 =	sadd.s32 $0x5FC00, s0;
	_ =	strace $0x80000047;
	s8 =	sshrl.u32 s3, $0x1  }
0xc: {  	v2 =	vlaneseq.u32;
	s2 =	sor.u32 s2, s9;
	s9 =	simm.s32 $0xA900;
	s30 =	ssub.s32 s3, s8  }
0xd: {  	vm0 =	vmmov $0xffff;
	v1 =	vshrl.u32 v2, $0x3;
	s8 =	smul.u32 $0x28, s2;
	s3 =	simm.s32 $0xA100;
	s0 =	smax.u32 s30, $0x1  }
0xe: {  	v0 =	vand.u32 $0x7, v2;
	v2 =	vor.u32 $0x8, v2;
	v1 =	vmul.u32 $0x8, v1;
	s2 =	simm.s32 $0xB100;
	[dreg:$0x3] =	wrdreg s0;
	s0 =	simm.s32 $0x9900  }
.LBB2_1:
0xf: {  	[dreg:$0x4] =	wrdreg s24;
	s23 =	simm.s32 $0x0  }
.LBB2_2:
0x10: {  	s24 =	sadd.s32 s8, s23  }
0x11: {  	s26 =	sshll.u32 s24, $0x4  }
0x12: {  	s25 =	simm.s32 $0x0;
	s28 =	sadd.s32 s5, s26  }
0x13: {  	[tilespmem:s25], [sflag:$0x3] =	stream.linear.gather [hbm4b:s28+s25], $0x80, $0x38;
	[tilespmem:$0x10100] =	vst v63  }
0x14: {  	_ =	swait.ge [sflag:s10], $0x80  }
0x15: {  	[sflag:s10] =	ssyncset.done $0x0  }
0x16: {  	s26 =	sadd.s32 s6, s26;
	s28 =	simm.s32 $0x80;
	[sflag:s10] =	ssyncadd.s32 $0xFFFFFF80  }
0x17: {  	[tilespmem:s28], [sflag:$0x3] =	stream.linear.gather [hbm4b:s26+s25], $0x80, $0x38;
	[tilespmem:$0x10100] =	vst v63  }
0x18: {  	_ =	swait.ge [sflag:s10], $0x80  }
0x19: {  	[sflag:s10] =	ssyncset.done $0x0  }
0x1a: {  	[sflag:s10] =	ssyncadd.s32 $0xFFFFFF80  }
0x1b: {  	v3 =	vld [tilespmem:$0x0];
	_ =	sdelay $0x4  }
0x1c: {  	v4 =	vshll.u32 v3, $0x1  }
0x1d: {  	v3 =	vand.u32 $0x7, v3;
	v4 =	vand.u32 $0xFFFFFFF0, v4  }
0x1e: {  	v3 =	vor.u32 v3, v4  }
0x1f: {  	v4 =	vperm.xlane v3, v0;
	_ =	sdelay $0x1  }
0x20: {  	v3 =	vperm.xlane v3, v2;
	v4 =	vadd.s32 v1, v4;
	_ =	sdelay $0x1  }
0x21: {  	v3 =	vadd.s32 v1, v3;
	_ =	sdelay $0x2  }
0x22: {  	[tilespmem:s12], [sflag:$0x1] =	stream.indirect_vreg.gather [hbm4b:s4+s25], $0x80, v4, vm0, $0xb8;
	[tilespmem:$0x10100] =	vst v63  }
0x23: {  	s29 =	simm.s32 $0x900  }
0x24: {  	[tilespmem:s29], [sflag:$0x1] =	stream.indirect_vreg.gather [hbm4b:s4+s25], $0x80, v3, vm0, $0xb8;
	[tilespmem:$0x10100] =	vst v63  }
0x25: {  	v3 =	vld [tilespmem:$0x10];
	_ =	sdelay $0x4  }
0x26: {  	v4 =	vshll.u32 v3, $0x1  }
0x27: {  	v3 =	vand.u32 $0x7, v3;
	v4 =	vand.u32 $0xFFFFFFF0, v4  }
0x28: {  	v3 =	vor.u32 v3, v4  }
0x29: {  	v4 =	vperm.xlane v3, v0;
	_ =	sdelay $0x1  }
0x2a: {  	v3 =	vperm.xlane v3, v2;
	v4 =	vadd.s32 v1, v4;
	_ =	sdelay $0x1  }
0x2b: {  	v3 =	vadd.s32 v1, v3;
	_ =	sdelay $0x1  }
0x2c: {  	s30 =	simm.s32 $0x1100  }
0x2d: {  	[tilespmem:s30], [sflag:$0x1] =	stream.indirect_vreg.gather [hbm4b:s4+s25], $0x80, v4, vm0, $0xb8;
	[tilespmem:$0x10100] =	vst v63  }
0x2e: {  	s29 =	simm.s32 $0x1900  }
0x2f: {  	[tilespmem:s29], [sflag:$0x1] =	stream.indirect_vreg.gather [hbm4b:s4+s25], $0x80, v3, vm0, $0xb8;
	[tilespmem:$0x10100] =	vst v63  }
0x30: {  	v3 =	vld [tilespmem:$0x20];
	_ =	sdelay $0x4  }
0x31: {  	v4 =	vshll.u32 v3, $0x1  }
0x32: {  	v3 =	vand.u32 $0x7, v3;
	v4 =	vand.u32 $0xFFFFFFF0, v4  }
0x33: {  	v3 =	vor.u32 v3, v4  }
0x34: {  	v4 =	vperm.xlane v3, v0;
	_ =	sdelay $0x1  }
0x35: {  	v3 =	vperm.xlane v3, v2;
	v4 =	vadd.s32 v1, v4;
	_ =	sdelay $0x1  }
0x36: {  	v3 =	vadd.s32 v1, v3;
	_ =	sdelay $0x1  }
0x37: {  	s30 =	simm.s32 $0x2100  }
0x38: {  	[tilespmem:s30], [sflag:$0x1] =	stream.indirect_vreg.gather [hbm4b:s4+s25], $0x80, v4, vm0, $0xb8;
	[tilespmem:$0x10100] =	vst v63  }
0x39: {  	s29 =	simm.s32 $0x2900  }
0x3a: {  	[tilespmem:s29], [sflag:$0x1] =	stream.indirect_vreg.gather [hbm4b:s4+s25], $0x80, v3, vm0, $0xb8;
	[tilespmem:$0x10100] =	vst v63  }
0x3b: {  	v3 =	vld [tilespmem:$0x30];
	_ =	sdelay $0x4  }
0x3c: {  	v4 =	vshll.u32 v3, $0x1  }
0x3d: {  	v3 =	vand.u32 $0x7, v3;
	v4 =	vand.u32 $0xFFFFFFF0, v4  }
0x3e: {  	v3 =	vor.u32 v3, v4  }
0x3f: {  	v4 =	vperm.xlane v3, v0;
	_ =	sdelay $0x1  }
0x40: {  	v3 =	vperm.xlane v3, v2;
	v4 =	vadd.s32 v1, v4;
	_ =	sdelay $0x1  }
0x41: {  	v3 =	vadd.s32 v1, v3;
	_ =	sdelay $0x1  }
0x42: {  	s30 =	simm.s32 $0x3100  }
0x43: {  	[tilespmem:s30], [sflag:$0x1] =	stream.indirect_vreg.gather [hbm4b:s4+s25], $0x80, v4, vm0, $0xb8;
	[tilespmem:$0x10100] =	vst v63  }
0x44: {  	s29 =	simm.s32 $0x3900  }
0x45: {  	[tilespmem:s29], [sflag:$0x1] =	stream.indirect_vreg.gather [hbm4b:s4+s25], $0x80, v3, vm0, $0xb8;
	[tilespmem:$0x10100] =	vst v63  }
0x46: {  	v3 =	vld [tilespmem:$0x40];
	_ =	sdelay $0x4  }
0x47: {  	v4 =	vshll.u32 v3, $0x1  }
0x48: {  	v3 =	vand.u32 $0x7, v3;
	v4 =	vand.u32 $0xFFFFFFF0, v4  }
0x49: {  	v3 =	vor.u32 v3, v4  }
0x4a: {  	v4 =	vperm.xlane v3, v0;
	_ =	sdelay $0x1  }
0x4b: {  	v3 =	vperm.xlane v3, v2;
	v4 =	vadd.s32 v1, v4;
	_ =	sdelay $0x1  }
0x4c: {  	v3 =	vadd.s32 v1, v3;
	_ =	sdelay $0x1  }
0x4d: {  	s30 =	simm.s32 $0x4100  }
0x4e: {  	[tilespmem:s30], [sflag:$0x1] =	stream.indirect_vreg.gather [hbm4b:s4+s25], $0x80, v4, vm0, $0xb8;
	[tilespmem:$0x10100] =	vst v63  }
0x4f: {  	s29 =	simm.s32 $0x4900  }
0x50: {  	[tilespmem:s29], [sflag:$0x1] =	stream.indirect_vreg.gather [hbm4b:s4+s25], $0x80, v3, vm0, $0xb8;
	[tilespmem:$0x10100] =	vst v63  }
0x51: {  	v3 =	vld [tilespmem:$0x50];
	_ =	sdelay $0x4  }
0x52: {  	v4 =	vshll.u32 v3, $0x1  }
0x53: {  	v3 =	vand.u32 $0x7, v3;
	v4 =	vand.u32 $0xFFFFFFF0, v4  }
0x54: {  	v3 =	vor.u32 v3, v4  }
0x55: {  	v4 =	vperm.xlane v3, v0;
	_ =	sdelay $0x1  }
0x56: {  	v3 =	vperm.xlane v3, v2;
	v4 =	vadd.s32 v1, v4;
	_ =	sdelay $0x1  }
0x57: {  	v3 =	vadd.s32 v1, v3;
	_ =	sdelay $0x1  }
0x58: {  	s30 =	simm.s32 $0x5100  }
0x59: {  	[tilespmem:s30], [sflag:$0x1] =	stream.indirect_vreg.gather [hbm4b:s4+s25], $0x80, v4, vm0, $0xb8;
	[tilespmem:$0x10100] =	vst v63  }
0x5a: {  	s29 =	simm.s32 $0x5900  }
0x5b: {  	[tilespmem:s29], [sflag:$0x1] =	stream.indirect_vreg.gather [hbm4b:s4+s25], $0x80, v3, vm0, $0xb8;
	[tilespmem:$0x10100] =	vst v63  }
0x5c: {  	v3 =	vld [tilespmem:$0x60];
	_ =	sdelay $0x4  }
0x5d: {  	v4 =	vshll.u32 v3, $0x1  }
0x5e: {  	v3 =	vand.u32 $0x7, v3;
	v4 =	vand.u32 $0xFFFFFFF0, v4  }
0x5f: {  	v3 =	vor.u32 v3, v4  }
0x60: {  	v4 =	vperm.xlane v3, v0;
	_ =	sdelay $0x1  }
0x61: {  	v3 =	vperm.xlane v3, v2;
	v4 =	vadd.s32 v1, v4;
	_ =	sdelay $0x1  }
0x62: {  	v3 =	vadd.s32 v1, v3;
	_ =	sdelay $0x1  }
0x63: {  	s30 =	simm.s32 $0x6100  }
0x64: {  	[tilespmem:s30], [sflag:$0x1] =	stream.indirect_vreg.gather [hbm4b:s4+s25], $0x80, v4, vm0, $0xb8;
	[tilespmem:$0x10100] =	vst v63  }
0x65: {  	s29 =	simm.s32 $0x6900  }
0x66: {  	[tilespmem:s29], [sflag:$0x1] =	stream.indirect_vreg.gather [hbm4b:s4+s25], $0x80, v3, vm0, $0xb8;
	[tilespmem:$0x10100] =	vst v63  }
0x67: {  	v3 =	vld [tilespmem:$0x70];
	_ =	sdelay $0x4  }
0x68: {  	v4 =	vshll.u32 v3, $0x1  }
0x69: {  	v3 =	vand.u32 $0x7, v3;
	v4 =	vand.u32 $0xFFFFFFF0, v4  }
0x6a: {  	v3 =	vor.u32 v3, v4  }
0x6b: {  	v4 =	vperm.xlane v3, v0;
	_ =	sdelay $0x1  }
0x6c: {  	v3 =	vperm.xlane v3, v2;
	v4 =	vadd.s32 v1, v4;
	_ =	sdelay $0x1  }
0x6d: {  	v3 =	vadd.s32 v1, v3;
	_ =	sdelay $0x1  }
0x6e: {  	s30 =	simm.s32 $0x7100  }
0x6f: {  	[tilespmem:s30], [sflag:$0x1] =	stream.indirect_vreg.gather [hbm4b:s4+s25], $0x80, v4, vm0, $0xb8;
	[tilespmem:$0x10100] =	vst v63  }
0x70: {  	s29 =	simm.s32 $0x7900  }
0x71: {  	[tilespmem:s29], [sflag:$0x1] =	stream.indirect_vreg.gather [hbm4b:s4+s25], $0x80, v3, vm0, $0xb8;
	[tilespmem:$0x10100] =	vst v63  }
0x72: {  	v3 =	vld [tilespmem:$0x80];
	_ =	sdelay $0x4  }
0x73: {  	v4 =	vshll.u32 v3, $0x1  }
0x74: {  	v3 =	vand.u32 $0x7, v3;
	v4 =	vand.u32 $0xFFFFFFF0, v4  }
0x75: {  	v3 =	vor.u32 v3, v4  }
0x76: {  	v4 =	vperm.xlane v3, v0;
	_ =	sdelay $0x1  }
0x77: {  	v3 =	vperm.xlane v3, v2;
	v4 =	vadd.s32 v1, v4;
	_ =	sdelay $0x1  }
0x78: {  	v3 =	vadd.s32 v1, v3;
	_ =	sdelay $0x1  }
0x79: {  	s30 =	simm.s32 $0x8100  }
0x7a: {  	[tilespmem:s30], [sflag:$0x2] =	stream.indirect_vreg.gather [hbm4b:s1+s25], $0x80, v4, vm0, $0xb8;
	[tilespmem:$0x10100] =	vst v63  }
0x7b: {  	s29 =	simm.s32 $0x8900  }
0x7c: {  	[tilespmem:s29], [sflag:$0x2] =	stream.indirect_vreg.gather [hbm4b:s1+s25], $0x80, v3, vm0, $0xb8;
	[tilespmem:$0x10100] =	vst v63  }
0x7d: {  	v3 =	vld [tilespmem:$0x90];
	_ =	sdelay $0x4  }
0x7e: {  	v4 =	vshll.u32 v3, $0x1  }
0x7f: {  	v3 =	vand.u32 $0x7, v3;
	v4 =	vand.u32 $0xFFFFFFF0, v4  }
0x80: {  	v3 =	vor.u32 v3, v4  }
0x81: {  	v4 =	vperm.xlane v3, v0;
	_ =	sdelay $0x1  }
0x82: {  	v3 =	vperm.xlane v3, v2;
	v4 =	vadd.s32 v1, v4;
	_ =	sdelay $0x1  }
0x83: {  	v3 =	vadd.s32 v1, v3;
	_ =	sdelay $0x2  }
0x84: {  	[tilespmem:s31], [sflag:$0x2] =	stream.indirect_vreg.gather [hbm4b:s1+s25], $0x80, v4, vm0, $0xb8;
	[tilespmem:$0x10100] =	vst v63  }
0x85: {  	_ = 	snop  }
0x86: {  	[tilespmem:s0], [sflag:$0x2] =	stream.indirect_vreg.gather [hbm4b:s1+s25], $0x80, v3, vm0, $0xb8;
	[tilespmem:$0x10100] =	vst v63  }
0x87: {  	v3 =	vld [tilespmem:$0xA0];
	_ =	sdelay $0x4  }
0x88: {  	v4 =	vshll.u32 v3, $0x1  }
0x89: {  	v3 =	vand.u32 $0x7, v3;
	v4 =	vand.u32 $0xFFFFFFF0, v4  }
0x8a: {  	v3 =	vor.u32 v3, v4  }
0x8b: {  	v4 =	vperm.xlane v3, v0;
	_ =	sdelay $0x1  }
0x8c: {  	v3 =	vperm.xlane v3, v2;
	v4 =	vadd.s32 v1, v4;
	_ =	sdelay $0x1  }
0x8d: {  	v3 =	vadd.s32 v1, v3;
	_ =	sdelay $0x2  }
0x8e: {  	[tilespmem:s3], [sflag:$0x2] =	stream.indirect_vreg.gather [hbm4b:s1+s25], $0x80, v4, vm0, $0xb8;
	[tilespmem:$0x10100] =	vst v63  }
0x8f: {  	_ = 	snop  }
0x90: {  	[tilespmem:s9], [sflag:$0x2] =	stream.indirect_vreg.gather [hbm4b:s1+s25], $0x80, v3, vm0, $0xb8;
	[tilespmem:$0x10100] =	vst v63  }
0x91: {  	v3 =	vld [tilespmem:$0xB0];
	_ =	sdelay $0x4  }
0x92: {  	v4 =	vshll.u32 v3, $0x1  }
0x93: {  	v3 =	vand.u32 $0x7, v3;
	v4 =	vand.u32 $0xFFFFFFF0, v4  }
0x94: {  	v3 =	vor.u32 v3, v4  }
0x95: {  	v4 =	vperm.xlane v3, v0;
	_ =	sdelay $0x1  }
0x96: {  	v3 =	vperm.xlane v3, v2;
	v4 =	vadd.s32 v1, v4;
	_ =	sdelay $0x1  }
0x97: {  	v3 =	vadd.s32 v1, v3;
	_ =	sdelay $0x2  }
0x98: {  	[tilespmem:s2], [sflag:$0x2] =	stream.indirect_vreg.gather [hbm4b:s1+s25], $0x80, v4, vm0, $0xb8;
	[tilespmem:$0x10100] =	vst v63  }
0x99: {  	_ = 	snop  }
0x9a: {  	[tilespmem:s11], [sflag:$0x2] =	stream.indirect_vreg.gather [hbm4b:s1+s25], $0x80, v3, vm0, $0xb8;
	[tilespmem:$0x10100] =	vst v63  }
0x9b: {  	v3 =	vld [tilespmem:$0xC0];
	_ =	sdelay $0x4  }
0x9c: {  	v4 =	vshll.u32 v3, $0x1  }
0x9d: {  	v3 =	vand.u32 $0x7, v3;
	v4 =	vand.u32 $0xFFFFFFF0, v4  }
0x9e: {  	v3 =	vor.u32 v3, v4  }
0x9f: {  	v4 =	vperm.xlane v3, v0;
	_ =	sdelay $0x1  }
0xa0: {  	v3 =	vperm.xlane v3, v2;
	v4 =	vadd.s32 v1, v4;
	_ =	sdelay $0x1  }
0xa1: {  	v3 =	vadd.s32 v1, v3;
	_ =	sdelay $0x2  }
0xa2: {  	[tilespmem:s13], [sflag:$0x2] =	stream.indirect_vreg.gather [hbm4b:s1+s25], $0x80, v4, vm0, $0xb8;
	[tilespmem:$0x10100] =	vst v63  }
0xa3: {  	_ = 	snop  }
0xa4: {  	[tilespmem:s14], [sflag:$0x2] =	stream.indirect_vreg.gather [hbm4b:s1+s25], $0x80, v3, vm0, $0xb8;
	[tilespmem:$0x10100] =	vst v63  }
0xa5: {  	v3 =	vld [tilespmem:$0xD0];
	_ =	sdelay $0x4  }
0xa6: {  	v4 =	vshll.u32 v3, $0x1  }
0xa7: {  	v3 =	vand.u32 $0x7, v3;
	v4 =	vand.u32 $0xFFFFFFF0, v4  }
0xa8: {  	v3 =	vor.u32 v3, v4  }
0xa9: {  	v4 =	vperm.xlane v3, v0;
	_ =	sdelay $0x1  }
0xaa: {  	v3 =	vperm.xlane v3, v2;
	v4 =	vadd.s32 v1, v4;
	_ =	sdelay $0x1  }
0xab: {  	v3 =	vadd.s32 v1, v3;
	_ =	sdelay $0x2  }
0xac: {  	[tilespmem:s15], [sflag:$0x2] =	stream.indirect_vreg.gather [hbm4b:s1+s25], $0x80, v4, vm0, $0xb8;
	[tilespmem:$0x10100] =	vst v63  }
0xad: {  	_ = 	snop  }
0xae: {  	[tilespmem:s16], [sflag:$0x2] =	stream.indirect_vreg.gather [hbm4b:s1+s25], $0x80, v3, vm0, $0xb8;
	[tilespmem:$0x10100] =	vst v63  }
0xaf: {  	v3 =	vld [tilespmem:$0xE0];
	_ =	sdelay $0x4  }
0xb0: {  	v4 =	vshll.u32 v3, $0x1  }
0xb1: {  	v3 =	vand.u32 $0x7, v3;
	v4 =	vand.u32 $0xFFFFFFF0, v4  }
0xb2: {  	v3 =	vor.u32 v3, v4  }
0xb3: {  	v4 =	vperm.xlane v3, v0;
	_ =	sdelay $0x1  }
0xb4: {  	v3 =	vperm.xlane v3, v2;
	v4 =	vadd.s32 v1, v4;
	_ =	sdelay $0x1  }
0xb5: {  	v3 =	vadd.s32 v1, v3;
	_ =	sdelay $0x2  }
0xb6: {  	[tilespmem:s17], [sflag:$0x2] =	stream.indirect_vreg.gather [hbm4b:s1+s25], $0x80, v4, vm0, $0xb8;
	[tilespmem:$0x10100] =	vst v63  }
0xb7: {  	_ = 	snop  }
0xb8: {  	[tilespmem:s18], [sflag:$0x2] =	stream.indirect_vreg.gather [hbm4b:s1+s25], $0x80, v3, vm0, $0xb8;
	[tilespmem:$0x10100] =	vst v63  }
0xb9: {  	v3 =	vld [tilespmem:$0xF0];
	_ =	sdelay $0x4  }
0xba: {  	v4 =	vshll.u32 v3, $0x1  }
0xbb: {  	v3 =	vand.u32 $0x7, v3;
	v4 =	vand.u32 $0xFFFFFFF0, v4  }
0xbc: {  	v3 =	vor.u32 v3, v4  }
0xbd: {  	v4 =	vperm.xlane v3, v0;
	_ =	sdelay $0x1  }
0xbe: {  	v3 =	vperm.xlane v3, v2;
	v4 =	vadd.s32 v1, v4;
	_ =	sdelay $0x1  }
0xbf: {  	v3 =	vadd.s32 v1, v3;
	_ =	sdelay $0x2  }
0xc0: {  	[tilespmem:s19], [sflag:$0x2] =	stream.indirect_vreg.gather [hbm4b:s1+s25], $0x80, v4, vm0, $0xb8;
	[tilespmem:$0x10100] =	vst v63  }
0xc1: {  	_ = 	snop  }
0xc2: {  	[tilespmem:s20], [sflag:$0x2] =	stream.indirect_vreg.gather [hbm4b:s1+s25], $0x80, v3, vm0, $0xb8;
	[tilespmem:$0x10100] =	vst v63  }
0xc3: {  	_ =	swait.ge [sflag:s21], $0x8000  }
0xc4: {  	[sflag:s21] =	ssyncset.done $0x0  }
0xc5: {  	[sflag:s21] =	ssyncadd.s32 $0xFFFF8000  }
0xc6: {  	_ =	swait.ge [sflag:s22], $0x8000  }
0xc7: {  	s30 =	sand.u32 $0x7800, s25;
	s25 =	sand.u32 $0x380, s25;
	[sflag:s22] =	ssyncset.done $0x0  }
0xc8: {  	s25 =	sor.u32 s25, s30;
	[sflag:s22] =	ssyncadd.s32 $0xFFFF8000  }
0xc9: {  	v10 =	vld [tilespmem:s25+$0x8100]  }
0xca: {  	v11 =	vld [tilespmem:s25+$0x8110]  }
0xcb: {  	v12 =	vld [tilespmem:s25+$0x8120]  }
0xcc: {  	v13 =	vld [tilespmem:s25+$0x8130]  }
0xcd: {  	v14 =	vld [tilespmem:s25+$0x8140]  }
0xce: {  	v15 =	vld [tilespmem:s25+$0x8150]  }
0xcf: {  	v16 =	vld [tilespmem:s25+$0x8160]  }
0xd0: {  	v17 =	vld [tilespmem:s25+$0x8170]  }
0xd1: {  	v18 =	vld [tilespmem:s25+$0x8500]  }
0xd2: {  	v9 =	vld [tilespmem:s25+$0x8510]  }
0xd3: {  	v8 =	vld [tilespmem:s25+$0x8520]  }
0xd4: {  	v7 =	vld [tilespmem:s25+$0x8530]  }
0xd5: {  	v6 =	vld [tilespmem:s25+$0x8540]  }
0xd6: {  	v5 =	vld [tilespmem:s25+$0x8550]  }
0xd7: {  	v4 =	vld [tilespmem:s25+$0x8560]  }
0xd8: {  	v3 =	vld [tilespmem:s25+$0x8570]  }
0xd9: {  	v19 =	vld [tilespmem:s25+$0x100]  }
0xda: {  	v20 =	vld [tilespmem:s25+$0x110]  }
0xdb: {  	v21 =	vld [tilespmem:s25+$0x120]  }
0xdc: {  	v22 =	vld [tilespmem:s25+$0x130]  }
0xdd: {  	v23 =	vld [tilespmem:s25+$0x140]  }
0xde: {  	v10 =	vsub.f32 v19, v10;
	v19 =	vld [tilespmem:s25+$0x150]  }
0xdf: {  	v61 =	vld [tilespmem:s25+$0x160];
	v11 =	vsub.f32 v20, v11  }
0xe0: {  	v62 =	vld [tilespmem:s25+$0x170];
	[tilespmem:s25+$0x100] =	vst v10;
	v10 =	vsub.f32 v21, v12  }
0xe1: {  	v63 =	vld [tilespmem:s25+$0x500];
	[tilespmem:s25+$0x110] =	vst v11;
	v11 =	vsub.f32 v22, v13  }
0xe2: {  	v13 =	vld [tilespmem:s25+$0x510];
	[tilespmem:s25+$0x120] =	vst v10;
	v10 =	vsub.f32 v23, v14  }
0xe3: {  	v12 =	vld [tilespmem:s25+$0x520];
	[tilespmem:s25+$0x130] =	vst v11;
	v11 =	vsub.f32 v19, v15  }
0xe4: {  	v14 =	vsub.f32 v61, v16;
	[tilespmem:s25+$0x140] =	vst v10;
	v10 =	vld [tilespmem:s25+$0x530]  }
0xe5: {  	v16 =	vsub.f32 v62, v17;
	[tilespmem:s25+$0x150] =	vst v11;
	v11 =	vld [tilespmem:s25+$0x540]  }
0xe6: {  	s26 =	simm.s32 $0x80;
	s28 =	simm.s32 $0x100;
	v15 =	vsub.f32 v63, v18;
	[tilespmem:s25+$0x160] =	vst v14;
	v14 =	vld [tilespmem:s25+$0x550]  }
.LBB2_3:
0xe7: {  	s29 =	sand.u32 $0x7800, s28;
	s30 =	sand.u32 $0x380, s26;
	p0 =	sne.s32 s28, $0x7F00;
	[tilespmem:s25+$0x170] =	vst v16;
	v9 =	vsub.f32 v13, v9;
	v13 =	vld [tilespmem:s25+$0x560]  }
0xe8: {  	s29 =	sor.u32 s30, s29;
	[tilespmem:s25+$0x500] =	vst v15;
	v8 =	vsub.f32 v12, v8;
	v12 =	vld [tilespmem:s25+$0x570]  }
0xe9: {  	v15 =	vld [tilespmem:s29+$0x8100];
	[tilespmem:s25+$0x510] =	vst v9;
	v7 =	vsub.f32 v10, v7  }
0xea: {  	v10 =	vld [tilespmem:s29+$0x8110];
	[tilespmem:s25+$0x520] =	vst v8;
	v6 =	vsub.f32 v11, v6  }
0xeb: {  	v11 =	vld [tilespmem:s29+$0x8120];
	[tilespmem:s25+$0x530] =	vst v7;
	v5 =	vsub.f32 v14, v5  }
0xec: {  	v14 =	vld [tilespmem:s29+$0x8130];
	[tilespmem:s25+$0x540] =	vst v6;
	v4 =	vsub.f32 v13, v4  }
0xed: {  	v13 =	vld [tilespmem:s29+$0x8140];
	[tilespmem:s25+$0x550] =	vst v5;
	v3 =	vsub.f32 v12, v3  }
0xee: {  	v12 =	vld [tilespmem:s29+$0x8150];
	[tilespmem:s25+$0x560] =	vst v4  }
0xef: {  	v16 =	vld [tilespmem:s29+$0x8160];
	[tilespmem:s25+$0x570] =	vst v3;
	s25 =	smov.u32 s29  }
0xf0: {  	v17 =	vld [tilespmem:s25+$0x8170]  }
0xf1: {  	v18 =	vld [tilespmem:s25+$0x8500]  }
0xf2: {  	v9 =	vld [tilespmem:s25+$0x8510]  }
0xf3: {  	v8 =	vld [tilespmem:s25+$0x8520]  }
0xf4: {  	v7 =	vld [tilespmem:s25+$0x8530]  }
0xf5: {  	v6 =	vld [tilespmem:s25+$0x8540]  }
0xf6: {  	v5 =	vld [tilespmem:s25+$0x8550]  }
0xf7: {  	v4 =	vld [tilespmem:s25+$0x8560]  }
0xf8: {  	v3 =	vld [tilespmem:s25+$0x8570]  }
0xf9: {  	v19 =	vld [tilespmem:s25+$0x100]  }
0xfa: {  	v20 =	vld [tilespmem:s25+$0x110]  }
0xfb: {  	v21 =	vld [tilespmem:s25+$0x120]  }
0xfc: {  	v22 =	vld [tilespmem:s25+$0x130]  }
0xfd: {  	v23 =	vld [tilespmem:s25+$0x140]  }
0xfe: {  	v15 =	vsub.f32 v19, v15;
	v19 =	vld [tilespmem:s25+$0x150]  }
0xff: {  	v10 =	vsub.f32 v20, v10;
	v20 =	vld [tilespmem:s25+$0x160]  }
0x100: {  	[tilespmem:s25+$0x100] =	vst v15;
	v11 =	vsub.f32 v21, v11;
	v15 =	vld [tilespmem:s25+$0x170]  }
0x101: {  	[tilespmem:s25+$0x110] =	vst v10;
	v10 =	vsub.f32 v22, v14;
	v14 =	vld [tilespmem:s25+$0x500]  }
.Ltmp0:
0x102: {  	[tilespmem:s25+$0x120] =	vst v11;
	v11 =	vsub.f32 v23, v13;
	v13 =	vld [tilespmem:s25+$0x510];
	(pc) =	sbr.rel @p0 .LBB2_3-.Ltmp0, $4  }
0x103: {  	[tilespmem:s25+$0x130] =	vst v10;
	v19 =	vsub.f32 v19, v12;
	v12 =	vld [tilespmem:s25+$0x520]  }
0x104: {  	[tilespmem:s25+$0x140] =	vst v11;
	v20 =	vsub.f32 v20, v16;
	v10 =	vld [tilespmem:s25+$0x530]  }
0x105: {  	[tilespmem:s25+$0x150] =	vst v19;
	v16 =	vsub.f32 v15, v17;
	v11 =	vld [tilespmem:s25+$0x540]  }
0x106: {  	s26 =	sadd.s32 $0x80, s26;
	s28 =	sadd.s32 $0x100, s28;
	[tilespmem:s25+$0x160] =	vst v20;
	v15 =	vsub.f32 v14, v18;
	v14 =	vld [tilespmem:s25+$0x550]  }
0x107: {  	[tilespmem:s25+$0x170] =	vst v16;
	v9 =	vsub.f32 v13, v9;
	v62 =	vld [tilespmem:s25+$0x560]  }
0x108: {  	v63 =	vld [tilespmem:s25+$0x570];
	[tilespmem:s25+$0x500] =	vst v15;
	v8 =	vsub.f32 v12, v8  }
0x109: {  	[tilespmem:s25+$0x510] =	vst v9;
	v7 =	vsub.f32 v10, v7  }
0x10a: {  	[tilespmem:s25+$0x520] =	vst v8;
	v6 =	vsub.f32 v11, v6  }
0x10b: {  	[tilespmem:s25+$0x530] =	vst v7;
	v5 =	vsub.f32 v14, v5  }
0x10c: {  	[tilespmem:s25+$0x540] =	vst v6;
	v4 =	vsub.f32 v62, v4  }
0x10d: {  	s23 =	sadd.s32 $0x1, s23;
	v3 =	vsub.f32 v63, v3;
	[tilespmem:s25+$0x550] =	vst v5  }
0x10e: {  	s24 =	sshll.u32 s24, $0xC;
	p0 =	sne.s32 s23, $0x28;
	[tilespmem:s25+$0x560] =	vst v4  }
.Ltmp1:
0x10f: {  	s30 =	simm.s32 $0x0;
	s24 =	sadd.s32 s7, s24;
	[tilespmem:s25+$0x570] =	vst v3;
	(pc) =	sbr.rel @p0 .LBB2_2-.Ltmp1, $4  }
0x110: {  	[hbm4b:s24+s30] =	stream.linear.scatter [tilespmem:s12], [sflag:$0x3], $0x8000, $0x38;
	[tilespmem:$0x10100] =	vst v63  }
0x111: {  	_ =	swait.ge [sflag:s10], $0x8000  }
0x112: {  	[sflag:s10] =	ssyncset.done $0x0  }
0x113: {  	[sflag:s10] =	ssyncadd.s32 $0xFFFF8000  }
0x114: {  	s24 =	rddreg [dreg:$0x4]  }
0x115: {  	s23 =	rddreg [dreg:$0x3];
	s24 =	sadd.s32 $0x1, s24  }
0x116: {  	p0 =	sne.s32 s24, s23  }
.Ltmp2:
0x117: {  	_ = 	snop;
	(pc) =	sbr.rel @p0 .LBB2_1-.Ltmp2, $1  }
0x118: {  	_ =	sdelay $0x3  }
0x119: {  	_ =	sfence.sel $0x180000  }
0x11a: {  	[bflag:$0x0] =	sbarrier.arrive $0xFFFF  }
0x11b: {  	_ =	strace $0x90000047  }
0x11c: {  	s0 =	stileid.u32;
	[bflag:$0x2] =	sbarrier.arrive $0xFFFF  }
0x11d: {  	p0 =	sne.s32 s0, $0x0;
	s0 =	rddreg [dreg:$0x2]  }
0x11e: {  	s0 =	sadd.s32 @!p0 $0x100000, s0  }
0x11f: {  	[sflag:s0] =	ssyncadd.tile.s32 @!p0 $0x1;
	_ =	shalt  }
.Lfunc_end2:
_tile_overlayer_lowered:
.L_overlay_start_2:
0x120: {  	(tag) =	ssettag $0x2  }
0x121: {  	s0 =	rddreg [dreg:$0x0];
	s2 =	stileid.u32  }
0x122: {  	s1 =	rddreg [dreg:$0x1];
	p0 =	sne.s32 s2, $0x0  }
0x123: {  	s3 =	rddreg [dreg:$0x2];
	[bflag:$0x3] =	sbarrier.arrive $0xFFFF;
	s2 =	simm.s32 @!p0 $0x1C03  }
0x124: {  	[timem:s3], [sflag:s2] =	dma.local @!p0 [hbm:s0], s1  }
0x125: {  	s0 =	simm.s32 @!p0 $0x3  }
0x126: {  	_ =	swait.ge @!p0 [sflag:s0], s1  }
0x127: {  	s1 =	ssub.s32 @!p0 $0x0, s1;
	[sflag:s0] =	ssyncset.done @!p0 $0x0  }
0x128: {  	[sflag:s0] =	ssyncadd.s32 @!p0 s1  }
0x129: {  	[bflag:$0x3] =	sbarrier.arrive $0xFFFF  }
0x12a: {  	_ =	shalt  }

// kernel: sparse-core-data-format-call.cloned.1.call-start
scs
called_computation_lowered:
.L_overlay_start_0:
0x0: {  	s1 =	sld [smem:$0x3FD9]  }
0x1: {  	s2 =	sld [smem:$0x3FFE];
	_ =	sdelay $0x1  }
0x2: {  	s3 =	srdreg.scid  }
0x3: {  	s0 =	sand.u32 $0x1, s3  }
0x4: {  	s17 =	sshll.u32 s0, $0xA;
	s1 =	sadd.s32 s2, s1  }
0x5: {  	s1 =	sadd.s32 s1, s17  }
0x6: {  	[smem:$0x3FBD] =	sst s1  }
0x7: {  	_ = 	snop  }
0x8: {  	(tm) =	ssettm $0x1  }
0x9: {  	s18 =	sld [smem:$0x3FFB];
	_ =	sdelay $0x3  }
0xa: {  	_ =	strace s18  }
0xb: {  	s1 =	sld [smem:$0x3FFC];
	_ =	sdelay $0x3  }
0xc: {  	_ =	strace s1  }
0xd: {  	s1 =	sld [smem:$0x3FFD];
	_ =	sdelay $0x3  }
0xe: {  	_ =	strace s1  }
0xf: {  	_ =	strace $0x8FFFFFFF  }
0x10: {  	s19 =	sld [smem:$0x3FDB];
	_ =	sdelay $0x1  }
0x11: {  	s20 =	simm.s32 $_scs_section_size  }
0x12: {  	s4 =	simm.s32 $_size__tile_overlayer_lowered;
	s5 =	simm.s32 $_tile_overlayer_lowered  }
0x13: {  	s23 =	simm.s32 $0x1BFF;
	s22 =	sshll.u32 s5, $0x1;
	s1 =	sadd.s32 s20, s19  }
0x14: {  	s6 =	simm.s32 $0x0;
	s21 =	sshll.u32 s4, $0x1;
	s4 =	sadd.s32 s22, s1  }
0x15: {  	[timem:s6], [sflag:s23] =	dma.local [hbm:s4], s21  }
0x16: {  	_ =	swait.ge [sflag:s23], s21  }
0x17: {  	s2 =	ssub.s32 $0x0, s21;
	[sflag:s23] =	ssyncset.done $0x0  }
0x18: {  	[sflag:s23] =	ssyncadd.s32 s2;
	_ =	sdelay $0x1  }
0x19: {  	s24 =	simm.s32 $0x1B8B  }
0x1a: {  	_ =	swait.ge [sflag:s24], $0x1  }
0x1b: {  	[sflag:s24] =	ssyncset.done $0x0  }
0x1c: {  	s26 =	simm.s32 $0x1B8E;
	s25 =	sld [smem:$0x3FFE];
	[sflag:s24] =	ssyncadd.s32 $0xFFFFFFFF  }
0x1d: {  	s27 =	simm.s32 $execute0_lowered;
	[smem:$0x3FD2] =	sst s26  }
0x1e: {  	s4 =	sshll.u32 s27, $0x1;
	_ =	strace $0x80000049;
	[dreg:$0x1] =	wrdreg $0xFFFFFFFF  }
0x1f: {  	s28 =	simm.s32 $_size_execute0_lowered;
	s1 =	sadd.s32 s1, s4;
	[dreg:$0x0] =	wrdreg $0x0  }
0x20: {  	s4 =	sshll.u32 s28, $0x1;
	[dreg:$0x2] =	wrdreg s1  }
0x21: {  	[dreg:$0x3] =	wrdreg s4  }
0x22: {  	[dreg:$0x4] =	wrdreg $0xC0  }
0x23: {  	_ =	task [dreg:s6], $0x5FFFF  }
0x24: {  	[dreg:$0x1] =	wrdreg $0xFFFFFFFF  }
0x25: {  	[dreg:$0x0] =	wrdreg $0x60  }
0x26: {  	[dreg:$0x2] =	wrdreg s25  }
0x27: {  	[dreg:$0x3] =	wrdreg $0x9  }
0x28: {  	_ =	task.clear_ibuf [dreg:s6], $0x4FFFF;
	_ =	strace $0x90000049  }
0x29: {  	s29 =	simm.s32 $0x9;
	_ =	strace $0x8000004B  }
0x2a: {  	_ =	swait.ge [sflag:s29], $0x1  }
0x2b: {  	[sflag:s29] =	ssyncadd.s32 $0xFFFFFFFF  }
0x2c: {  	_ =	strace $0x9000004B  }
0x2d: {  	_ =	sfence  }
0x2e: {  	s30 =	sld [smem:$0x0];
	_ =	sdelay $0x2  }
0x2f: {  	s31 =	sshll.u32 s3, $0xD;
	s3 =	sshrl.u32 s3, $0x2  }
0x30: {  	s2 =	sand.u32 $0x4000, s31;
	s1 =	sadd.s32 s3, s30  }
0x31: {  	s0 =	sor.u32 s2, s0;
	s1 =	sshll.u32 s1, $0x11  }
0x32: {  	s0 =	sor.u32 s1, s0  }
0x33: {  	s0 =	sadd.s32 $0x8F2B, s0  }
0x34: {  	[sflag:s0] =	ssyncadd.remote.s32 $0x1  }
0x35: {  	_ =	sfence.sel $0xFFFF  }
0x36: {  	[dreg:$0x0] =	wrdreg $0xFFFFFFFF;
	(pc) =	sbr.abs _section_cstart, $3  }
0x37: {  	[dreg:$0x1] =	wrdreg $0xFFFFFFFF  }
0x38: {  	_ =	task.clear_ibuf [dreg:s6], $0x2FFFF;
	_ =	strace $0x9FFFFFFF  }
0x39: {  	(tm) =	ssettm $0x7FFFFFFF  }
tec
execute0_lowered:
.L_overlay_start_1:
0x0: {  	(tag) =	ssettag $0x1  }
0x1: {  	s0 =	srdreg.scid  }
0x2: {  	s1 =	sshll.u32 s0, $0x4  }
0x3: {  	s4 =	rddreg [dreg:$0x0];
	s0 =	stileid.u32;
	s1 =	sand.u32 $0x10, s1  }
0x4: {  	s7 =	simm.s32 $0x1;
	s8 =	simm.s32 $0x2;
	s2 =	sor.u32 s0, s1  }
0x5: {  	s9 =	simm.s32 $0x0;
	s12 =	simm.s32 $0x0;
	s2 =	sshll.u32 s2, $0x3  }
0x6: {  	s11 =	simm.s32 $0x0;
	s3 =	sadd.s32 $0x55FC00, s4;
	s6 =	ssub.s32 $0x5000, s2  }
.Ltmp0:
0x7: {  	s4 =	sadd.s32 $0x7A00, s4;
	s5 =	sand.u32 $0xF8, s6;
	(pc) =	sbr.rel .LBB1_1-.Ltmp0, $4  }
0x8: {  	s1 =	rddreg [dreg:$0x1];
	_ =	strace $0x8000004A;
	p0 =	sne.s32 s5, $0x0  }
0x9: {  	s6 =	sshrl.u32 s6, $0x8;
	s5 =	simm.s32 $0x1;
	s7 =	simm.s32 @!p0 $0x0  }
0xa: {  	s10 =	smov.u32 s2;
	[sflag:s5] =	ssyncpa.u1 $0x0;
	s6 =	sadd.s32 s7, s6  }
0xb: {  	[sflag:s8] =	ssyncpa.u1 $0x0;
	s8 =	simm.s32 $0x0;
	s7 =	sadd.s32 $0x1, s6  }
.LBB1_9:
0xc: {  	s14 =	sadd.s32 $0x100, s10  }
0xd: {  	p1 =	sgt.s32 s14, $0x4FFF  }
0xe: {  	s14 =	smov.u32 @p1 s2;
	p1 =	sne.s32 s11, s7  }
.Ltmp1:
0xf: {  	p0 =	slt.u32 s11, $0x2;
	(pc) =	sbr.rel @!p1 .LBB1_10-.Ltmp1, $4  }
0x10: {  	s13 =	simm.s32 @!p0 $0x2  }
0x11: {  	s15 =	sadd.s32 $0x1, s11;
	_ =	swait.ge @!p0 [sflag:s13], $0x4000  }
0x12: {  	s12 =	smov.u32 s10;
	s9 =	sadd.s32 $0x4000, s9;
	[sflag:s13] =	ssyncset.done @!p0 $0x0  }
0x13: {  	s11 =	smov.u32 s15;
	s10 =	smov.u32 s14;
	[sflag:s13] =	ssyncadd.s32 @!p0 $0xFFFFC000  }
.LBB1_1:
0x14: {  	p0 =	sge.u32 s11, s6  }
0x15: {  	s13 =	sxor.u32 @!p0 $0xFFFFFFFF, s11  }
0x16: {  	s31 =	sadd.s32 $0xFFFFFFFF, s11;
	s14 =	sshll.u32 @!p0 s10, $0x8;
	s13 =	sshll.u32 @!p0 s13, $0xE  }
0x17: {  	s15 =	simm.s32 @!p0 $0x0;
	s14 =	sadd.s32 @!p0 s3, s14;
	s13 =	sand.u32 @!p0 $0x4000, s13  }
0x18: {  	[tilespmem:s13], [sflag:$0x1] =	stream.linear.gather @!p0 [hbm4b:s14+s15], $0x4000, $0x38;
	[tilespmem:$0x10000] =	vst v63  }
0x19: {  	p0 =	sge.u32 s31, s6  }
.Ltmp2:
0x1a: {  	_ = 	snop;
	(pc) =	sbr.rel @p0 .LBB1_9-.Ltmp2, $1  }
0x1b: {  	_ =	sdelay $0x3  }
0x1c: {  	s13 =	sshll.u32 s9, $0x2;
	_ =	swait.ge [sflag:s5], $0x4000;
	s14 =	sshll.u32 s11, $0xE  }
0x1d: {  	s16 =	simm.s32 $0x0;
	s17 =	simm.s32 $0x0;
	s15 =	sand.u32 $0x10000, s13  }
0x1e: {  	[sflag:s5] =	ssyncset.done $0x0;
	s31 =	sand.u32 $0x4000, s14;
	s14 =	sshrl.u32 s15, $0x2  }
0x1f: {  	[sflag:s5] =	ssyncadd.s32 $0xFFFFC000;
	s13 =	sor.u32 $0x8000, s31;
	s15 =	sor.u32 $0x8000, s14  }
.LBB1_3:
0x20: {  	s18 =	sshra.s32 s16, $0x2  }
0x21: {  	v0 =	vmov s18;
	_ =	sdelay $0x3  }
0x22: {  	p1 =	por $0x1, $0x1;
	s18 =	simm.s32 $0x0  }
.LBB1_4:
0x23: {  	_ = 	snop  }
0x24: {  	s19 =	sshll.u32 s18, $0xA  }
0x25: {  	s19 =	sand.u32 $0x3FFFFC00, s19  }
0x26: {  	s19 =	sadd.s32 s19, s14  }
0x27: {  	v5 =	vld.idx.msk [tilespmem:v0+s19+$0x70 ss:$0x1], $0xffff  }
0x28: {  	v6 =	vld.idx.msk [tilespmem:v0+s19+$0x10 ss:$0x1], $0xffff  }
0x29: {  	v7 =	vld.idx.msk [tilespmem:v0+s19+$0x20 ss:$0x1], $0xffff  }
0x2a: {  	s31 =	sshll.u32 s18, $0x7;
	v1 =	vld.idx.msk [tilespmem:v0+s19+$0x30 ss:$0x1], $0xffff  }
0x2b: {  	s18 =	sand.u32 $0x3FFFFF80, s31;
	v2 =	vld.idx.msk [tilespmem:v0+s19+$0x40 ss:$0x1], $0xffff  }
0x2c: {  	s18 =	sadd.s32 s18, s15;
	v3 =	vld.idx.msk [tilespmem:v0+s19+$0x50 ss:$0x1], $0xffff  }
0x2d: {  	v4 =	vld.idx.msk [tilespmem:v0+s19+$0x60 ss:$0x1], $0xffff;
	[tilespmem:v0+s18+$0x70 ss:$0x1] =	vst.idx.msk $0xffff, v5  }
0x2e: {  	v5 =	vld.idx.msk [tilespmem:v0+s19+$0x0 ss:$0x1], $0xffff;
	[tilespmem:v0+s18+$0x10 ss:$0x1] =	vst.idx.msk $0xffff, v6;
	s19 =	sadd.s32 $0x80, s19  }
0x2f: {  	p0 =	por p1, p1;
	s20 =	simm.s32 $0x6;
	[tilespmem:v0+s18+$0x20 ss:$0x1] =	vst.idx.msk $0xffff, v7;
	v6 =	vld.idx.msk [tilespmem:v0+s19+$0x70 ss:$0x1], $0xffff  }
.LBB1_5:
0x30: {  	p1 =	sne.s32 s20, $0x1;
	v7 =	vld.idx.msk [tilespmem:v0+s19+$0x10 ss:$0x1], $0xffff;
	[tilespmem:v0+s18+$0x30 ss:$0x1] =	vst.idx.msk $0xffff, v1  }
0x31: {  	v8 =	vld.idx.msk [tilespmem:v0+s19+$0x20 ss:$0x1], $0xffff;
	[tilespmem:v0+s18+$0x40 ss:$0x1] =	vst.idx.msk $0xffff, v2  }
0x32: {  	v1 =	vld.idx.msk [tilespmem:v0+s19+$0x30 ss:$0x1], $0xffff;
	[tilespmem:v0+s18+$0x50 ss:$0x1] =	vst.idx.msk $0xffff, v3  }
.Ltmp3:
0x33: {  	v2 =	vld.idx.msk [tilespmem:v0+s19+$0x40 ss:$0x1], $0xffff;
	[tilespmem:v0+s18+$0x60 ss:$0x1] =	vst.idx.msk $0xffff, v4;
	(pc) =	sbr.rel @p1 .LBB1_5-.Ltmp3, $4  }
0x34: {  	v3 =	vld.idx.msk [tilespmem:v0+s19+$0x50 ss:$0x1], $0xffff;
	[tilespmem:v0+s18+$0x0 ss:$0x1] =	vst.idx.msk $0xffff, v5;
	s18 =	sadd.s32 $0x100, s18  }
0x35: {  	v4 =	vld.idx.msk [tilespmem:v0+s19+$0x60 ss:$0x1], $0xffff;
	[tilespmem:v0+s18+$0x70 ss:$0x1] =	vst.idx.msk $0xffff, v6  }
0x36: {  	v5 =	vld.idx.msk [tilespmem:v0+s19+$0x0 ss:$0x1], $0xffff;
	[tilespmem:v0+s18+$0x10 ss:$0x1] =	vst.idx.msk $0xffff, v7;
	s19 =	sadd.s32 $0x80, s19  }
0x37: {  	s20 =	sadd.s32 $0xFFFFFFFF, s20;
	v6 =	vld.idx.msk [tilespmem:v0+s19+$0x70 ss:$0x1], $0xffff;
	[tilespmem:v0+s18+$0x20 ss:$0x1] =	vst.idx.msk $0xffff, v8  }
0x38: {  	_ =	sdelay $0x3  }
0x39: {  	[tilespmem:v0+s18+$0x30 ss:$0x1] =	vst.idx.msk $0xffff, v1  }
0x3a: {  	v1 =	vld.idx.msk [tilespmem:v0+s19+$0x10 ss:$0x1], $0xffff;
	[tilespmem:v0+s18+$0x40 ss:$0x1] =	vst.idx.msk $0xffff, v2  }
0x3b: {  	v2 =	vld.idx.msk [tilespmem:v0+s19+$0x20 ss:$0x1], $0xffff;
	[tilespmem:v0+s18+$0x50 ss:$0x1] =	vst.idx.msk $0xffff, v3  }
0x3c: {  	v61 =	vld.idx.msk [tilespmem:v0+s19+$0x40 ss:$0x1], $0xffff;
	[tilespmem:v0+s18+$0x60 ss:$0x1] =	vst.idx.msk $0xffff, v4  }
0x3d: {  	s31 =	sadd.s32 $0x100, s18;
	v62 =	vld.idx.msk [tilespmem:v0+s19+$0x50 ss:$0x1], $0xffff;
	[tilespmem:v0+s18+$0x0 ss:$0x1] =	vst.idx.msk $0xffff, v5  }
0x3e: {  	v63 =	vld.idx.msk [tilespmem:v0+s19+$0x60 ss:$0x1], $0xffff;
	[tilespmem:v0+s31+$0x70 ss:$0x1] =	vst.idx.msk $0xffff, v6  }
0x3f: {  	v3 =	vld.idx.msk [tilespmem:v0+s19+$0x30 ss:$0x1], $0xffff;
	[tilespmem:v0+s31+$0x10 ss:$0x1] =	vst.idx.msk $0xffff, v1  }
0x40: {  	v1 =	vld.idx.msk [tilespmem:v0+s19+$0x0 ss:$0x1], $0xffff;
	[tilespmem:v0+s31+$0x20 ss:$0x1] =	vst.idx.msk $0xffff, v2  }
.Ltmp4:
0x41: {  	[tilespmem:v0+s31+$0x40 ss:$0x1] =	vst.idx.msk $0xffff, v61;
	(pc) =	sbr.rel @p0 .LBB1_4-.Ltmp4, $4  }
0x42: {  	[tilespmem:v0+s31+$0x50 ss:$0x1] =	vst.idx.msk $0xffff, v62  }
0x43: {  	[tilespmem:v0+s31+$0x60 ss:$0x1] =	vst.idx.msk $0xffff, v63  }
0x44: {  	[tilespmem:v0+s31+$0x30 ss:$0x1] =	vst.idx.msk $0xffff, v3  }
0x45: {  	p1 =	por $0x0, $0x0;
	s18 =	simm.s32 $0x1;
	[tilespmem:v0+s31+$0x0 ss:$0x1] =	vst.idx.msk $0xffff, v1  }
0x46: {  	s17 =	sadd.s32 $0x1, s17  }
0x47: {  	p0 =	sne.s32 s17, $0x8  }
.Ltmp5:
0x48: {  	_ = 	snop;
	(pc) =	sbr.rel @p0 .LBB1_3-.Ltmp5, $2  }
0x49: {  	_ =	sdelay $0x2  }
0x4a: {  	s16 =	sadd.s32 $0x2000, s16  }
.Ltmp6:
0x4b: {  	(pc) =	sbr.rel .LBB1_9-.Ltmp6, $4  }
0x4c: {  	_ = 	snop  }
0x4d: {  	s12 =	sshll.u32 s12, $0x8  }
0x4e: {  	s12 =	sadd.s32 s4, s12  }
0x4f: {  	[hbm4b:s12+s8] =	stream.linear.scatter [tilespmem:s13], [sflag:$0x2], $0x4000, $0x38;
	[tilespmem:$0x10000] =	vst v63  }
.LBB1_10:
0x50: {  	_ =	sfence.sel $0x180000  }
0x51: {  	s2 =	simm.s32 $0x1;
	[bflag:$0x0] =	sbarrier.arrive $0xFFFF  }
0x52: {  	s31 =	simm.s32 $0x2;
	[sflag:s2] =	ssyncpa.u1 $0x1  }
0x53: {  	[sflag:s31] =	ssyncpa.u1 $0x1  }
0x54: {  	p0 =	sne.s32 s0, $0x0;
	_ =	strace $0x9000004A  }
0x55: {  	s0 =	sadd.s32 @!p0 $0x100000, s1;
	[bflag:$0x2] =	sbarrier.arrive $0xFFFF  }
0x56: {  	[sflag:s0] =	ssyncadd.tile.s32 @!p0 $0x1;
	_ =	shalt  }
.Lfunc_end1:
_tile_overlayer_lowered:
.L_overlay_start_2:
0x57: {  	(tag) =	ssettag $0x2  }
0x58: {  	s0 =	rddreg [dreg:$0x0];
	s2 =	stileid.u32  }
0x59: {  	s1 =	rddreg [dreg:$0x1];
	p0 =	sne.s32 s2, $0x0  }
0x5a: {  	s3 =	rddreg [dreg:$0x2];
	[bflag:$0x3] =	sbarrier.arrive $0xFFFF;
	s2 =	simm.s32 @!p0 $0x1C01  }
0x5b: {  	[timem:s3], [sflag:s2] =	dma.local @!p0 [hbm:s0], s1  }
0x5c: {  	s0 =	simm.s32 @!p0 $0x1  }
0x5d: {  	_ =	swait.ge @!p0 [sflag:s0], s1  }
0x5e: {  	s1 =	ssub.s32 @!p0 $0x0, s1;
	[sflag:s0] =	ssyncset.done @!p0 $0x0  }
0x5f: {  	[sflag:s0] =	ssyncadd.s32 @!p0 s1  }
0x60: {  	[bflag:$0x3] =	sbarrier.arrive $0xFFFF  }
0x61: {  	_ =	shalt  }

</sc_bundles>
